<compile_context>
chip_gen: v7x
topology: tpu7x:2x2x1
jax: 0.10.2.dev20260603
libtpu: 0.0.44.dev20260713+nightly
codegen_flags: <defaults>
</compile_context>

<pallas_src>
import functools

import jax
import jax.numpy as jnp
from jax import lax
from jax.experimental import pallas as pl
from jax.experimental.pallas import tpu as pltpu
from jax.experimental.pallas import tpu_sc as plsc

N_NODES = 10000
N_EDGES = 320000
D_IN = 128
D_HID = 128
D_OUT = 16

NC = 2
NS = 16
CH = 128
NB = 80
E_PAD = NC * NS * NB * CH
NBF = NB * NC
N_ACC = 10496
RPT = N_ACC // NS
BR = 400
NBLK = N_NODES // BR

_MESH = plsc.VectorSubcoreMesh(core_axis_name="c", subcore_axis_name="s")



@functools.partial(
    pl.kernel,
    out_type=jax.ShapeDtypeStruct((NC, N_ACC, 16), jnp.float32),
    mesh=_MESH,
    scratch_types=[
        pltpu.VMEM((NB, CH), jnp.int32),
        pltpu.VMEM((CH, 16), jnp.float32),
        pltpu.VMEM_SHARED((N_ACC, 16), jnp.float32),
        pltpu.SemaphoreType.DMA,
    ],
)
def _sc_degree(col_hbm, z_hbm, out_hbm, col_v, ones_v, acc_sp, sem):
    c = lax.axis_index("c")
    s = lax.axis_index("s")
    pltpu.sync_copy(z_hbm, acc_sp.at[pl.ds(pl.multiple_of(s * RPT, 8), RPT)])
    pltpu.sync_copy(col_hbm.at[c, s], col_v)

    def fill(i, carry):
        ones_v[i, :] = jnp.ones((16,), jnp.float32)
        return carry

    lax.fori_loop(0, CH, fill, 0)
    plsc.subcore_barrier()

    def body(j, carry):
        pltpu.async_copy(ones_v, acc_sp.at[col_v.at[j]], sem, add=True)
        return carry

    lax.fori_loop(0, NB, body, 0)

    def drain(j, carry):
        pltpu.make_async_copy(ones_v, acc_sp.at[col_v.at[j]], sem).wait()
        return carry

    lax.fori_loop(0, NB, drain, 0)
    plsc.subcore_barrier()
    pltpu.sync_copy(acc_sp.at[pl.ds(pl.multiple_of(s * RPT, 8), RPT)], out_hbm.at[c, pl.ds(pl.multiple_of(s * RPT, 8), RPT)])



def _make_sc_scatter_sp(w, grp, edge_split=False):
    nch = NB if edge_split else NBF
    ng = nch // grp
    nst = N_NODES // NS

    @functools.partial(
        pl.kernel,
        out_type=jax.ShapeDtypeStruct((NC, N_ACC, w), jnp.float32),
        mesh=_MESH,
        compiler_params=pltpu.CompilerParams(use_tc_tiling_on_sc=False),
        scratch_types=[
            pltpu.VMEM((2 * grp, CH), jnp.int32),
            pltpu.VMEM((2 * grp, CH), jnp.int32),
            pltpu.VMEM((2 * grp, CH, w), jnp.float32),
            pltpu.VMEM_SHARED((N_NODES, w), jnp.float32),
            pltpu.VMEM_SHARED((N_ACC, w), jnp.float32),
            pltpu.SemaphoreType.DMA,
            pltpu.SemaphoreType.DMA,
            pltpu.SemaphoreType.DMA,
        ],
    )
    def scat(table_hbm, row_hbm, col_hbm, z_hbm, out_hbm,
             row_v, col_v, msg_v, tbl_sp, acc_sp, gsem, ssem, isem):
        c = lax.axis_index("c")
        s = lax.axis_index("s")

        def row_src(g0):
            if edge_split:
                return row_hbm.at[c, s, pl.ds(g0, grp)]
            return row_hbm.at[s, pl.ds(g0, grp)]

        def col_src(g0):
            if edge_split:
                return col_hbm.at[c, s, pl.ds(g0, grp)]
            return col_hbm.at[s, pl.ds(g0, grp)]

        pltpu.sync_copy(z_hbm, acc_sp.at[pl.ds(pl.multiple_of(s * RPT, 8), RPT)])
        if edge_split:
            pltpu.sync_copy(table_hbm.at[pl.ds(s * nst, nst)], tbl_sp.at[pl.ds(s * nst, nst)])
        else:
            pltpu.sync_copy(table_hbm.at[c, pl.ds(s * nst, nst)], tbl_sp.at[pl.ds(s * nst, nst)])
        pltpu.async_copy(row_src(0), row_v.at[pl.ds(0, grp)], isem)
        pltpu.async_copy(col_src(0), col_v.at[pl.ds(0, grp)], isem)
        plsc.subcore_barrier()

        def body(g, carry):
            bs = lax.rem(g, 2) * grp
            pltpu.make_async_copy(row_src(0), row_v.at[pl.ds(0, grp)], isem).wait()
            pltpu.make_async_copy(col_src(0), col_v.at[pl.ds(0, grp)], isem).wait()

            gd = [
                pltpu.async_copy(tbl_sp.at[row_v.at[bs + k]], msg_v.at[bs + k], gsem)
                for k in range(grp)
            ]

            @pl.when(g >= 1)
            def _():
                for k in range(grp):
                    pltpu.make_async_copy(
                        msg_v.at[bs + k], acc_sp.at[col_v.at[bs + k]], ssem).wait()

            for k in range(grp):
                gd[k].wait()
                pltpu.async_copy(
                    msg_v.at[bs + k], acc_sp.at[col_v.at[bs + k]], ssem, add=True)

            @pl.when(g + 1 < ng)
            def _():
                nb = (1 - lax.rem(g, 2)) * grp
                nxt = (g + 1) * grp
                pltpu.async_copy(row_src(nxt), row_v.at[pl.ds(nb, grp)], isem)
                pltpu.async_copy(col_src(nxt), col_v.at[pl.ds(nb, grp)], isem)
            return carry

        lax.fori_loop(0, ng, body, 0)
        for k in range(grp):
            pltpu.make_async_copy(msg_v.at[0], acc_sp.at[col_v.at[0]], ssem).wait()
        plsc.subcore_barrier()
        pltpu.sync_copy(acc_sp.at[pl.ds(pl.multiple_of(s * RPT, 8), RPT)], out_hbm.at[c, pl.ds(pl.multiple_of(s * RPT, 8), RPT)])

    return scat


_sc_scatter_sp64 = _make_sc_scatter_sp(D_HID // 2, 2)
_sc_scatter_sp16 = _make_sc_scatter_sp(D_OUT, 8, edge_split=True)


def _tc_scale1(x, w1, deg2):
    def body(x_ref, w_ref, dega_ref, degb_ref, h_out, dinv_ref, tab_ref):
        deg = dega_ref[0, :, :1] + degb_ref[0, :, :1] + 1.0
        dinv = lax.rsqrt(deg)
        h = jnp.dot(x_ref[...], w_ref[...], preferred_element_type=jnp.float32)
        hs = h * dinv
        h_out[...] = hs
        dinv_ref[...] = jnp.broadcast_to(dinv, (BR, 16))
        tab_ref[0] = hs[:, : D_HID // 2]
        tab_ref[1] = hs[:, D_HID // 2 :]

    return pl.pallas_call(
        body,
        grid=(NBLK,),
        in_specs=[
            pl.BlockSpec((BR, D_IN), lambda i: (i, 0)),
            pl.BlockSpec((D_IN, D_HID), lambda i: (0, 0)),
            pl.BlockSpec((1, BR, 16), lambda i: (0, i, 0)),
            pl.BlockSpec((1, BR, 16), lambda i: (1, i, 0)),
        ],
        out_specs=[
            pl.BlockSpec((BR, D_HID), lambda i: (i, 0)),
            pl.BlockSpec((BR, 16), lambda i: (i, 0)),
            pl.BlockSpec((NC, BR, D_HID // 2), lambda i: (0, i, 0)),
        ],
        out_shape=[
            jax.ShapeDtypeStruct((N_NODES, D_HID), jnp.float32),
            jax.ShapeDtypeStruct((N_NODES, 16), jnp.float32),
            jax.ShapeDtypeStruct((NC, N_NODES, D_HID // 2), jnp.float32),
        ],
    )(x, w1, deg2, deg2)


def _tc_layer2(agg1, h1s, dinv16, b1, w2):
    aw = agg1.shape[-1]

    def body(agg_ref, h1_ref, dinv_ref, b1_ref, w2_ref, out_ref):
        dinv = dinv_ref[:, :1]
        if aw == D_HID:
            pres = agg_ref[0] + agg_ref[1] + h1_ref[...]
        else:
            pres = jnp.concatenate([agg_ref[0], agg_ref[1]], axis=-1) + h1_ref[...]
        h = jnp.maximum(pres * dinv + b1_ref[...], 0.0)
        out_ref[...] = jnp.dot(h, w2_ref[...], preferred_element_type=jnp.float32) * dinv

    return pl.pallas_call(
        body,
        grid=(NBLK,),
        in_specs=[
            pl.BlockSpec((NC, BR, aw), lambda i: (0, i, 0)),
            pl.BlockSpec((BR, D_HID), lambda i: (i, 0)),
            pl.BlockSpec((BR, 16), lambda i: (i, 0)),
            pl.BlockSpec((1, D_HID), lambda i: (0, 0)),
            pl.BlockSpec((D_HID, D_OUT), lambda i: (0, 0)),
        ],
        out_specs=pl.BlockSpec((BR, D_OUT), lambda i: (i, 0)),
        out_shape=jax.ShapeDtypeStruct((N_NODES, D_OUT), jnp.float32),
    )(agg1, h1s, dinv16, b1.reshape(1, D_HID), w2)


def _tc_final(agg2, h2s, dinv16, b2):
    def body(agg_ref, h2_ref, dinv_ref, b2_ref, out_ref):
        pres = agg_ref[0] + agg_ref[1] + h2_ref[...]
        out_ref[...] = pres * dinv_ref[:, :1] + b2_ref[...]

    return pl.pallas_call(
        body,
        grid=(NBLK,),
        in_specs=[
            pl.BlockSpec((NC, BR, D_OUT), lambda i: (0, i, 0)),
            pl.BlockSpec((BR, D_OUT), lambda i: (i, 0)),
            pl.BlockSpec((BR, 16), lambda i: (i, 0)),
            pl.BlockSpec((1, D_OUT), lambda i: (0, 0)),
        ],
        out_specs=pl.BlockSpec((BR, D_OUT), lambda i: (i, 0)),
        out_shape=jax.ShapeDtypeStruct((N_NODES, D_OUT), jnp.float32),
    )(agg2, h2s, dinv16, b2.reshape(1, D_OUT))


def kernel(x, edge_index, W1, b1, W2, b2):
    row = edge_index[0].astype(jnp.int32)
    col = edge_index[1].astype(jnp.int32)
    npad = E_PAD - N_EDGES
    row_p = jnp.concatenate([row, jnp.zeros((npad,), jnp.int32)])
    col_p = jnp.concatenate([col, jnp.full((npad,), N_NODES, jnp.int32)])
    row_r = row_p
    col_r = col_p
    row_fs = row_p.reshape(NS, NBF, CH)
    col_fs = col_p.reshape(NS, NBF, CH)
    row_r = row_r.reshape(NC, NS, NB, CH)
    col_r = col_r.reshape(NC, NS, NB, CH)

    z16 = jnp.zeros((RPT, 16), jnp.float32)

    deg2 = _sc_degree(col_r, z16)
    h1s, dinv16, tab2 = _tc_scale1(x, W1, deg2)
    z64 = jnp.zeros((RPT, D_HID // 2), jnp.float32)
    agg1 = _sc_scatter_sp64(tab2, row_fs, col_fs, z64)
    h2s = _tc_layer2(agg1, h1s, dinv16, b1, W2)
    agg2 = _sc_scatter_sp16(h2s, row_r, col_r, z16)
    return _tc_final(agg2, h2s, dinv16, b2)

# --- scband reference (transcript-rebuilt; emitter-appended) ---
"""Pipeline reference for scband-gcn-10282151706868 (READ-ONLY COPY).

The authoritative reference and input builder live on the scoring server;
editing this copy changes nothing except your own understanding.
"""

import jax, jax.numpy as jnp
import numpy as np

N_NODES = 10000
N_EDGES = 320000
D_IN = 128
D_HID = 128
D_OUT = 16

def setup_inputs(seed: int = 0) -> dict:
    key = jax.random.key(seed)
    k1, k2, k3, k4 = jax.random.split(key, 4)
    x = jax.random.normal(k1, (N_NODES, D_IN), dtype=jnp.float32)
    edge_index = jax.random.randint(k2, (2, N_EDGES), 0, N_NODES, dtype=jnp.int64)
    # glorot-initialized GCNConv weights + zero biases (PyG default)
    s1 = float(np.sqrt(6.0 / (D_IN + D_HID)))
    W1 = jax.random.uniform(k3, (D_IN, D_HID), minval=-s1, maxval=s1, dtype=jnp.float32)
    b1 = jnp.zeros((D_HID,), dtype=jnp.float32)
    s2 = float(np.sqrt(6.0 / (D_HID + D_OUT)))
    W2 = jax.random.uniform(k4, (D_HID, D_OUT), minval=-s2, maxval=s2, dtype=jnp.float32)
    b2 = jnp.zeros((D_OUT,), dtype=jnp.float32)
    return {"x": x, "edge_index": edge_index, "W1": W1, "b1": b1, "W2": W2, "b2": b2}

def _gcn_conv(x, edge_index, W, b):
    n = x.shape[0]
    # add self-loops (PyG GCNConv default: add_self_loops=True, normalize=True)
    loop = jnp.arange(n, dtype=edge_index.dtype)
    row = jnp.concatenate([edge_index[0], loop])
    col = jnp.concatenate([edge_index[1], loop])
    # symmetric normalization: D^{-1/2} (A + I) D^{-1/2}
    ones = jnp.ones(row.shape[0], dtype=x.dtype)
    deg = jnp.zeros((n,), dtype=x.dtype).at[col].add(ones)
    dinv = jnp.where(deg > 0, jax.lax.rsqrt(deg), 0.0)
    norm = dinv[row] * dinv[col]
    h = x @ W
    msg = h[row] * norm[:, None]
    out = jnp.zeros((n, h.shape[1]), dtype=x.dtype).at[col].add(msg)
    return out + b

def reference(x, edge_index, W1, b1, W2, b2):
    # eval mode: dropout(p=0.5, training=False) is identity
    h = _gcn_conv(x, edge_index, W1, b1)
    h = jax.nn.relu(h)
    out = _gcn_conv(h, edge_index, W2, b2)
    return out

if __name__ == "__main__":
    import jax
    _d = setup_inputs()
    print(jax.jit(kernel)(*tuple(_d.values())))

</pallas_src>

<mosaic_0001>
#map = affine_map<(d0, d1) -> (0, 0)>
#map1 = affine_map<(d0, d1) -> (0, 0, 0, 0)>
#map2 = affine_map<(d0, d1) -> (0, 0, 0)>
module attributes {stable_mosaic.version = 14 : i64} {
  func.func @scat(%arg0: i32, %arg1: i32, %arg2: memref<10000x16xf32, #tpu.memory_space<hbm>>, %arg3: memref<2x16x80x128xi32, #tpu.memory_space<hbm>>, %arg4: memref<2x16x80x128xi32, #tpu.memory_space<hbm>>, %arg5: memref<656x16xf32, #tpu.memory_space<hbm>>, %arg6: memref<2x10496x16xf32, #tpu.memory_space<hbm>>, %arg7: memref<16x128xi32, #tpu.memory_space<vmem>>, %arg8: memref<16x128xi32, #tpu.memory_space<vmem>>, %arg9: memref<16x128x16xf32, #tpu.memory_space<vmem>>, %arg10: memref<10000x16xf32, #tpu.memory_space<vmem_shared>>, %arg11: memref<10496x16xf32, #tpu.memory_space<vmem_shared>>, %arg12: memref<!tpu.dma_semaphore, #tpu.memory_space<semaphore_mem>>, %arg13: memref<!tpu.dma_semaphore, #tpu.memory_space<semaphore_mem>>, %arg14: memref<!tpu.dma_semaphore, #tpu.memory_space<semaphore_mem>>) attributes {dimension_semantics = [#tpu.dimension_semantics<core_parallel>, #tpu.dimension_semantics<subcore_parallel>], iteration_bounds = array<i64: 2, 16>, scalar_prefetch = 0 : i64, scratch_operands = 8 : i64, tpu.core_type = #tpu.core_type<sc_vector_subcore>, window_params = [{transform_indices = #map}, {transform_indices = #map1}, {transform_indices = #map1}, {transform_indices = #map}, {transform_indices = #map2}]} {
    %mul3A = arith.constant 656 : i32
    %mul3A_0 = arith.muli %arg1, %mul3A : i32
    %multiple_of3A = tpu.assume_multiple %mul3A_0, 8 : i32
    "tpu.region"() ({
      %run_scoped3A = tpu.sem_alloc : memref<!tpu.dma_semaphore, #tpu.memory_space<semaphore_mem>>
      %dma_start3A_139 = arith.constant 0 : i32
      %dma_start3A_140 = tpu.memref_slice %arg11[%multiple_of3A, %dma_start3A_139] : memref<10496x16xf32, #tpu.memory_space<vmem_shared>> -> memref<656x16xf32, #tpu.memory_space<vmem_shared>>
      tpu.enqueue_dma source(%arg5 : memref<656x16xf32, #tpu.memory_space<hbm>>) target(%dma_start3A_140 : memref<656x16xf32, #tpu.memory_space<vmem_shared>>) target_semaphore(%run_scoped3A : memref<!tpu.dma_semaphore, #tpu.memory_space<semaphore_mem>>)
      %dma_wait3A_141 = arith.constant 0 : i32
      %dma_wait3A_142 = tpu.memref_slice %arg11[%multiple_of3A, %dma_wait3A_141] : memref<10496x16xf32, #tpu.memory_space<vmem_shared>> -> memref<656x16xf32, #tpu.memory_space<vmem_shared>>
      tpu.wait_dma2 semaphore(%run_scoped3A : memref<!tpu.dma_semaphore, #tpu.memory_space<semaphore_mem>>) src(%arg5 : memref<656x16xf32, #tpu.memory_space<hbm>>) dst(%dma_wait3A_142 : memref<656x16xf32, #tpu.memory_space<vmem_shared>>)
      tpu.yield
    }) : () -> ()
    %mul3A_1 = arith.constant 625 : i32
    %mul3A_2 = arith.muli %arg1, %mul3A_1 : i32
    %mul3A_3 = arith.constant 625 : i32
    %mul3A_4 = arith.muli %arg1, %mul3A_3 : i32
    "tpu.region"() ({
      %run_scoped3A = tpu.sem_alloc : memref<!tpu.dma_semaphore, #tpu.memory_space<semaphore_mem>>
      %dma_start3A_139 = arith.constant 0 : i32
      %dma_start3A_140 = tpu.memref_slice %arg10[%mul3A_4, %dma_start3A_139] : memref<10000x16xf32, #tpu.memory_space<vmem_shared>> -> memref<625x16xf32, #tpu.memory_space<vmem_shared>>
      %dma_start3A_141 = arith.constant 0 : i32
      %dma_start3A_142 = tpu.memref_slice %arg2[%mul3A_2, %dma_start3A_141] : memref<10000x16xf32, #tpu.memory_space<hbm>> -> memref<625x16xf32, #tpu.memory_space<hbm>>
      tpu.enqueue_dma source(%dma_start3A_142 : memref<625x16xf32, #tpu.memory_space<hbm>>) target(%dma_start3A_140 : memref<625x16xf32, #tpu.memory_space<vmem_shared>>) target_semaphore(%run_scoped3A : memref<!tpu.dma_semaphore, #tpu.memory_space<semaphore_mem>>)
      %dma_wait3A_143 = arith.constant 0 : i32
      %dma_wait3A_144 = tpu.memref_slice %arg10[%mul3A_4, %dma_wait3A_143] : memref<10000x16xf32, #tpu.memory_space<vmem_shared>> -> memref<625x16xf32, #tpu.memory_space<vmem_shared>>
      %dma_wait3A_145 = arith.constant 0 : i32
      %dma_wait3A_146 = tpu.memref_slice %arg2[%mul3A_2, %dma_wait3A_145] : memref<10000x16xf32, #tpu.memory_space<hbm>> -> memref<625x16xf32, #tpu.memory_space<hbm>>
      tpu.wait_dma2 semaphore(%run_scoped3A : memref<!tpu.dma_semaphore, #tpu.memory_space<semaphore_mem>>) src(%dma_wait3A_146 : memref<625x16xf32, #tpu.memory_space<hbm>>) dst(%dma_wait3A_144 : memref<625x16xf32, #tpu.memory_space<vmem_shared>>)
      tpu.yield
    }) : () -> ()
    %dma_start3A = arith.constant 0 : i32
    %dma_start3A_5 = arith.constant 0 : i32
    %dma_start3A_6 = tpu.memref_slice %arg7[%dma_start3A, %dma_start3A_5] : memref<16x128xi32, #tpu.memory_space<vmem>> -> memref<8x128xi32, #tpu.memory_space<vmem>>
    %dma_start3A_7 = arith.constant 0 : i32
    %dma_start3A_8 = arith.constant 0 : i32
    %dma_start3A_9 = tpu.memref_slice %arg3[%arg0, %arg1, %dma_start3A_7, %dma_start3A_8] : memref<2x16x80x128xi32, #tpu.memory_space<hbm>> -> memref<1x1x8x128xi32, #tpu.memory_space<hbm>>
    %dma_start3A_10 = tpu.memref_squeeze %dma_start3A_9 : memref<1x1x8x128xi32, #tpu.memory_space<hbm>> -> memref<8x128xi32, #tpu.memory_space<hbm>>
    %dma_start3A_11 = arith.constant 0 : i32
    %dma_start3A_12 = arith.constant 0 : i32
    %dma_start3A_13 = tpu.memref_slice %arg7[%dma_start3A_11, %dma_start3A_12] : memref<16x128xi32, #tpu.memory_space<vmem>> -> memref<8x128xi32, #tpu.memory_space<vmem>>
    %dma_start3A_14 = arith.constant 0 : i32
    %dma_start3A_15 = arith.constant 0 : i32
    %dma_start3A_16 = tpu.memref_slice %arg3[%arg0, %arg1, %dma_start3A_14, %dma_start3A_15] : memref<2x16x80x128xi32, #tpu.memory_space<hbm>> -> memref<1x1x8x128xi32, #tpu.memory_space<hbm>>
    %dma_start3A_17 = tpu.memref_squeeze %dma_start3A_16 : memref<1x1x8x128xi32, #tpu.memory_space<hbm>> -> memref<8x128xi32, #tpu.memory_space<hbm>>
    tpu.enqueue_dma source(%dma_start3A_17 : memref<8x128xi32, #tpu.memory_space<hbm>>) target(%dma_start3A_13 : memref<8x128xi32, #tpu.memory_space<vmem>>) target_semaphore(%arg14 : memref<!tpu.dma_semaphore, #tpu.memory_space<semaphore_mem>>)
    %dma_start3A_18 = arith.constant 0 : i32
    %dma_start3A_19 = arith.constant 0 : i32
    %dma_start3A_20 = tpu.memref_slice %arg8[%dma_start3A_18, %dma_start3A_19] : memref<16x128xi32, #tpu.memory_space<vmem>> -> memref<8x128xi32, #tpu.memory_space<vmem>>
    %dma_start3A_21 = arith.constant 0 : i32
    %dma_start3A_22 = arith.constant 0 : i32
    %dma_start3A_23 = tpu.memref_slice %arg4[%arg0, %arg1, %dma_start3A_21, %dma_start3A_22] : memref<2x16x80x128xi32, #tpu.memory_space<hbm>> -> memref<1x1x8x128xi32, #tpu.memory_space<hbm>>
    %dma_start3A_24 = tpu.memref_squeeze %dma_start3A_23 : memref<1x1x8x128xi32, #tpu.memory_space<hbm>> -> memref<8x128xi32, #tpu.memory_space<hbm>>
    %dma_start3A_25 = arith.constant 0 : i32
    %dma_start3A_26 = arith.constant 0 : i32
    %dma_start3A_27 = tpu.memref_slice %arg8[%dma_start3A_25, %dma_start3A_26] : memref<16x128xi32, #tpu.memory_space<vmem>> -> memref<8x128xi32, #tpu.memory_space<vmem>>
    %dma_start3A_28 = arith.constant 0 : i32
    %dma_start3A_29 = arith.constant 0 : i32
    %dma_start3A_30 = tpu.memref_slice %arg4[%arg0, %arg1, %dma_start3A_28, %dma_start3A_29] : memref<2x16x80x128xi32, #tpu.memory_space<hbm>> -> memref<1x1x8x128xi32, #tpu.memory_space<hbm>>
    %dma_start3A_31 = tpu.memref_squeeze %dma_start3A_30 : memref<1x1x8x128xi32, #tpu.memory_space<hbm>> -> memref<8x128xi32, #tpu.memory_space<hbm>>
    tpu.enqueue_dma source(%dma_start3A_31 : memref<8x128xi32, #tpu.memory_space<hbm>>) target(%dma_start3A_27 : memref<8x128xi32, #tpu.memory_space<vmem>>) target_semaphore(%arg14 : memref<!tpu.dma_semaphore, #tpu.memory_space<semaphore_mem>>)
    %barrier3A = arith.constant 0 : index
    tpu.barrier barrier_id(%barrier3A)
    %scan3A = arith.constant 0 : i32
    %scan3A_32 = arith.constant 0 : i32
    %scan3A_33 = arith.constant 10 : i32
    %scan3A_34 = arith.addi %scan3A_32, %scan3A_33 : i32
    %scan3A_35 = arith.constant 1 : i32
    scf.for %scan3A_139 = %scan3A_32 to %scan3A_34 step %scan3A_35  : i32 {
      %rem3A = arith.constant 2 : i32
      %rem3A_140 = arith.remsi %scan3A_139, %rem3A : i32
      %mul3A_141 = arith.constant 8 : i32
      %mul3A_142 = arith.muli %rem3A_140, %mul3A_141 : i32
      %dma_wait3A_143 = arith.constant 0 : i32
      %dma_wait3A_144 = arith.constant 0 : i32
      %dma_wait3A_145 = tpu.memref_slice %arg7[%dma_wait3A_143, %dma_wait3A_144] : memref<16x128xi32, #tpu.memory_space<vmem>> -> memref<8x128xi32, #tpu.memory_space<vmem>>
      %dma_wait3A_146 = arith.constant 0 : i32
      %dma_wait3A_147 = arith.constant 0 : i32
      %dma_wait3A_148 = tpu.memref_slice %arg3[%arg0, %arg1, %dma_wait3A_146, %dma_wait3A_147] : memref<2x16x80x128xi32, #tpu.memory_space<hbm>> -> memref<1x1x8x128xi32, #tpu.memory_space<hbm>>
      %dma_wait3A_149 = tpu.memref_squeeze %dma_wait3A_148 : memref<1x1x8x128xi32, #tpu.memory_space<hbm>> -> memref<8x128xi32, #tpu.memory_space<hbm>>
      %dma_wait3A_150 = arith.constant 0 : i32
      %dma_wait3A_151 = arith.constant 0 : i32
      %dma_wait3A_152 = tpu.memref_slice %arg7[%dma_wait3A_150, %dma_wait3A_151] : memref<16x128xi32, #tpu.memory_space<vmem>> -> memref<8x128xi32, #tpu.memory_space<vmem>>
      %dma_wait3A_153 = arith.constant 0 : i32
      %dma_wait3A_154 = arith.constant 0 : i32
      %dma_wait3A_155 = tpu.memref_slice %arg3[%arg0, %arg1, %dma_wait3A_153, %dma_wait3A_154] : memref<2x16x80x128xi32, #tpu.memory_space<hbm>> -> memref<1x1x8x128xi32, #tpu.memory_space<hbm>>
      %dma_wait3A_156 = tpu.memref_squeeze %dma_wait3A_155 : memref<1x1x8x128xi32, #tpu.memory_space<hbm>> -> memref<8x128xi32, #tpu.memory_space<hbm>>
      tpu.wait_dma2 semaphore(%arg14 : memref<!tpu.dma_semaphore, #tpu.memory_space<semaphore_mem>>) src(%dma_wait3A_156 : memref<8x128xi32, #tpu.memory_space<hbm>>) dst(%dma_wait3A_152 : memref<8x128xi32, #tpu.memory_space<vmem>>)
      %dma_wait3A_157 = arith.constant 0 : i32
      %dma_wait3A_158 = arith.constant 0 : i32
      %dma_wait3A_159 = tpu.memref_slice %arg8[%dma_wait3A_157, %dma_wait3A_158] : memref<16x128xi32, #tpu.memory_space<vmem>> -> memref<8x128xi32, #tpu.memory_space<vmem>>
      %dma_wait3A_160 = arith.constant 0 : i32
      %dma_wait3A_161 = arith.constant 0 : i32
      %dma_wait3A_162 = tpu.memref_slice %arg4[%arg0, %arg1, %dma_wait3A_160, %dma_wait3A_161] : memref<2x16x80x128xi32, #tpu.memory_space<hbm>> -> memref<1x1x8x128xi32, #tpu.memory_space<hbm>>
      %dma_wait3A_163 = tpu.memref_squeeze %dma_wait3A_162 : memref<1x1x8x128xi32, #tpu.memory_space<hbm>> -> memref<8x128xi32, #tpu.memory_space<hbm>>
      %dma_wait3A_164 = arith.constant 0 : i32
      %dma_wait3A_165 = arith.constant 0 : i32
      %dma_wait3A_166 = tpu.memref_slice %arg8[%dma_wait3A_164, %dma_wait3A_165] : memref<16x128xi32, #tpu.memory_space<vmem>> -> memref<8x128xi32, #tpu.memory_space<vmem>>
      %dma_wait3A_167 = arith.constant 0 : i32
      %dma_wait3A_168 = arith.constant 0 : i32
      %dma_wait3A_169 = tpu.memref_slice %arg4[%arg0, %arg1, %dma_wait3A_167, %dma_wait3A_168] : memref<2x16x80x128xi32, #tpu.memory_space<hbm>> -> memref<1x1x8x128xi32, #tpu.memory_space<hbm>>
      %dma_wait3A_170 = tpu.memref_squeeze %dma_wait3A_169 : memref<1x1x8x128xi32, #tpu.memory_space<hbm>> -> memref<8x128xi32, #tpu.memory_space<hbm>>
      tpu.wait_dma2 semaphore(%arg14 : memref<!tpu.dma_semaphore, #tpu.memory_space<semaphore_mem>>) src(%dma_wait3A_170 : memref<8x128xi32, #tpu.memory_space<hbm>>) dst(%dma_wait3A_166 : memref<8x128xi32, #tpu.memory_space<vmem>>)
      %add3A = arith.constant 0 : i32
      %add3A_171 = arith.addi %mul3A_142, %add3A : i32
      %add3A_172 = arith.constant 0 : i32
      %add3A_173 = arith.addi %mul3A_142, %add3A_172 : i32
      %dma_start3A_174 = arith.constant 0 : i32
      %dma_start3A_175 = arith.constant 0 : i32
      %dma_start3A_176 = tpu.memref_slice %arg9[%add3A_173, %dma_start3A_174, %dma_start3A_175] : memref<16x128x16xf32, #tpu.memory_space<vmem>> -> memref<1x128x16xf32, #tpu.memory_space<vmem>>
      %dma_start3A_177 = tpu.memref_squeeze %dma_start3A_176 : memref<1x128x16xf32, #tpu.memory_space<vmem>> -> memref<128x16xf32, #tpu.memory_space<vmem>>
      %dma_start3A_178 = arith.constant 0 : i32
      %dma_start3A_179 = tpu.memref_slice %arg7[%add3A_171, %dma_start3A_178] : memref<16x128xi32, #tpu.memory_space<vmem>> -> memref<1x128xi32, #tpu.memory_space<vmem>>
      %dma_start3A_180 = tpu.memref_squeeze %dma_start3A_179 : memref<1x128xi32, #tpu.memory_space<vmem>> -> memref<128xi32, #tpu.memory_space<vmem>>
      %dma_start3A_181 = arith.constant 0 : i32
      %dma_start3A_182 = arith.constant 0 : i32
      %dma_start3A_183 = tpu.memref_slice %arg10[%dma_start3A_181, %dma_start3A_182] : memref<10000x16xf32, #tpu.memory_space<vmem_shared>> -> memref<10000x16xf32, #tpu.memory_space<vmem_shared>>
      tpu.enqueue_indirect_dma source(%dma_start3A_183 : memref<10000x16xf32, #tpu.memory_space<vmem_shared>>) target(%dma_start3A_177 : memref<128x16xf32, #tpu.memory_space<vmem>>) offsets(%dma_start3A_180 : memref<128xi32, #tpu.memory_space<vmem>>) semaphore(%arg12 : memref<!tpu.dma_semaphore, #tpu.memory_space<semaphore_mem>>)
      %add3A_184 = arith.constant 1 : i32
      %add3A_185 = arith.addi %mul3A_142, %add3A_184 : i32
      %add3A_186 = arith.constant 1 : i32
      %add3A_187 = arith.addi %mul3A_142, %add3A_186 : i32
      %dma_start3A_188 = arith.constant 0 : i32
      %dma_start3A_189 = arith.constant 0 : i32
      %dma_start3A_190 = tpu.memref_slice %arg9[%add3A_187, %dma_start3A_188, %dma_start3A_189] : memref<16x128x16xf32, #tpu.memory_space<vmem>> -> memref<1x128x16xf32, #tpu.memory_space<vmem>>
      %dma_start3A_191 = tpu.memref_squeeze %dma_start3A_190 : memref<1x128x16xf32, #tpu.memory_space<vmem>> -> memref<128x16xf32, #tpu.memory_space<vmem>>
      %dma_start3A_192 = arith.constant 0 : i32
      %dma_start3A_193 = tpu.memref_slice %arg7[%add3A_185, %dma_start3A_192] : memref<16x128xi32, #tpu.memory_space<vmem>> -> memref<1x128xi32, #tpu.memory_space<vmem>>
      %dma_start3A_194 = tpu.memref_squeeze %dma_start3A_193 : memref<1x128xi32, #tpu.memory_space<vmem>> -> memref<128xi32, #tpu.memory_space<vmem>>
      %dma_start3A_195 = arith.constant 0 : i32
      %dma_start3A_196 = arith.constant 0 : i32
      %dma_start3A_197 = tpu.memref_slice %arg10[%dma_start3A_195, %dma_start3A_196] : memref<10000x16xf32, #tpu.memory_space<vmem_shared>> -> memref<10000x16xf32, #tpu.memory_space<vmem_shared>>
      tpu.enqueue_indirect_dma source(%dma_start3A_197 : memref<10000x16xf32, #tpu.memory_space<vmem_shared>>) target(%dma_start3A_191 : memref<128x16xf32, #tpu.memory_space<vmem>>) offsets(%dma_start3A_194 : memref<128xi32, #tpu.memory_space<vmem>>) semaphore(%arg12 : memref<!tpu.dma_semaphore, #tpu.memory_space<semaphore_mem>>)
      %add3A_198 = arith.constant 2 : i32
      %add3A_199 = arith.addi %mul3A_142, %add3A_198 : i32
      %add3A_200 = arith.constant 2 : i32
      %add3A_201 = arith.addi %mul3A_142, %add3A_200 : i32
      %dma_start3A_202 = arith.constant 0 : i32
      %dma_start3A_203 = arith.constant 0 : i32
      %dma_start3A_204 = tpu.memref_slice %arg9[%add3A_201, %dma_start3A_202, %dma_start3A_203] : memref<16x128x16xf32, #tpu.memory_space<vmem>> -> memref<1x128x16xf32, #tpu.memory_space<vmem>>
      %dma_start3A_205 = tpu.memref_squeeze %dma_start3A_204 : memref<1x128x16xf32, #tpu.memory_space<vmem>> -> memref<128x16xf32, #tpu.memory_space<vmem>>
      %dma_start3A_206 = arith.constant 0 : i32
      %dma_start3A_207 = tpu.memref_slice %arg7[%add3A_199, %dma_start3A_206] : memref<16x128xi32, #tpu.memory_space<vmem>> -> memref<1x128xi32, #tpu.memory_space<vmem>>
      %dma_start3A_208 = tpu.memref_squeeze %dma_start3A_207 : memref<1x128xi32, #tpu.memory_space<vmem>> -> memref<128xi32, #tpu.memory_space<vmem>>
      %dma_start3A_209 = arith.constant 0 : i32
      %dma_start3A_210 = arith.constant 0 : i32
      %dma_start3A_211 = tpu.memref_slice %arg10[%dma_start3A_209, %dma_start3A_210] : memref<10000x16xf32, #tpu.memory_space<vmem_shared>> -> memref<10000x16xf32, #tpu.memory_space<vmem_shared>>
      tpu.enqueue_indirect_dma source(%dma_start3A_211 : memref<10000x16xf32, #tpu.memory_space<vmem_shared>>) target(%dma_start3A_205 : memref<128x16xf32, #tpu.memory_space<vmem>>) offsets(%dma_start3A_208 : memref<128xi32, #tpu.memory_space<vmem>>) semaphore(%arg12 : memref<!tpu.dma_semaphore, #tpu.memory_space<semaphore_mem>>)
      %add3A_212 = arith.constant 3 : i32
      %add3A_213 = arith.addi %mul3A_142, %add3A_212 : i32
      %add3A_214 = arith.constant 3 : i32
      %add3A_215 = arith.addi %mul3A_142, %add3A_214 : i32
      %dma_start3A_216 = arith.constant 0 : i32
      %dma_start3A_217 = arith.constant 0 : i32
      %dma_start3A_218 = tpu.memref_slice %arg9[%add3A_215, %dma_start3A_216, %dma_start3A_217] : memref<16x128x16xf32, #tpu.memory_space<vmem>> -> memref<1x128x16xf32, #tpu.memory_space<vmem>>
      %dma_start3A_219 = tpu.memref_squeeze %dma_start3A_218 : memref<1x128x16xf32, #tpu.memory_space<vmem>> -> memref<128x16xf32, #tpu.memory_space<vmem>>
      %dma_start3A_220 = arith.constant 0 : i32
      %dma_start3A_221 = tpu.memref_slice %arg7[%add3A_213, %dma_start3A_220] : memref<16x128xi32, #tpu.memory_space<vmem>> -> memref<1x128xi32, #tpu.memory_space<vmem>>
      %dma_start3A_222 = tpu.memref_squeeze %dma_start3A_221 : memref<1x128xi32, #tpu.memory_space<vmem>> -> memref<128xi32, #tpu.memory_space<vmem>>
      %dma_start3A_223 = arith.constant 0 : i32
      %dma_start3A_224 = arith.constant 0 : i32
      %dma_start3A_225 = tpu.memref_slice %arg10[%dma_start3A_223, %dma_start3A_224] : memref<10000x16xf32, #tpu.memory_space<vmem_shared>> -> memref<10000x16xf32, #tpu.memory_space<vmem_shared>>
      tpu.enqueue_indirect_dma source(%dma_start3A_225 : memref<10000x16xf32, #tpu.memory_space<vmem_shared>>) target(%dma_start3A_219 : memref<128x16xf32, #tpu.memory_space<vmem>>) offsets(%dma_start3A_222 : memref<128xi32, #tpu.memory_space<vmem>>) semaphore(%arg12 : memref<!tpu.dma_semaphore, #tpu.memory_space<semaphore_mem>>)
      %add3A_226 = arith.constant 4 : i32
      %add3A_227 = arith.addi %mul3A_142, %add3A_226 : i32
      %add3A_228 = arith.constant 4 : i32
      %add3A_229 = arith.addi %mul3A_142, %add3A_228 : i32
      %dma_start3A_230 = arith.constant 0 : i32
      %dma_start3A_231 = arith.constant 0 : i32
      %dma_start3A_232 = tpu.memref_slice %arg9[%add3A_229, %dma_start3A_230, %dma_start3A_231] : memref<16x128x16xf32, #tpu.memory_space<vmem>> -> memref<1x128x16xf32, #tpu.memory_space<vmem>>
      %dma_start3A_233 = tpu.memref_squeeze %dma_start3A_232 : memref<1x128x16xf32, #tpu.memory_space<vmem>> -> memref<128x16xf32, #tpu.memory_space<vmem>>
      %dma_start3A_234 = arith.constant 0 : i32
      %dma_start3A_235 = tpu.memref_slice %arg7[%add3A_227, %dma_start3A_234] : memref<16x128xi32, #tpu.memory_space<vmem>> -> memref<1x128xi32, #tpu.memory_space<vmem>>
      %dma_start3A_236 = tpu.memref_squeeze %dma_start3A_235 : memref<1x128xi32, #tpu.memory_space<vmem>> -> memref<128xi32, #tpu.memory_space<vmem>>
      %dma_start3A_237 = arith.constant 0 : i32
      %dma_start3A_238 = arith.constant 0 : i32
      %dma_start3A_239 = tpu.memref_slice %arg10[%dma_start3A_237, %dma_start3A_238] : memref<10000x16xf32, #tpu.memory_space<vmem_shared>> -> memref<10000x16xf32, #tpu.memory_space<vmem_shared>>
      tpu.enqueue_indirect_dma source(%dma_start3A_239 : memref<10000x16xf32, #tpu.memory_space<vmem_shared>>) target(%dma_start3A_233 : memref<128x16xf32, #tpu.memory_space<vmem>>) offsets(%dma_start3A_236 : memref<128xi32, #tpu.memory_space<vmem>>) semaphore(%arg12 : memref<!tpu.dma_semaphore, #tpu.memory_space<semaphore_mem>>)
      %add3A_240 = arith.constant 5 : i32
      %add3A_241 = arith.addi %mul3A_142, %add3A_240 : i32
      %add3A_242 = arith.constant 5 : i32
      %add3A_243 = arith.addi %mul3A_142, %add3A_242 : i32
      %dma_start3A_244 = arith.constant 0 : i32
      %dma_start3A_245 = arith.constant 0 : i32
      %dma_start3A_246 = tpu.memref_slice %arg9[%add3A_243, %dma_start3A_244, %dma_start3A_245] : memref<16x128x16xf32, #tpu.memory_space<vmem>> -> memref<1x128x16xf32, #tpu.memory_space<vmem>>
      %dma_start3A_247 = tpu.memref_squeeze %dma_start3A_246 : memref<1x128x16xf32, #tpu.memory_space<vmem>> -> memref<128x16xf32, #tpu.memory_space<vmem>>
      %dma_start3A_248 = arith.constant 0 : i32
      %dma_start3A_249 = tpu.memref_slice %arg7[%add3A_241, %dma_start3A_248] : memref<16x128xi32, #tpu.memory_space<vmem>> -> memref<1x128xi32, #tpu.memory_space<vmem>>
      %dma_start3A_250 = tpu.memref_squeeze %dma_start3A_249 : memref<1x128xi32, #tpu.memory_space<vmem>> -> memref<128xi32, #tpu.memory_space<vmem>>
      %dma_start3A_251 = arith.constant 0 : i32
      %dma_start3A_252 = arith.constant 0 : i32
      %dma_start3A_253 = tpu.memref_slice %arg10[%dma_start3A_251, %dma_start3A_252] : memref<10000x16xf32, #tpu.memory_space<vmem_shared>> -> memref<10000x16xf32, #tpu.memory_space<vmem_shared>>
      tpu.enqueue_indirect_dma source(%dma_start3A_253 : memref<10000x16xf32, #tpu.memory_space<vmem_shared>>) target(%dma_start3A_247 : memref<128x16xf32, #tpu.memory_space<vmem>>) offsets(%dma_start3A_250 : memref<128xi32, #tpu.memory_space<vmem>>) semaphore(%arg12 : memref<!tpu.dma_semaphore, #tpu.memory_space<semaphore_mem>>)
      %add3A_254 = arith.constant 6 : i32
      %add3A_255 = arith.addi %mul3A_142, %add3A_254 : i32
      %add3A_256 = arith.constant 6 : i32
      %add3A_257 = arith.addi %mul3A_142, %add3A_256 : i32
      %dma_start3A_258 = arith.constant 0 : i32
      %dma_start3A_259 = arith.constant 0 : i32
      %dma_start3A_260 = tpu.memref_slice %arg9[%add3A_257, %dma_start3A_258, %dma_start3A_259] : memref<16x128x16xf32, #tpu.memory_space<vmem>> -> memref<1x128x16xf32, #tpu.memory_space<vmem>>
      %dma_start3A_261 = tpu.memref_squeeze %dma_start3A_260 : memref<1x128x16xf32, #tpu.memory_space<vmem>> -> memref<128x16xf32, #tpu.memory_space<vmem>>
      %dma_start3A_262 = arith.constant 0 : i32
      %dma_start3A_263 = tpu.memref_slice %arg7[%add3A_255, %dma_start3A_262] : memref<16x128xi32, #tpu.memory_space<vmem>> -> memref<1x128xi32, #tpu.memory_space<vmem>>
      %dma_start3A_264 = tpu.memref_squeeze %dma_start3A_263 : memref<1x128xi32, #tpu.memory_space<vmem>> -> memref<128xi32, #tpu.memory_space<vmem>>
      %dma_start3A_265 = arith.constant 0 : i32
      %dma_start3A_266 = arith.constant 0 : i32
      %dma_start3A_267 = tpu.memref_slice %arg10[%dma_start3A_265, %dma_start3A_266] : memref<10000x16xf32, #tpu.memory_space<vmem_shared>> -> memref<10000x16xf32, #tpu.memory_space<vmem_shared>>
      tpu.enqueue_indirect_dma source(%dma_start3A_267 : memref<10000x16xf32, #tpu.memory_space<vmem_shared>>) target(%dma_start3A_261 : memref<128x16xf32, #tpu.memory_space<vmem>>) offsets(%dma_start3A_264 : memref<128xi32, #tpu.memory_space<vmem>>) semaphore(%arg12 : memref<!tpu.dma_semaphore, #tpu.memory_space<semaphore_mem>>)
      %add3A_268 = arith.constant 7 : i32
      %add3A_269 = arith.addi %mul3A_142, %add3A_268 : i32
      %add3A_270 = arith.constant 7 : i32
      %add3A_271 = arith.addi %mul3A_142, %add3A_270 : i32
      %dma_start3A_272 = arith.constant 0 : i32
      %dma_start3A_273 = arith.constant 0 : i32
      %dma_start3A_274 = tpu.memref_slice %arg9[%add3A_271, %dma_start3A_272, %dma_start3A_273] : memref<16x128x16xf32, #tpu.memory_space<vmem>> -> memref<1x128x16xf32, #tpu.memory_space<vmem>>
      %dma_start3A_275 = tpu.memref_squeeze %dma_start3A_274 : memref<1x128x16xf32, #tpu.memory_space<vmem>> -> memref<128x16xf32, #tpu.memory_space<vmem>>
      %dma_start3A_276 = arith.constant 0 : i32
      %dma_start3A_277 = tpu.memref_slice %arg7[%add3A_269, %dma_start3A_276] : memref<16x128xi32, #tpu.memory_space<vmem>> -> memref<1x128xi32, #tpu.memory_space<vmem>>
      %dma_start3A_278 = tpu.memref_squeeze %dma_start3A_277 : memref<1x128xi32, #tpu.memory_space<vmem>> -> memref<128xi32, #tpu.memory_space<vmem>>
      %dma_start3A_279 = arith.constant 0 : i32
      %dma_start3A_280 = arith.constant 0 : i32
      %dma_start3A_281 = tpu.memref_slice %arg10[%dma_start3A_279, %dma_start3A_280] : memref<10000x16xf32, #tpu.memory_space<vmem_shared>> -> memref<10000x16xf32, #tpu.memory_space<vmem_shared>>
      tpu.enqueue_indirect_dma source(%dma_start3A_281 : memref<10000x16xf32, #tpu.memory_space<vmem_shared>>) target(%dma_start3A_275 : memref<128x16xf32, #tpu.memory_space<vmem>>) offsets(%dma_start3A_278 : memref<128xi32, #tpu.memory_space<vmem>>) semaphore(%arg12 : memref<!tpu.dma_semaphore, #tpu.memory_space<semaphore_mem>>)
      %ge3A = arith.constant 1 : i32
      %ge3A_282 = arith.cmpi sge, %scan3A_139, %ge3A : i32
      %convert_element_type3A = arith.extui %ge3A_282 : i1 to i32
      %cond3A = arith.constant 0 : i32
      %cond3A_283 = arith.cmpi ne, %convert_element_type3A, %cond3A : i32
      scf.if %cond3A_283 {
        %add3A_482 = arith.constant 0 : i32
        %add3A_483 = arith.addi %mul3A_142, %add3A_482 : i32
        %add3A_484 = arith.constant 0 : i32
        %add3A_485 = arith.addi %mul3A_142, %add3A_484 : i32
        %dma_wait3A_486 = arith.constant 0 : i32
        %dma_wait3A_487 = arith.constant 0 : i32
        %dma_wait3A_488 = tpu.memref_slice %arg9[%add3A_483, %dma_wait3A_486, %dma_wait3A_487] : memref<16x128x16xf32, #tpu.memory_space<vmem>> -> memref<1x128x16xf32, #tpu.memory_space<vmem>>
        %dma_wait3A_489 = tpu.memref_squeeze %dma_wait3A_488 : memref<1x128x16xf32, #tpu.memory_space<vmem>> -> memref<128x16xf32, #tpu.memory_space<vmem>>
        %dma_wait3A_490 = arith.constant 0 : i32
        %dma_wait3A_491 = tpu.memref_slice %arg8[%add3A_485, %dma_wait3A_490] : memref<16x128xi32, #tpu.memory_space<vmem>> -> memref<1x128xi32, #tpu.memory_space<vmem>>
        %dma_wait3A_492 = tpu.memref_squeeze %dma_wait3A_491 : memref<1x128xi32, #tpu.memory_space<vmem>> -> memref<128xi32, #tpu.memory_space<vmem>>
        %dma_wait3A_493 = arith.constant 0 : i32
        %dma_wait3A_494 = arith.constant 0 : i32
        %dma_wait3A_495 = tpu.memref_slice %arg11[%dma_wait3A_493, %dma_wait3A_494] : memref<10496x16xf32, #tpu.memory_space<vmem_shared>> -> memref<10496x16xf32, #tpu.memory_space<vmem_shared>>
        tpu.wait_indirect_dma semaphore(%arg13 : memref<!tpu.dma_semaphore, #tpu.memory_space<semaphore_mem>>) src(%dma_wait3A_489 : memref<128x16xf32, #tpu.memory_space<vmem>>) dst(%dma_wait3A_495 : memref<10496x16xf32, #tpu.memory_space<vmem_shared>>)
        %add3A_496 = arith.constant 1 : i32
        %add3A_497 = arith.addi %mul3A_142, %add3A_496 : i32
        %add3A_498 = arith.constant 1 : i32
        %add3A_499 = arith.addi %mul3A_142, %add3A_498 : i32
        %dma_wait3A_500 = arith.constant 0 : i32
        %dma_wait3A_501 = arith.constant 0 : i32
        %dma_wait3A_502 = tpu.memref_slice %arg9[%add3A_497, %dma_wait3A_500, %dma_wait3A_501] : memref<16x128x16xf32, #tpu.memory_space<vmem>> -> memref<1x128x16xf32, #tpu.memory_space<vmem>>
        %dma_wait3A_503 = tpu.memref_squeeze %dma_wait3A_502 : memref<1x128x16xf32, #tpu.memory_space<vmem>> -> memref<128x16xf32, #tpu.memory_space<vmem>>
        %dma_wait3A_504 = arith.constant 0 : i32
        %dma_wait3A_505 = tpu.memref_slice %arg8[%add3A_499, %dma_wait3A_504] : memref<16x128xi32, #tpu.memory_space<vmem>> -> memref<1x128xi32, #tpu.memory_space<vmem>>
        %dma_wait3A_506 = tpu.memref_squeeze %dma_wait3A_505 : memref<1x128xi32, #tpu.memory_space<vmem>> -> memref<128xi32, #tpu.memory_space<vmem>>
        %dma_wait3A_507 = arith.constant 0 : i32
        %dma_wait3A_508 = arith.constant 0 : i32
        %dma_wait3A_509 = tpu.memref_slice %arg11[%dma_wait3A_507, %dma_wait3A_508] : memref<10496x16xf32, #tpu.memory_space<vmem_shared>> -> memref<10496x16xf32, #tpu.memory_space<vmem_shared>>
        tpu.wait_indirect_dma semaphore(%arg13 : memref<!tpu.dma_semaphore, #tpu.memory_space<semaphore_mem>>) src(%dma_wait3A_503 : memref<128x16xf32, #tpu.memory_space<vmem>>) dst(%dma_wait3A_509 : memref<10496x16xf32, #tpu.memory_space<vmem_shared>>)
        %add3A_510 = arith.constant 2 : i32
        %add3A_511 = arith.addi %mul3A_142, %add3A_510 : i32
        %add3A_512 = arith.constant 2 : i32
        %add3A_513 = arith.addi %mul3A_142, %add3A_512 : i32
        %dma_wait3A_514 = arith.constant 0 : i32
        %dma_wait3A_515 = arith.constant 0 : i32
        %dma_wait3A_516 = tpu.memref_slice %arg9[%add3A_511, %dma_wait3A_514, %dma_wait3A_515] : memref<16x128x16xf32, #tpu.memory_space<vmem>> -> memref<1x128x16xf32, #tpu.memory_space<vmem>>
        %dma_wait3A_517 = tpu.memref_squeeze %dma_wait3A_516 : memref<1x128x16xf32, #tpu.memory_space<vmem>> -> memref<128x16xf32, #tpu.memory_space<vmem>>
        %dma_wait3A_518 = arith.constant 0 : i32
        %dma_wait3A_519 = tpu.memref_slice %arg8[%add3A_513, %dma_wait3A_518] : memref<16x128xi32, #tpu.memory_space<vmem>> -> memref<1x128xi32, #tpu.memory_space<vmem>>
        %dma_wait3A_520 = tpu.memref_squeeze %dma_wait3A_519 : memref<1x128xi32, #tpu.memory_space<vmem>> -> memref<128xi32, #tpu.memory_space<vmem>>
        %dma_wait3A_521 = arith.constant 0 : i32
        %dma_wait3A_522 = arith.constant 0 : i32
        %dma_wait3A_523 = tpu.memref_slice %arg11[%dma_wait3A_521, %dma_wait3A_522] : memref<10496x16xf32, #tpu.memory_space<vmem_shared>> -> memref<10496x16xf32, #tpu.memory_space<vmem_shared>>
        tpu.wait_indirect_dma semaphore(%arg13 : memref<!tpu.dma_semaphore, #tpu.memory_space<semaphore_mem>>) src(%dma_wait3A_517 : memref<128x16xf32, #tpu.memory_space<vmem>>) dst(%dma_wait3A_523 : memref<10496x16xf32, #tpu.memory_space<vmem_shared>>)
        %add3A_524 = arith.constant 3 : i32
        %add3A_525 = arith.addi %mul3A_142, %add3A_524 : i32
        %add3A_526 = arith.constant 3 : i32
        %add3A_527 = arith.addi %mul3A_142, %add3A_526 : i32
        %dma_wait3A_528 = arith.constant 0 : i32
        %dma_wait3A_529 = arith.constant 0 : i32
        %dma_wait3A_530 = tpu.memref_slice %arg9[%add3A_525, %dma_wait3A_528, %dma_wait3A_529] : memref<16x128x16xf32, #tpu.memory_space<vmem>> -> memref<1x128x16xf32, #tpu.memory_space<vmem>>
        %dma_wait3A_531 = tpu.memref_squeeze %dma_wait3A_530 : memref<1x128x16xf32, #tpu.memory_space<vmem>> -> memref<128x16xf32, #tpu.memory_space<vmem>>
        %dma_wait3A_532 = arith.constant 0 : i32
        %dma_wait3A_533 = tpu.memref_slice %arg8[%add3A_527, %dma_wait3A_532] : memref<16x128xi32, #tpu.memory_space<vmem>> -> memref<1x128xi32, #tpu.memory_space<vmem>>
        %dma_wait3A_534 = tpu.memref_squeeze %dma_wait3A_533 : memref<1x128xi32, #tpu.memory_space<vmem>> -> memref<128xi32, #tpu.memory_space<vmem>>
        %dma_wait3A_535 = arith.constant 0 : i32
        %dma_wait3A_536 = arith.constant 0 : i32
        %dma_wait3A_537 = tpu.memref_slice %arg11[%dma_wait3A_535, %dma_wait3A_536] : memref<10496x16xf32, #tpu.memory_space<vmem_shared>> -> memref<10496x16xf32, #tpu.memory_space<vmem_shared>>
        tpu.wait_indirect_dma semaphore(%arg13 : memref<!tpu.dma_semaphore, #tpu.memory_space<semaphore_mem>>) src(%dma_wait3A_531 : memref<128x16xf32, #tpu.memory_space<vmem>>) dst(%dma_wait3A_537 : memref<10496x16xf32, #tpu.memory_space<vmem_shared>>)
        %add3A_538 = arith.constant 4 : i32
        %add3A_539 = arith.addi %mul3A_142, %add3A_538 : i32
        %add3A_540 = arith.constant 4 : i32
        %add3A_541 = arith.addi %mul3A_142, %add3A_540 : i32
        %dma_wait3A_542 = arith.constant 0 : i32
        %dma_wait3A_543 = arith.constant 0 : i32
        %dma_wait3A_544 = tpu.memref_slice %arg9[%add3A_539, %dma_wait3A_542, %dma_wait3A_543] : memref<16x128x16xf32, #tpu.memory_space<vmem>> -> memref<1x128x16xf32, #tpu.memory_space<vmem>>
        %dma_wait3A_545 = tpu.memref_squeeze %dma_wait3A_544 : memref<1x128x16xf32, #tpu.memory_space<vmem>> -> memref<128x16xf32, #tpu.memory_space<vmem>>
        %dma_wait3A_546 = arith.constant 0 : i32
        %dma_wait3A_547 = tpu.memref_slice %arg8[%add3A_541, %dma_wait3A_546] : memref<16x128xi32, #tpu.memory_space<vmem>> -> memref<1x128xi32, #tpu.memory_space<vmem>>
        %dma_wait3A_548 = tpu.memref_squeeze %dma_wait3A_547 : memref<1x128xi32, #tpu.memory_space<vmem>> -> memref<128xi32, #tpu.memory_space<vmem>>
        %dma_wait3A_549 = arith.constant 0 : i32
        %dma_wait3A_550 = arith.constant 0 : i32
        %dma_wait3A_551 = tpu.memref_slice %arg11[%dma_wait3A_549, %dma_wait3A_550] : memref<10496x16xf32, #tpu.memory_space<vmem_shared>> -> memref<10496x16xf32, #tpu.memory_space<vmem_shared>>
        tpu.wait_indirect_dma semaphore(%arg13 : memref<!tpu.dma_semaphore, #tpu.memory_space<semaphore_mem>>) src(%dma_wait3A_545 : memref<128x16xf32, #tpu.memory_space<vmem>>) dst(%dma_wait3A_551 : memref<10496x16xf32, #tpu.memory_space<vmem_shared>>)
        %add3A_552 = arith.constant 5 : i32
        %add3A_553 = arith.addi %mul3A_142, %add3A_552 : i32
        %add3A_554 = arith.constant 5 : i32
        %add3A_555 = arith.addi %mul3A_142, %add3A_554 : i32
        %dma_wait3A_556 = arith.constant 0 : i32
        %dma_wait3A_557 = arith.constant 0 : i32
        %dma_wait3A_558 = tpu.memref_slice %arg9[%add3A_553, %dma_wait3A_556, %dma_wait3A_557] : memref<16x128x16xf32, #tpu.memory_space<vmem>> -> memref<1x128x16xf32, #tpu.memory_space<vmem>>
        %dma_wait3A_559 = tpu.memref_squeeze %dma_wait3A_558 : memref<1x128x16xf32, #tpu.memory_space<vmem>> -> memref<128x16xf32, #tpu.memory_space<vmem>>
        %dma_wait3A_560 = arith.constant 0 : i32
        %dma_wait3A_561 = tpu.memref_slice %arg8[%add3A_555, %dma_wait3A_560] : memref<16x128xi32, #tpu.memory_space<vmem>> -> memref<1x128xi32, #tpu.memory_space<vmem>>
        %dma_wait3A_562 = tpu.memref_squeeze %dma_wait3A_561 : memref<1x128xi32, #tpu.memory_space<vmem>> -> memref<128xi32, #tpu.memory_space<vmem>>
        %dma_wait3A_563 = arith.constant 0 : i32
        %dma_wait3A_564 = arith.constant 0 : i32
        %dma_wait3A_565 = tpu.memref_slice %arg11[%dma_wait3A_563, %dma_wait3A_564] : memref<10496x16xf32, #tpu.memory_space<vmem_shared>> -> memref<10496x16xf32, #tpu.memory_space<vmem_shared>>
        tpu.wait_indirect_dma semaphore(%arg13 : memref<!tpu.dma_semaphore, #tpu.memory_space<semaphore_mem>>) src(%dma_wait3A_559 : memref<128x16xf32, #tpu.memory_space<vmem>>) dst(%dma_wait3A_565 : memref<10496x16xf32, #tpu.memory_space<vmem_shared>>)
        %add3A_566 = arith.constant 6 : i32
        %add3A_567 = arith.addi %mul3A_142, %add3A_566 : i32
        %add3A_568 = arith.constant 6 : i32
        %add3A_569 = arith.addi %mul3A_142, %add3A_568 : i32
        %dma_wait3A_570 = arith.constant 0 : i32
        %dma_wait3A_571 = arith.constant 0 : i32
        %dma_wait3A_572 = tpu.memref_slice %arg9[%add3A_567, %dma_wait3A_570, %dma_wait3A_571] : memref<16x128x16xf32, #tpu.memory_space<vmem>> -> memref<1x128x16xf32, #tpu.memory_space<vmem>>
        %dma_wait3A_573 = tpu.memref_squeeze %dma_wait3A_572 : memref<1x128x16xf32, #tpu.memory_space<vmem>> -> memref<128x16xf32, #tpu.memory_space<vmem>>
        %dma_wait3A_574 = arith.constant 0 : i32
        %dma_wait3A_575 = tpu.memref_slice %arg8[%add3A_569, %dma_wait3A_574] : memref<16x128xi32, #tpu.memory_space<vmem>> -> memref<1x128xi32, #tpu.memory_space<vmem>>
        %dma_wait3A_576 = tpu.memref_squeeze %dma_wait3A_575 : memref<1x128xi32, #tpu.memory_space<vmem>> -> memref<128xi32, #tpu.memory_space<vmem>>
        %dma_wait3A_577 = arith.constant 0 : i32
        %dma_wait3A_578 = arith.constant 0 : i32
        %dma_wait3A_579 = tpu.memref_slice %arg11[%dma_wait3A_577, %dma_wait3A_578] : memref<10496x16xf32, #tpu.memory_space<vmem_shared>> -> memref<10496x16xf32, #tpu.memory_space<vmem_shared>>
        tpu.wait_indirect_dma semaphore(%arg13 : memref<!tpu.dma_semaphore, #tpu.memory_space<semaphore_mem>>) src(%dma_wait3A_573 : memref<128x16xf32, #tpu.memory_space<vmem>>) dst(%dma_wait3A_579 : memref<10496x16xf32, #tpu.memory_space<vmem_shared>>)
        %add3A_580 = arith.constant 7 : i32
        %add3A_581 = arith.addi %mul3A_142, %add3A_580 : i32
        %add3A_582 = arith.constant 7 : i32
        %add3A_583 = arith.addi %mul3A_142, %add3A_582 : i32
        %dma_wait3A_584 = arith.constant 0 : i32
        %dma_wait3A_585 = arith.constant 0 : i32
        %dma_wait3A_586 = tpu.memref_slice %arg9[%add3A_581, %dma_wait3A_584, %dma_wait3A_585] : memref<16x128x16xf32, #tpu.memory_space<vmem>> -> memref<1x128x16xf32, #tpu.memory_space<vmem>>
        %dma_wait3A_587 = tpu.memref_squeeze %dma_wait3A_586 : memref<1x128x16xf32, #tpu.memory_space<vmem>> -> memref<128x16xf32, #tpu.memory_space<vmem>>
        %dma_wait3A_588 = arith.constant 0 : i32
        %dma_wait3A_589 = tpu.memref_slice %arg8[%add3A_583, %dma_wait3A_588] : memref<16x128xi32, #tpu.memory_space<vmem>> -> memref<1x128xi32, #tpu.memory_space<vmem>>
        %dma_wait3A_590 = tpu.memref_squeeze %dma_wait3A_589 : memref<1x128xi32, #tpu.memory_space<vmem>> -> memref<128xi32, #tpu.memory_space<vmem>>
        %dma_wait3A_591 = arith.constant 0 : i32
        %dma_wait3A_592 = arith.constant 0 : i32
        %dma_wait3A_593 = tpu.memref_slice %arg11[%dma_wait3A_591, %dma_wait3A_592] : memref<10496x16xf32, #tpu.memory_space<vmem_shared>> -> memref<10496x16xf32, #tpu.memory_space<vmem_shared>>
        tpu.wait_indirect_dma semaphore(%arg13 : memref<!tpu.dma_semaphore, #tpu.memory_space<semaphore_mem>>) src(%dma_wait3A_587 : memref<128x16xf32, #tpu.memory_space<vmem>>) dst(%dma_wait3A_593 : memref<10496x16xf32, #tpu.memory_space<vmem_shared>>)
      } else {
      }
      %dma_wait3A_284 = arith.constant 0 : i32
      %dma_wait3A_285 = arith.constant 0 : i32
      %dma_wait3A_286 = tpu.memref_slice %arg9[%add3A_173, %dma_wait3A_284, %dma_wait3A_285] : memref<16x128x16xf32, #tpu.memory_space<vmem>> -> memref<1x128x16xf32, #tpu.memory_space<vmem>>
      %dma_wait3A_287 = tpu.memref_squeeze %dma_wait3A_286 : memref<1x128x16xf32, #tpu.memory_space<vmem>> -> memref<128x16xf32, #tpu.memory_space<vmem>>
      %dma_wait3A_288 = arith.constant 0 : i32
      %dma_wait3A_289 = tpu.memref_slice %arg7[%add3A_171, %dma_wait3A_288] : memref<16x128xi32, #tpu.memory_space<vmem>> -> memref<1x128xi32, #tpu.memory_space<vmem>>
      %dma_wait3A_290 = tpu.memref_squeeze %dma_wait3A_289 : memref<1x128xi32, #tpu.memory_space<vmem>> -> memref<128xi32, #tpu.memory_space<vmem>>
      %dma_wait3A_291 = arith.constant 0 : i32
      %dma_wait3A_292 = arith.constant 0 : i32
      %dma_wait3A_293 = tpu.memref_slice %arg10[%dma_wait3A_291, %dma_wait3A_292] : memref<10000x16xf32, #tpu.memory_space<vmem_shared>> -> memref<10000x16xf32, #tpu.memory_space<vmem_shared>>
      tpu.wait_indirect_dma semaphore(%arg12 : memref<!tpu.dma_semaphore, #tpu.memory_space<semaphore_mem>>) src(%dma_wait3A_293 : memref<10000x16xf32, #tpu.memory_space<vmem_shared>>) dst(%dma_wait3A_287 : memref<128x16xf32, #tpu.memory_space<vmem>>)
      %add3A_294 = arith.constant 0 : i32
      %add3A_295 = arith.addi %mul3A_142, %add3A_294 : i32
      %add3A_296 = arith.constant 0 : i32
      %add3A_297 = arith.addi %mul3A_142, %add3A_296 : i32
      %dma_start3A_298 = arith.constant 0 : i32
      %dma_start3A_299 = arith.constant 0 : i32
      %dma_start3A_300 = tpu.memref_slice %arg9[%add3A_295, %dma_start3A_298, %dma_start3A_299] : memref<16x128x16xf32, #tpu.memory_space<vmem>> -> memref<1x128x16xf32, #tpu.memory_space<vmem>>
      %dma_start3A_301 = tpu.memref_squeeze %dma_start3A_300 : memref<1x128x16xf32, #tpu.memory_space<vmem>> -> memref<128x16xf32, #tpu.memory_space<vmem>>
      %dma_start3A_302 = arith.constant 0 : i32
      %dma_start3A_303 = tpu.memref_slice %arg8[%add3A_297, %dma_start3A_302] : memref<16x128xi32, #tpu.memory_space<vmem>> -> memref<1x128xi32, #tpu.memory_space<vmem>>
      %dma_start3A_304 = tpu.memref_squeeze %dma_start3A_303 : memref<1x128xi32, #tpu.memory_space<vmem>> -> memref<128xi32, #tpu.memory_space<vmem>>
      %dma_start3A_305 = arith.constant 0 : i32
      %dma_start3A_306 = arith.constant 0 : i32
      %dma_start3A_307 = tpu.memref_slice %arg11[%dma_start3A_305, %dma_start3A_306] : memref<10496x16xf32, #tpu.memory_space<vmem_shared>> -> memref<10496x16xf32, #tpu.memory_space<vmem_shared>>
      tpu.enqueue_indirect_dma source(%dma_start3A_301 : memref<128x16xf32, #tpu.memory_space<vmem>>) target(%dma_start3A_307 : memref<10496x16xf32, #tpu.memory_space<vmem_shared>>) offsets(%dma_start3A_304 : memref<128xi32, #tpu.memory_space<vmem>>) semaphore(%arg13 : memref<!tpu.dma_semaphore, #tpu.memory_space<semaphore_mem>>) {add = true}
      %dma_wait3A_308 = arith.constant 0 : i32
      %dma_wait3A_309 = arith.constant 0 : i32
      %dma_wait3A_310 = tpu.memref_slice %arg9[%add3A_187, %dma_wait3A_308, %dma_wait3A_309] : memref<16x128x16xf32, #tpu.memory_space<vmem>> -> memref<1x128x16xf32, #tpu.memory_space<vmem>>
      %dma_wait3A_311 = tpu.memref_squeeze %dma_wait3A_310 : memref<1x128x16xf32, #tpu.memory_space<vmem>> -> memref<128x16xf32, #tpu.memory_space<vmem>>
      %dma_wait3A_312 = arith.constant 0 : i32
      %dma_wait3A_313 = tpu.memref_slice %arg7[%add3A_185, %dma_wait3A_312] : memref<16x128xi32, #tpu.memory_space<vmem>> -> memref<1x128xi32, #tpu.memory_space<vmem>>
      %dma_wait3A_314 = tpu.memref_squeeze %dma_wait3A_313 : memref<1x128xi32, #tpu.memory_space<vmem>> -> memref<128xi32, #tpu.memory_space<vmem>>
      %dma_wait3A_315 = arith.constant 0 : i32
      %dma_wait3A_316 = arith.constant 0 : i32
      %dma_wait3A_317 = tpu.memref_slice %arg10[%dma_wait3A_315, %dma_wait3A_316] : memref<10000x16xf32, #tpu.memory_space<vmem_shared>> -> memref<10000x16xf32, #tpu.memory_space<vmem_shared>>
      tpu.wait_indirect_dma semaphore(%arg12 : memref<!tpu.dma_semaphore, #tpu.memory_space<semaphore_mem>>) src(%dma_wait3A_317 : memref<10000x16xf32, #tpu.memory_space<vmem_shared>>) dst(%dma_wait3A_311 : memref<128x16xf32, #tpu.memory_space<vmem>>)
      %add3A_318 = arith.constant 1 : i32
      %add3A_319 = arith.addi %mul3A_142, %add3A_318 : i32
      %add3A_320 = arith.constant 1 : i32
      %add3A_321 = arith.addi %mul3A_142, %add3A_320 : i32
      %dma_start3A_322 = arith.constant 0 : i32
      %dma_start3A_323 = arith.constant 0 : i32
      %dma_start3A_324 = tpu.memref_slice %arg9[%add3A_319, %dma_start3A_322, %dma_start3A_323] : memref<16x128x16xf32, #tpu.memory_space<vmem>> -> memref<1x128x16xf32, #tpu.memory_space<vmem>>
      %dma_start3A_325 = tpu.memref_squeeze %dma_start3A_324 : memref<1x128x16xf32, #tpu.memory_space<vmem>> -> memref<128x16xf32, #tpu.memory_space<vmem>>
      %dma_start3A_326 = arith.constant 0 : i32
      %dma_start3A_327 = tpu.memref_slice %arg8[%add3A_321, %dma_start3A_326] : memref<16x128xi32, #tpu.memory_space<vmem>> -> memref<1x128xi32, #tpu.memory_space<vmem>>
      %dma_start3A_328 = tpu.memref_squeeze %dma_start3A_327 : memref<1x128xi32, #tpu.memory_space<vmem>> -> memref<128xi32, #tpu.memory_space<vmem>>
      %dma_start3A_329 = arith.constant 0 : i32
      %dma_start3A_330 = arith.constant 0 : i32
      %dma_start3A_331 = tpu.memref_slice %arg11[%dma_start3A_329, %dma_start3A_330] : memref<10496x16xf32, #tpu.memory_space<vmem_shared>> -> memref<10496x16xf32, #tpu.memory_space<vmem_shared>>
      tpu.enqueue_indirect_dma source(%dma_start3A_325 : memref<128x16xf32, #tpu.memory_space<vmem>>) target(%dma_start3A_331 : memref<10496x16xf32, #tpu.memory_space<vmem_shared>>) offsets(%dma_start3A_328 : memref<128xi32, #tpu.memory_space<vmem>>) semaphore(%arg13 : memref<!tpu.dma_semaphore, #tpu.memory_space<semaphore_mem>>) {add = true}
      %dma_wait3A_332 = arith.constant 0 : i32
      %dma_wait3A_333 = arith.constant 0 : i32
      %dma_wait3A_334 = tpu.memref_slice %arg9[%add3A_201, %dma_wait3A_332, %dma_wait3A_333] : memref<16x128x16xf32, #tpu.memory_space<vmem>> -> memref<1x128x16xf32, #tpu.memory_space<vmem>>
      %dma_wait3A_335 = tpu.memref_squeeze %dma_wait3A_334 : memref<1x128x16xf32, #tpu.memory_space<vmem>> -> memref<128x16xf32, #tpu.memory_space<vmem>>
      %dma_wait3A_336 = arith.constant 0 : i32
      %dma_wait3A_337 = tpu.memref_slice %arg7[%add3A_199, %dma_wait3A_336] : memref<16x128xi32, #tpu.memory_space<vmem>> -> memref<1x128xi32, #tpu.memory_space<vmem>>
      %dma_wait3A_338 = tpu.memref_squeeze %dma_wait3A_337 : memref<1x128xi32, #tpu.memory_space<vmem>> -> memref<128xi32, #tpu.memory_space<vmem>>
      %dma_wait3A_339 = arith.constant 0 : i32
      %dma_wait3A_340 = arith.constant 0 : i32
      %dma_wait3A_341 = tpu.memref_slice %arg10[%dma_wait3A_339, %dma_wait3A_340] : memref<10000x16xf32, #tpu.memory_space<vmem_shared>> -> memref<10000x16xf32, #tpu.memory_space<vmem_shared>>
      tpu.wait_indirect_dma semaphore(%arg12 : memref<!tpu.dma_semaphore, #tpu.memory_space<semaphore_mem>>) src(%dma_wait3A_341 : memref<10000x16xf32, #tpu.memory_space<vmem_shared>>) dst(%dma_wait3A_335 : memref<128x16xf32, #tpu.memory_space<vmem>>)
      %add3A_342 = arith.constant 2 : i32
      %add3A_343 = arith.addi %mul3A_142, %add3A_342 : i32
      %add3A_344 = arith.constant 2 : i32
      %add3A_345 = arith.addi %mul3A_142, %add3A_344 : i32
      %dma_start3A_346 = arith.constant 0 : i32
      %dma_start3A_347 = arith.constant 0 : i32
      %dma_start3A_348 = tpu.memref_slice %arg9[%add3A_343, %dma_start3A_346, %dma_start3A_347] : memref<16x128x16xf32, #tpu.memory_space<vmem>> -> memref<1x128x16xf32, #tpu.memory_space<vmem>>
      %dma_start3A_349 = tpu.memref_squeeze %dma_start3A_348 : memref<1x128x16xf32, #tpu.memory_space<vmem>> -> memref<128x16xf32, #tpu.memory_space<vmem>>
      %dma_start3A_350 = arith.constant 0 : i32
      %dma_start3A_351 = tpu.memref_slice %arg8[%add3A_345, %dma_start3A_350] : memref<16x128xi32, #tpu.memory_space<vmem>> -> memref<1x128xi32, #tpu.memory_space<vmem>>
      %dma_start3A_352 = tpu.memref_squeeze %dma_start3A_351 : memref<1x128xi32, #tpu.memory_space<vmem>> -> memref<128xi32, #tpu.memory_space<vmem>>
      %dma_start3A_353 = arith.constant 0 : i32
      %dma_start3A_354 = arith.constant 0 : i32
      %dma_start3A_355 = tpu.memref_slice %arg11[%dma_start3A_353, %dma_start3A_354] : memref<10496x16xf32, #tpu.memory_space<vmem_shared>> -> memref<10496x16xf32, #tpu.memory_space<vmem_shared>>
      tpu.enqueue_indirect_dma source(%dma_start3A_349 : memref<128x16xf32, #tpu.memory_space<vmem>>) target(%dma_start3A_355 : memref<10496x16xf32, #tpu.memory_space<vmem_shared>>) offsets(%dma_start3A_352 : memref<128xi32, #tpu.memory_space<vmem>>) semaphore(%arg13 : memref<!tpu.dma_semaphore, #tpu.memory_space<semaphore_mem>>) {add = true}
      %dma_wait3A_356 = arith.constant 0 : i32
      %dma_wait3A_357 = arith.constant 0 : i32
      %dma_wait3A_358 = tpu.memref_slice %arg9[%add3A_215, %dma_wait3A_356, %dma_wait3A_357] : memref<16x128x16xf32, #tpu.memory_space<vmem>> -> memref<1x128x16xf32, #tpu.memory_space<vmem>>
      %dma_wait3A_359 = tpu.memref_squeeze %dma_wait3A_358 : memref<1x128x16xf32, #tpu.memory_space<vmem>> -> memref<128x16xf32, #tpu.memory_space<vmem>>
      %dma_wait3A_360 = arith.constant 0 : i32
      %dma_wait3A_361 = tpu.memref_slice %arg7[%add3A_213, %dma_wait3A_360] : memref<16x128xi32, #tpu.memory_space<vmem>> -> memref<1x128xi32, #tpu.memory_space<vmem>>
      %dma_wait3A_362 = tpu.memref_squeeze %dma_wait3A_361 : memref<1x128xi32, #tpu.memory_space<vmem>> -> memref<128xi32, #tpu.memory_space<vmem>>
      %dma_wait3A_363 = arith.constant 0 : i32
      %dma_wait3A_364 = arith.constant 0 : i32
      %dma_wait3A_365 = tpu.memref_slice %arg10[%dma_wait3A_363, %dma_wait3A_364] : memref<10000x16xf32, #tpu.memory_space<vmem_shared>> -> memref<10000x16xf32, #tpu.memory_space<vmem_shared>>
      tpu.wait_indirect_dma semaphore(%arg12 : memref<!tpu.dma_semaphore, #tpu.memory_space<semaphore_mem>>) src(%dma_wait3A_365 : memref<10000x16xf32, #tpu.memory_space<vmem_shared>>) dst(%dma_wait3A_359 : memref<128x16xf32, #tpu.memory_space<vmem>>)
      %add3A_366 = arith.constant 3 : i32
      %add3A_367 = arith.addi %mul3A_142, %add3A_366 : i32
      %add3A_368 = arith.constant 3 : i32
      %add3A_369 = arith.addi %mul3A_142, %add3A_368 : i32
      %dma_start3A_370 = arith.constant 0 : i32
      %dma_start3A_371 = arith.constant 0 : i32
      %dma_start3A_372 = tpu.memref_slice %arg9[%add3A_367, %dma_start3A_370, %dma_start3A_371] : memref<16x128x16xf32, #tpu.memory_space<vmem>> -> memref<1x128x16xf32, #tpu.memory_space<vmem>>
      %dma_start3A_373 = tpu.memref_squeeze %dma_start3A_372 : memref<1x128x16xf32, #tpu.memory_space<vmem>> -> memref<128x16xf32, #tpu.memory_space<vmem>>
      %dma_start3A_374 = arith.constant 0 : i32
      %dma_start3A_375 = tpu.memref_slice %arg8[%add3A_369, %dma_start3A_374] : memref<16x128xi32, #tpu.memory_space<vmem>> -> memref<1x128xi32, #tpu.memory_space<vmem>>
      %dma_start3A_376 = tpu.memref_squeeze %dma_start3A_375 : memref<1x128xi32, #tpu.memory_space<vmem>> -> memref<128xi32, #tpu.memory_space<vmem>>
      %dma_start3A_377 = arith.constant 0 : i32
      %dma_start3A_378 = arith.constant 0 : i32
      %dma_start3A_379 = tpu.memref_slice %arg11[%dma_start3A_377, %dma_start3A_378] : memref<10496x16xf32, #tpu.memory_space<vmem_shared>> -> memref<10496x16xf32, #tpu.memory_space<vmem_shared>>
      tpu.enqueue_indirect_dma source(%dma_start3A_373 : memref<128x16xf32, #tpu.memory_space<vmem>>) target(%dma_start3A_379 : memref<10496x16xf32, #tpu.memory_space<vmem_shared>>) offsets(%dma_start3A_376 : memref<128xi32, #tpu.memory_space<vmem>>) semaphore(%arg13 : memref<!tpu.dma_semaphore, #tpu.memory_space<semaphore_mem>>) {add = true}
      %dma_wait3A_380 = arith.constant 0 : i32
      %dma_wait3A_381 = arith.constant 0 : i32
      %dma_wait3A_382 = tpu.memref_slice %arg9[%add3A_229, %dma_wait3A_380, %dma_wait3A_381] : memref<16x128x16xf32, #tpu.memory_space<vmem>> -> memref<1x128x16xf32, #tpu.memory_space<vmem>>
      %dma_wait3A_383 = tpu.memref_squeeze %dma_wait3A_382 : memref<1x128x16xf32, #tpu.memory_space<vmem>> -> memref<128x16xf32, #tpu.memory_space<vmem>>
      %dma_wait3A_384 = arith.constant 0 : i32
      %dma_wait3A_385 = tpu.memref_slice %arg7[%add3A_227, %dma_wait3A_384] : memref<16x128xi32, #tpu.memory_space<vmem>> -> memref<1x128xi32, #tpu.memory_space<vmem>>
      %dma_wait3A_386 = tpu.memref_squeeze %dma_wait3A_385 : memref<1x128xi32, #tpu.memory_space<vmem>> -> memref<128xi32, #tpu.memory_space<vmem>>
      %dma_wait3A_387 = arith.constant 0 : i32
      %dma_wait3A_388 = arith.constant 0 : i32
      %dma_wait3A_389 = tpu.memref_slice %arg10[%dma_wait3A_387, %dma_wait3A_388] : memref<10000x16xf32, #tpu.memory_space<vmem_shared>> -> memref<10000x16xf32, #tpu.memory_space<vmem_shared>>
      tpu.wait_indirect_dma semaphore(%arg12 : memref<!tpu.dma_semaphore, #tpu.memory_space<semaphore_mem>>) src(%dma_wait3A_389 : memref<10000x16xf32, #tpu.memory_space<vmem_shared>>) dst(%dma_wait3A_383 : memref<128x16xf32, #tpu.memory_space<vmem>>)
      %add3A_390 = arith.constant 4 : i32
      %add3A_391 = arith.addi %mul3A_142, %add3A_390 : i32
      %add3A_392 = arith.constant 4 : i32
      %add3A_393 = arith.addi %mul3A_142, %add3A_392 : i32
      %dma_start3A_394 = arith.constant 0 : i32
      %dma_start3A_395 = arith.constant 0 : i32
      %dma_start3A_396 = tpu.memref_slice %arg9[%add3A_391, %dma_start3A_394, %dma_start3A_395] : memref<16x128x16xf32, #tpu.memory_space<vmem>> -> memref<1x128x16xf32, #tpu.memory_space<vmem>>
      %dma_start3A_397 = tpu.memref_squeeze %dma_start3A_396 : memref<1x128x16xf32, #tpu.memory_space<vmem>> -> memref<128x16xf32, #tpu.memory_space<vmem>>
      %dma_start3A_398 = arith.constant 0 : i32
      %dma_start3A_399 = tpu.memref_slice %arg8[%add3A_393, %dma_start3A_398] : memref<16x128xi32, #tpu.memory_space<vmem>> -> memref<1x128xi32, #tpu.memory_space<vmem>>
      %dma_start3A_400 = tpu.memref_squeeze %dma_start3A_399 : memref<1x128xi32, #tpu.memory_space<vmem>> -> memref<128xi32, #tpu.memory_space<vmem>>
      %dma_start3A_401 = arith.constant 0 : i32
      %dma_start3A_402 = arith.constant 0 : i32
      %dma_start3A_403 = tpu.memref_slice %arg11[%dma_start3A_401, %dma_start3A_402] : memref<10496x16xf32, #tpu.memory_space<vmem_shared>> -> memref<10496x16xf32, #tpu.memory_space<vmem_shared>>
      tpu.enqueue_indirect_dma source(%dma_start3A_397 : memref<128x16xf32, #tpu.memory_space<vmem>>) target(%dma_start3A_403 : memref<10496x16xf32, #tpu.memory_space<vmem_shared>>) offsets(%dma_start3A_400 : memref<128xi32, #tpu.memory_space<vmem>>) semaphore(%arg13 : memref<!tpu.dma_semaphore, #tpu.memory_space<semaphore_mem>>) {add = true}
      %dma_wait3A_404 = arith.constant 0 : i32
      %dma_wait3A_405 = arith.constant 0 : i32
      %dma_wait3A_406 = tpu.memref_slice %arg9[%add3A_243, %dma_wait3A_404, %dma_wait3A_405] : memref<16x128x16xf32, #tpu.memory_space<vmem>> -> memref<1x128x16xf32, #tpu.memory_space<vmem>>
      %dma_wait3A_407 = tpu.memref_squeeze %dma_wait3A_406 : memref<1x128x16xf32, #tpu.memory_space<vmem>> -> memref<128x16xf32, #tpu.memory_space<vmem>>
      %dma_wait3A_408 = arith.constant 0 : i32
      %dma_wait3A_409 = tpu.memref_slice %arg7[%add3A_241, %dma_wait3A_408] : memref<16x128xi32, #tpu.memory_space<vmem>> -> memref<1x128xi32, #tpu.memory_space<vmem>>
      %dma_wait3A_410 = tpu.memref_squeeze %dma_wait3A_409 : memref<1x128xi32, #tpu.memory_space<vmem>> -> memref<128xi32, #tpu.memory_space<vmem>>
      %dma_wait3A_411 = arith.constant 0 : i32
      %dma_wait3A_412 = arith.constant 0 : i32
      %dma_wait3A_413 = tpu.memref_slice %arg10[%dma_wait3A_411, %dma_wait3A_412] : memref<10000x16xf32, #tpu.memory_space<vmem_shared>> -> memref<10000x16xf32, #tpu.memory_space<vmem_shared>>
      tpu.wait_indirect_dma semaphore(%arg12 : memref<!tpu.dma_semaphore, #tpu.memory_space<semaphore_mem>>) src(%dma_wait3A_413 : memref<10000x16xf32, #tpu.memory_space<vmem_shared>>) dst(%dma_wait3A_407 : memref<128x16xf32, #tpu.memory_space<vmem>>)
      %add3A_414 = arith.constant 5 : i32
      %add3A_415 = arith.addi %mul3A_142, %add3A_414 : i32
      %add3A_416 = arith.constant 5 : i32
      %add3A_417 = arith.addi %mul3A_142, %add3A_416 : i32
      %dma_start3A_418 = arith.constant 0 : i32
      %dma_start3A_419 = arith.constant 0 : i32
      %dma_start3A_420 = tpu.memref_slice %arg9[%add3A_415, %dma_start3A_418, %dma_start3A_419] : memref<16x128x16xf32, #tpu.memory_space<vmem>> -> memref<1x128x16xf32, #tpu.memory_space<vmem>>
      %dma_start3A_421 = tpu.memref_squeeze %dma_start3A_420 : memref<1x128x16xf32, #tpu.memory_space<vmem>> -> memref<128x16xf32, #tpu.memory_space<vmem>>
      %dma_start3A_422 = arith.constant 0 : i32
      %dma_start3A_423 = tpu.memref_slice %arg8[%add3A_417, %dma_start3A_422] : memref<16x128xi32, #tpu.memory_space<vmem>> -> memref<1x128xi32, #tpu.memory_space<vmem>>
      %dma_start3A_424 = tpu.memref_squeeze %dma_start3A_423 : memref<1x128xi32, #tpu.memory_space<vmem>> -> memref<128xi32, #tpu.memory_space<vmem>>
      %dma_start3A_425 = arith.constant 0 : i32
      %dma_start3A_426 = arith.constant 0 : i32
      %dma_start3A_427 = tpu.memref_slice %arg11[%dma_start3A_425, %dma_start3A_426] : memref<10496x16xf32, #tpu.memory_space<vmem_shared>> -> memref<10496x16xf32, #tpu.memory_space<vmem_shared>>
      tpu.enqueue_indirect_dma source(%dma_start3A_421 : memref<128x16xf32, #tpu.memory_space<vmem>>) target(%dma_start3A_427 : memref<10496x16xf32, #tpu.memory_space<vmem_shared>>) offsets(%dma_start3A_424 : memref<128xi32, #tpu.memory_space<vmem>>) semaphore(%arg13 : memref<!tpu.dma_semaphore, #tpu.memory_space<semaphore_mem>>) {add = true}
      %dma_wait3A_428 = arith.constant 0 : i32
      %dma_wait3A_429 = arith.constant 0 : i32
      %dma_wait3A_430 = tpu.memref_slice %arg9[%add3A_257, %dma_wait3A_428, %dma_wait3A_429] : memref<16x128x16xf32, #tpu.memory_space<vmem>> -> memref<1x128x16xf32, #tpu.memory_space<vmem>>
      %dma_wait3A_431 = tpu.memref_squeeze %dma_wait3A_430 : memref<1x128x16xf32, #tpu.memory_space<vmem>> -> memref<128x16xf32, #tpu.memory_space<vmem>>
      %dma_wait3A_432 = arith.constant 0 : i32
      %dma_wait3A_433 = tpu.memref_slice %arg7[%add3A_255, %dma_wait3A_432] : memref<16x128xi32, #tpu.memory_space<vmem>> -> memref<1x128xi32, #tpu.memory_space<vmem>>
      %dma_wait3A_434 = tpu.memref_squeeze %dma_wait3A_433 : memref<1x128xi32, #tpu.memory_space<vmem>> -> memref<128xi32, #tpu.memory_space<vmem>>
      %dma_wait3A_435 = arith.constant 0 : i32
      %dma_wait3A_436 = arith.constant 0 : i32
      %dma_wait3A_437 = tpu.memref_slice %arg10[%dma_wait3A_435, %dma_wait3A_436] : memref<10000x16xf32, #tpu.memory_space<vmem_shared>> -> memref<10000x16xf32, #tpu.memory_space<vmem_shared>>
      tpu.wait_indirect_dma semaphore(%arg12 : memref<!tpu.dma_semaphore, #tpu.memory_space<semaphore_mem>>) src(%dma_wait3A_437 : memref<10000x16xf32, #tpu.memory_space<vmem_shared>>) dst(%dma_wait3A_431 : memref<128x16xf32, #tpu.memory_space<vmem>>)
      %add3A_438 = arith.constant 6 : i32
      %add3A_439 = arith.addi %mul3A_142, %add3A_438 : i32
      %add3A_440 = arith.constant 6 : i32
      %add3A_441 = arith.addi %mul3A_142, %add3A_440 : i32
      %dma_start3A_442 = arith.constant 0 : i32
      %dma_start3A_443 = arith.constant 0 : i32
      %dma_start3A_444 = tpu.memref_slice %arg9[%add3A_439, %dma_start3A_442, %dma_start3A_443] : memref<16x128x16xf32, #tpu.memory_space<vmem>> -> memref<1x128x16xf32, #tpu.memory_space<vmem>>
      %dma_start3A_445 = tpu.memref_squeeze %dma_start3A_444 : memref<1x128x16xf32, #tpu.memory_space<vmem>> -> memref<128x16xf32, #tpu.memory_space<vmem>>
      %dma_start3A_446 = arith.constant 0 : i32
      %dma_start3A_447 = tpu.memref_slice %arg8[%add3A_441, %dma_start3A_446] : memref<16x128xi32, #tpu.memory_space<vmem>> -> memref<1x128xi32, #tpu.memory_space<vmem>>
      %dma_start3A_448 = tpu.memref_squeeze %dma_start3A_447 : memref<1x128xi32, #tpu.memory_space<vmem>> -> memref<128xi32, #tpu.memory_space<vmem>>
      %dma_start3A_449 = arith.constant 0 : i32
      %dma_start3A_450 = arith.constant 0 : i32
      %dma_start3A_451 = tpu.memref_slice %arg11[%dma_start3A_449, %dma_start3A_450] : memref<10496x16xf32, #tpu.memory_space<vmem_shared>> -> memref<10496x16xf32, #tpu.memory_space<vmem_shared>>
      tpu.enqueue_indirect_dma source(%dma_start3A_445 : memref<128x16xf32, #tpu.memory_space<vmem>>) target(%dma_start3A_451 : memref<10496x16xf32, #tpu.memory_space<vmem_shared>>) offsets(%dma_start3A_448 : memref<128xi32, #tpu.memory_space<vmem>>) semaphore(%arg13 : memref<!tpu.dma_semaphore, #tpu.memory_space<semaphore_mem>>) {add = true}
      %dma_wait3A_452 = arith.constant 0 : i32
      %dma_wait3A_453 = arith.constant 0 : i32
      %dma_wait3A_454 = tpu.memref_slice %arg9[%add3A_271, %dma_wait3A_452, %dma_wait3A_453] : memref<16x128x16xf32, #tpu.memory_space<vmem>> -> memref<1x128x16xf32, #tpu.memory_space<vmem>>
      %dma_wait3A_455 = tpu.memref_squeeze %dma_wait3A_454 : memref<1x128x16xf32, #tpu.memory_space<vmem>> -> memref<128x16xf32, #tpu.memory_space<vmem>>
      %dma_wait3A_456 = arith.constant 0 : i32
      %dma_wait3A_457 = tpu.memref_slice %arg7[%add3A_269, %dma_wait3A_456] : memref<16x128xi32, #tpu.memory_space<vmem>> -> memref<1x128xi32, #tpu.memory_space<vmem>>
      %dma_wait3A_458 = tpu.memref_squeeze %dma_wait3A_457 : memref<1x128xi32, #tpu.memory_space<vmem>> -> memref<128xi32, #tpu.memory_space<vmem>>
      %dma_wait3A_459 = arith.constant 0 : i32
      %dma_wait3A_460 = arith.constant 0 : i32
      %dma_wait3A_461 = tpu.memref_slice %arg10[%dma_wait3A_459, %dma_wait3A_460] : memref<10000x16xf32, #tpu.memory_space<vmem_shared>> -> memref<10000x16xf32, #tpu.memory_space<vmem_shared>>
      tpu.wait_indirect_dma semaphore(%arg12 : memref<!tpu.dma_semaphore, #tpu.memory_space<semaphore_mem>>) src(%dma_wait3A_461 : memref<10000x16xf32, #tpu.memory_space<vmem_shared>>) dst(%dma_wait3A_455 : memref<128x16xf32, #tpu.memory_space<vmem>>)
      %add3A_462 = arith.constant 7 : i32
      %add3A_463 = arith.addi %mul3A_142, %add3A_462 : i32
      %add3A_464 = arith.constant 7 : i32
      %add3A_465 = arith.addi %mul3A_142, %add3A_464 : i32
      %dma_start3A_466 = arith.constant 0 : i32
      %dma_start3A_467 = arith.constant 0 : i32
      %dma_start3A_468 = tpu.memref_slice %arg9[%add3A_463, %dma_start3A_466, %dma_start3A_467] : memref<16x128x16xf32, #tpu.memory_space<vmem>> -> memref<1x128x16xf32, #tpu.memory_space<vmem>>
      %dma_start3A_469 = tpu.memref_squeeze %dma_start3A_468 : memref<1x128x16xf32, #tpu.memory_space<vmem>> -> memref<128x16xf32, #tpu.memory_space<vmem>>
      %dma_start3A_470 = arith.constant 0 : i32
      %dma_start3A_471 = tpu.memref_slice %arg8[%add3A_465, %dma_start3A_470] : memref<16x128xi32, #tpu.memory_space<vmem>> -> memref<1x128xi32, #tpu.memory_space<vmem>>
      %dma_start3A_472 = tpu.memref_squeeze %dma_start3A_471 : memref<1x128xi32, #tpu.memory_space<vmem>> -> memref<128xi32, #tpu.memory_space<vmem>>
      %dma_start3A_473 = arith.constant 0 : i32
      %dma_start3A_474 = arith.constant 0 : i32
      %dma_start3A_475 = tpu.memref_slice %arg11[%dma_start3A_473, %dma_start3A_474] : memref<10496x16xf32, #tpu.memory_space<vmem_shared>> -> memref<10496x16xf32, #tpu.memory_space<vmem_shared>>
      tpu.enqueue_indirect_dma source(%dma_start3A_469 : memref<128x16xf32, #tpu.memory_space<vmem>>) target(%dma_start3A_475 : memref<10496x16xf32, #tpu.memory_space<vmem_shared>>) offsets(%dma_start3A_472 : memref<128xi32, #tpu.memory_space<vmem>>) semaphore(%arg13 : memref<!tpu.dma_semaphore, #tpu.memory_space<semaphore_mem>>) {add = true}
      %add3A_476 = arith.constant 1 : i32
      %add3A_477 = arith.addi %scan3A_139, %add3A_476 : i32
      %lt3A = arith.constant 10 : i32
      %lt3A_478 = arith.cmpi slt, %add3A_477, %lt3A : i32
      %convert_element_type3A_479 = arith.extui %lt3A_478 : i1 to i32
      %cond3A_480 = arith.constant 0 : i32
      %cond3A_481 = arith.cmpi ne, %convert_element_type3A_479, %cond3A_480 : i32
      scf.if %cond3A_481 {
        %rem3A_482 = arith.constant 2 : i32
        %rem3A_483 = arith.remsi %scan3A_139, %rem3A_482 : i32
        %sub3A = arith.constant 1 : i32
        %sub3A_484 = arith.subi %sub3A, %rem3A_483 : i32
        %mul3A_485 = arith.constant 8 : i32
        %mul3A_486 = arith.muli %sub3A_484, %mul3A_485 : i32
        %add3A_487 = arith.constant 1 : i32
        %add3A_488 = arith.addi %scan3A_139, %add3A_487 : i32
        %mul3A_489 = arith.constant 8 : i32
        %mul3A_490 = arith.muli %add3A_488, %mul3A_489 : i32
        %dma_start3A_491 = arith.constant 0 : i32
        %dma_start3A_492 = tpu.memref_slice %arg7[%mul3A_486, %dma_start3A_491] : memref<16x128xi32, #tpu.memory_space<vmem>> -> memref<8x128xi32, #tpu.memory_space<vmem>>
        %dma_start3A_493 = arith.constant 0 : i32
        %dma_start3A_494 = tpu.memref_slice %arg3[%arg0, %arg1, %mul3A_490, %dma_start3A_493] : memref<2x16x80x128xi32, #tpu.memory_space<hbm>> -> memref<1x1x8x128xi32, #tpu.memory_space<hbm>>
        %dma_start3A_495 = tpu.memref_squeeze %dma_start3A_494 : memref<1x1x8x128xi32, #tpu.memory_space<hbm>> -> memref<8x128xi32, #tpu.memory_space<hbm>>
        %dma_start3A_496 = arith.constant 0 : i32
        %dma_start3A_497 = tpu.memref_slice %arg7[%mul3A_486, %dma_start3A_496] : memref<16x128xi32, #tpu.memory_space<vmem>> -> memref<8x128xi32, #tpu.memory_space<vmem>>
        %dma_start3A_498 = arith.constant 0 : i32
        %dma_start3A_499 = tpu.memref_slice %arg3[%arg0, %arg1, %mul3A_490, %dma_start3A_498] : memref<2x16x80x128xi32, #tpu.memory_space<hbm>> -> memref<1x1x8x128xi32, #tpu.memory_space<hbm>>
        %dma_start3A_500 = tpu.memref_squeeze %dma_start3A_499 : memref<1x1x8x128xi32, #tpu.memory_space<hbm>> -> memref<8x128xi32, #tpu.memory_space<hbm>>
        tpu.enqueue_dma source(%dma_start3A_500 : memref<8x128xi32, #tpu.memory_space<hbm>>) target(%dma_start3A_497 : memref<8x128xi32, #tpu.memory_space<vmem>>) target_semaphore(%arg14 : memref<!tpu.dma_semaphore, #tpu.memory_space<semaphore_mem>>)
        %dma_start3A_501 = arith.constant 0 : i32
        %dma_start3A_502 = tpu.memref_slice %arg8[%mul3A_486, %dma_start3A_501] : memref<16x128xi32, #tpu.memory_space<vmem>> -> memref<8x128xi32, #tpu.memory_space<vmem>>
        %dma_start3A_503 = arith.constant 0 : i32
        %dma_start3A_504 = tpu.memref_slice %arg4[%arg0, %arg1, %mul3A_490, %dma_start3A_503] : memref<2x16x80x128xi32, #tpu.memory_space<hbm>> -> memref<1x1x8x128xi32, #tpu.memory_space<hbm>>
        %dma_start3A_505 = tpu.memref_squeeze %dma_start3A_504 : memref<1x1x8x128xi32, #tpu.memory_space<hbm>> -> memref<8x128xi32, #tpu.memory_space<hbm>>
        %dma_start3A_506 = arith.constant 0 : i32
        %dma_start3A_507 = tpu.memref_slice %arg8[%mul3A_486, %dma_start3A_506] : memref<16x128xi32, #tpu.memory_space<vmem>> -> memref<8x128xi32, #tpu.memory_space<vmem>>
        %dma_start3A_508 = arith.constant 0 : i32
        %dma_start3A_509 = tpu.memref_slice %arg4[%arg0, %arg1, %mul3A_490, %dma_start3A_508] : memref<2x16x80x128xi32, #tpu.memory_space<hbm>> -> memref<1x1x8x128xi32, #tpu.memory_space<hbm>>
        %dma_start3A_510 = tpu.memref_squeeze %dma_start3A_509 : memref<1x1x8x128xi32, #tpu.memory_space<hbm>> -> memref<8x128xi32, #tpu.memory_space<hbm>>
        tpu.enqueue_dma source(%dma_start3A_510 : memref<8x128xi32, #tpu.memory_space<hbm>>) target(%dma_start3A_507 : memref<8x128xi32, #tpu.memory_space<vmem>>) target_semaphore(%arg14 : memref<!tpu.dma_semaphore, #tpu.memory_space<semaphore_mem>>)
      } else {
      }
    }
    %scan3A_36 = arith.constant 10 : i32
    %dma_wait3A = arith.constant 0 : i32
    %dma_wait3A_37 = arith.constant 0 : i32
    %dma_wait3A_38 = arith.constant 0 : i32
    %dma_wait3A_39 = arith.constant 0 : i32
    %dma_wait3A_40 = tpu.memref_slice %arg9[%dma_wait3A, %dma_wait3A_38, %dma_wait3A_39] : memref<16x128x16xf32, #tpu.memory_space<vmem>> -> memref<1x128x16xf32, #tpu.memory_space<vmem>>
    %dma_wait3A_41 = tpu.memref_squeeze %dma_wait3A_40 : memref<1x128x16xf32, #tpu.memory_space<vmem>> -> memref<128x16xf32, #tpu.memory_space<vmem>>
    %dma_wait3A_42 = arith.constant 0 : i32
    %dma_wait3A_43 = tpu.memref_slice %arg8[%dma_wait3A_37, %dma_wait3A_42] : memref<16x128xi32, #tpu.memory_space<vmem>> -> memref<1x128xi32, #tpu.memory_space<vmem>>
    %dma_wait3A_44 = tpu.memref_squeeze %dma_wait3A_43 : memref<1x128xi32, #tpu.memory_space<vmem>> -> memref<128xi32, #tpu.memory_space<vmem>>
    %dma_wait3A_45 = arith.constant 0 : i32
    %dma_wait3A_46 = arith.constant 0 : i32
    %dma_wait3A_47 = tpu.memref_slice %arg11[%dma_wait3A_45, %dma_wait3A_46] : memref<10496x16xf32, #tpu.memory_space<vmem_shared>> -> memref<10496x16xf32, #tpu.memory_space<vmem_shared>>
    tpu.wait_indirect_dma semaphore(%arg13 : memref<!tpu.dma_semaphore, #tpu.memory_space<semaphore_mem>>) src(%dma_wait3A_41 : memref<128x16xf32, #tpu.memory_space<vmem>>) dst(%dma_wait3A_47 : memref<10496x16xf32, #tpu.memory_space<vmem_shared>>)
    %dma_wait3A_48 = arith.constant 0 : i32
    %dma_wait3A_49 = arith.constant 0 : i32
    %dma_wait3A_50 = arith.constant 0 : i32
    %dma_wait3A_51 = arith.constant 0 : i32
    %dma_wait3A_52 = tpu.memref_slice %arg9[%dma_wait3A_48, %dma_wait3A_50, %dma_wait3A_51] : memref<16x128x16xf32, #tpu.memory_space<vmem>> -> memref<1x128x16xf32, #tpu.memory_space<vmem>>
    %dma_wait3A_53 = tpu.memref_squeeze %dma_wait3A_52 : memref<1x128x16xf32, #tpu.memory_space<vmem>> -> memref<128x16xf32, #tpu.memory_space<vmem>>
    %dma_wait3A_54 = arith.constant 0 : i32
    %dma_wait3A_55 = tpu.memref_slice %arg8[%dma_wait3A_49, %dma_wait3A_54] : memref<16x128xi32, #tpu.memory_space<vmem>> -> memref<1x128xi32, #tpu.memory_space<vmem>>
    %dma_wait3A_56 = tpu.memref_squeeze %dma_wait3A_55 : memref<1x128xi32, #tpu.memory_space<vmem>> -> memref<128xi32, #tpu.memory_space<vmem>>
    %dma_wait3A_57 = arith.constant 0 : i32
    %dma_wait3A_58 = arith.constant 0 : i32
    %dma_wait3A_59 = tpu.memref_slice %arg11[%dma_wait3A_57, %dma_wait3A_58] : memref<10496x16xf32, #tpu.memory_space<vmem_shared>> -> memref<10496x16xf32, #tpu.memory_space<vmem_shared>>
    tpu.wait_indirect_dma semaphore(%arg13 : memref<!tpu.dma_semaphore, #tpu.memory_space<semaphore_mem>>) src(%dma_wait3A_53 : memref<128x16xf32, #tpu.memory_space<vmem>>) dst(%dma_wait3A_59 : memref<10496x16xf32, #tpu.memory_space<vmem_shared>>)
    %dma_wait3A_60 = arith.constant 0 : i32
    %dma_wait3A_61 = arith.constant 0 : i32
    %dma_wait3A_62 = arith.constant 0 : i32
    %dma_wait3A_63 = arith.constant 0 : i32
    %dma_wait3A_64 = tpu.memref_slice %arg9[%dma_wait3A_60, %dma_wait3A_62, %dma_wait3A_63] : memref<16x128x16xf32, #tpu.memory_space<vmem>> -> memref<1x128x16xf32, #tpu.memory_space<vmem>>
    %dma_wait3A_65 = tpu.memref_squeeze %dma_wait3A_64 : memref<1x128x16xf32, #tpu.memory_space<vmem>> -> memref<128x16xf32, #tpu.memory_space<vmem>>
    %dma_wait3A_66 = arith.constant 0 : i32
    %dma_wait3A_67 = tpu.memref_slice %arg8[%dma_wait3A_61, %dma_wait3A_66] : memref<16x128xi32, #tpu.memory_space<vmem>> -> memref<1x128xi32, #tpu.memory_space<vmem>>
    %dma_wait3A_68 = tpu.memref_squeeze %dma_wait3A_67 : memref<1x128xi32, #tpu.memory_space<vmem>> -> memref<128xi32, #tpu.memory_space<vmem>>
    %dma_wait3A_69 = arith.constant 0 : i32
    %dma_wait3A_70 = arith.constant 0 : i32
    %dma_wait3A_71 = tpu.memref_slice %arg11[%dma_wait3A_69, %dma_wait3A_70] : memref<10496x16xf32, #tpu.memory_space<vmem_shared>> -> memref<10496x16xf32, #tpu.memory_space<vmem_shared>>
    tpu.wait_indirect_dma semaphore(%arg13 : memref<!tpu.dma_semaphore, #tpu.memory_space<semaphore_mem>>) src(%dma_wait3A_65 : memref<128x16xf32, #tpu.memory_space<vmem>>) dst(%dma_wait3A_71 : memref<10496x16xf32, #tpu.memory_space<vmem_shared>>)
    %dma_wait3A_72 = arith.constant 0 : i32
    %dma_wait3A_73 = arith.constant 0 : i32
    %dma_wait3A_74 = arith.constant 0 : i32
    %dma_wait3A_75 = arith.constant 0 : i32
    %dma_wait3A_76 = tpu.memref_slice %arg9[%dma_wait3A_72, %dma_wait3A_74, %dma_wait3A_75] : memref<16x128x16xf32, #tpu.memory_space<vmem>> -> memref<1x128x16xf32, #tpu.memory_space<vmem>>
    %dma_wait3A_77 = tpu.memref_squeeze %dma_wait3A_76 : memref<1x128x16xf32, #tpu.memory_space<vmem>> -> memref<128x16xf32, #tpu.memory_space<vmem>>
    %dma_wait3A_78 = arith.constant 0 : i32
    %dma_wait3A_79 = tpu.memref_slice %arg8[%dma_wait3A_73, %dma_wait3A_78] : memref<16x128xi32, #tpu.memory_space<vmem>> -> memref<1x128xi32, #tpu.memory_space<vmem>>
    %dma_wait3A_80 = tpu.memref_squeeze %dma_wait3A_79 : memref<1x128xi32, #tpu.memory_space<vmem>> -> memref<128xi32, #tpu.memory_space<vmem>>
    %dma_wait3A_81 = arith.constant 0 : i32
    %dma_wait3A_82 = arith.constant 0 : i32
    %dma_wait3A_83 = tpu.memref_slice %arg11[%dma_wait3A_81, %dma_wait3A_82] : memref<10496x16xf32, #tpu.memory_space<vmem_shared>> -> memref<10496x16xf32, #tpu.memory_space<vmem_shared>>
    tpu.wait_indirect_dma semaphore(%arg13 : memref<!tpu.dma_semaphore, #tpu.memory_space<semaphore_mem>>) src(%dma_wait3A_77 : memref<128x16xf32, #tpu.memory_space<vmem>>) dst(%dma_wait3A_83 : memref<10496x16xf32, #tpu.memory_space<vmem_shared>>)
    %dma_wait3A_84 = arith.constant 0 : i32
    %dma_wait3A_85 = arith.constant 0 : i32
    %dma_wait3A_86 = arith.constant 0 : i32
    %dma_wait3A_87 = arith.constant 0 : i32
    %dma_wait3A_88 = tpu.memref_slice %arg9[%dma_wait3A_84, %dma_wait3A_86, %dma_wait3A_87] : memref<16x128x16xf32, #tpu.memory_space<vmem>> -> memref<1x128x16xf32, #tpu.memory_space<vmem>>
    %dma_wait3A_89 = tpu.memref_squeeze %dma_wait3A_88 : memref<1x128x16xf32, #tpu.memory_space<vmem>> -> memref<128x16xf32, #tpu.memory_space<vmem>>
    %dma_wait3A_90 = arith.constant 0 : i32
    %dma_wait3A_91 = tpu.memref_slice %arg8[%dma_wait3A_85, %dma_wait3A_90] : memref<16x128xi32, #tpu.memory_space<vmem>> -> memref<1x128xi32, #tpu.memory_space<vmem>>
    %dma_wait3A_92 = tpu.memref_squeeze %dma_wait3A_91 : memref<1x128xi32, #tpu.memory_space<vmem>> -> memref<128xi32, #tpu.memory_space<vmem>>
    %dma_wait3A_93 = arith.constant 0 : i32
    %dma_wait3A_94 = arith.constant 0 : i32
    %dma_wait3A_95 = tpu.memref_slice %arg11[%dma_wait3A_93, %dma_wait3A_94] : memref<10496x16xf32, #tpu.memory_space<vmem_shared>> -> memref<10496x16xf32, #tpu.memory_space<vmem_shared>>
    tpu.wait_indirect_dma semaphore(%arg13 : memref<!tpu.dma_semaphore, #tpu.memory_space<semaphore_mem>>) src(%dma_wait3A_89 : memref<128x16xf32, #tpu.memory_space<vmem>>) dst(%dma_wait3A_95 : memref<10496x16xf32, #tpu.memory_space<vmem_shared>>)
    %dma_wait3A_96 = arith.constant 0 : i32
    %dma_wait3A_97 = arith.constant 0 : i32
    %dma_wait3A_98 = arith.constant 0 : i32
    %dma_wait3A_99 = arith.constant 0 : i32
    %dma_wait3A_100 = tpu.memref_slice %arg9[%dma_wait3A_96, %dma_wait3A_98, %dma_wait3A_99] : memref<16x128x16xf32, #tpu.memory_space<vmem>> -> memref<1x128x16xf32, #tpu.memory_space<vmem>>
    %dma_wait3A_101 = tpu.memref_squeeze %dma_wait3A_100 : memref<1x128x16xf32, #tpu.memory_space<vmem>> -> memref<128x16xf32, #tpu.memory_space<vmem>>
    %dma_wait3A_102 = arith.constant 0 : i32
    %dma_wait3A_103 = tpu.memref_slice %arg8[%dma_wait3A_97, %dma_wait3A_102] : memref<16x128xi32, #tpu.memory_space<vmem>> -> memref<1x128xi32, #tpu.memory_space<vmem>>
    %dma_wait3A_104 = tpu.memref_squeeze %dma_wait3A_103 : memref<1x128xi32, #tpu.memory_space<vmem>> -> memref<128xi32, #tpu.memory_space<vmem>>
    %dma_wait3A_105 = arith.constant 0 : i32
    %dma_wait3A_106 = arith.constant 0 : i32
    %dma_wait3A_107 = tpu.memref_slice %arg11[%dma_wait3A_105, %dma_wait3A_106] : memref<10496x16xf32, #tpu.memory_space<vmem_shared>> -> memref<10496x16xf32, #tpu.memory_space<vmem_shared>>
    tpu.wait_indirect_dma semaphore(%arg13 : memref<!tpu.dma_semaphore, #tpu.memory_space<semaphore_mem>>) src(%dma_wait3A_101 : memref<128x16xf32, #tpu.memory_space<vmem>>) dst(%dma_wait3A_107 : memref<10496x16xf32, #tpu.memory_space<vmem_shared>>)
    %dma_wait3A_108 = arith.constant 0 : i32
    %dma_wait3A_109 = arith.constant 0 : i32
    %dma_wait3A_110 = arith.constant 0 : i32
    %dma_wait3A_111 = arith.constant 0 : i32
    %dma_wait3A_112 = tpu.memref_slice %arg9[%dma_wait3A_108, %dma_wait3A_110, %dma_wait3A_111] : memref<16x128x16xf32, #tpu.memory_space<vmem>> -> memref<1x128x16xf32, #tpu.memory_space<vmem>>
    %dma_wait3A_113 = tpu.memref_squeeze %dma_wait3A_112 : memref<1x128x16xf32, #tpu.memory_space<vmem>> -> memref<128x16xf32, #tpu.memory_space<vmem>>
    %dma_wait3A_114 = arith.constant 0 : i32
    %dma_wait3A_115 = tpu.memref_slice %arg8[%dma_wait3A_109, %dma_wait3A_114] : memref<16x128xi32, #tpu.memory_space<vmem>> -> memref<1x128xi32, #tpu.memory_space<vmem>>
    %dma_wait3A_116 = tpu.memref_squeeze %dma_wait3A_115 : memref<1x128xi32, #tpu.memory_space<vmem>> -> memref<128xi32, #tpu.memory_space<vmem>>
    %dma_wait3A_117 = arith.constant 0 : i32
    %dma_wait3A_118 = arith.constant 0 : i32
    %dma_wait3A_119 = tpu.memref_slice %arg11[%dma_wait3A_117, %dma_wait3A_118] : memref<10496x16xf32, #tpu.memory_space<vmem_shared>> -> memref<10496x16xf32, #tpu.memory_space<vmem_shared>>
    tpu.wait_indirect_dma semaphore(%arg13 : memref<!tpu.dma_semaphore, #tpu.memory_space<semaphore_mem>>) src(%dma_wait3A_113 : memref<128x16xf32, #tpu.memory_space<vmem>>) dst(%dma_wait3A_119 : memref<10496x16xf32, #tpu.memory_space<vmem_shared>>)
    %dma_wait3A_120 = arith.constant 0 : i32
    %dma_wait3A_121 = arith.constant 0 : i32
    %dma_wait3A_122 = arith.constant 0 : i32
    %dma_wait3A_123 = arith.constant 0 : i32
    %dma_wait3A_124 = tpu.memref_slice %arg9[%dma_wait3A_120, %dma_wait3A_122, %dma_wait3A_123] : memref<16x128x16xf32, #tpu.memory_space<vmem>> -> memref<1x128x16xf32, #tpu.memory_space<vmem>>
    %dma_wait3A_125 = tpu.memref_squeeze %dma_wait3A_124 : memref<1x128x16xf32, #tpu.memory_space<vmem>> -> memref<128x16xf32, #tpu.memory_space<vmem>>
    %dma_wait3A_126 = arith.constant 0 : i32
    %dma_wait3A_127 = tpu.memref_slice %arg8[%dma_wait3A_121, %dma_wait3A_126] : memref<16x128xi32, #tpu.memory_space<vmem>> -> memref<1x128xi32, #tpu.memory_space<vmem>>
    %dma_wait3A_128 = tpu.memref_squeeze %dma_wait3A_127 : memref<1x128xi32, #tpu.memory_space<vmem>> -> memref<128xi32, #tpu.memory_space<vmem>>
    %dma_wait3A_129 = arith.constant 0 : i32
    %dma_wait3A_130 = arith.constant 0 : i32
    %dma_wait3A_131 = tpu.memref_slice %arg11[%dma_wait3A_129, %dma_wait3A_130] : memref<10496x16xf32, #tpu.memory_space<vmem_shared>> -> memref<10496x16xf32, #tpu.memory_space<vmem_shared>>
    tpu.wait_indirect_dma semaphore(%arg13 : memref<!tpu.dma_semaphore, #tpu.memory_space<semaphore_mem>>) src(%dma_wait3A_125 : memref<128x16xf32, #tpu.memory_space<vmem>>) dst(%dma_wait3A_131 : memref<10496x16xf32, #tpu.memory_space<vmem_shared>>)
    %barrier3A_132 = arith.constant 0 : index
    tpu.barrier barrier_id(%barrier3A_132)
    %mul3A_133 = arith.constant 656 : i32
    %mul3A_134 = arith.muli %arg1, %mul3A_133 : i32
    %multiple_of3A_135 = tpu.assume_multiple %mul3A_134, 8 : i32
    %mul3A_136 = arith.constant 656 : i32
    %mul3A_137 = arith.muli %arg1, %mul3A_136 : i32
    %multiple_of3A_138 = tpu.assume_multiple %mul3A_137, 8 : i32
    "tpu.region"() ({
      %run_scoped3A = tpu.sem_alloc : memref<!tpu.dma_semaphore, #tpu.memory_space<semaphore_mem>>
      %dma_start3A_139 = arith.constant 0 : i32
      %dma_start3A_140 = tpu.memref_slice %arg6[%arg0, %multiple_of3A_138, %dma_start3A_139] : memref<2x10496x16xf32, #tpu.memory_space<hbm>> -> memref<1x656x16xf32, #tpu.memory_space<hbm>>
      %dma_start3A_141 = tpu.memref_squeeze %dma_start3A_140 : memref<1x656x16xf32, #tpu.memory_space<hbm>> -> memref<656x16xf32, #tpu.memory_space<hbm>>
      %dma_start3A_142 = arith.constant 0 : i32
      %dma_start3A_143 = tpu.memref_slice %arg11[%multiple_of3A_135, %dma_start3A_142] : memref<10496x16xf32, #tpu.memory_space<vmem_shared>> -> memref<656x16xf32, #tpu.memory_space<vmem_shared>>
      tpu.enqueue_dma source(%dma_start3A_143 : memref<656x16xf32, #tpu.memory_space<vmem_shared>>) target(%dma_start3A_141 : memref<656x16xf32, #tpu.memory_space<hbm>>) target_semaphore(%run_scoped3A : memref<!tpu.dma_semaphore, #tpu.memory_space<semaphore_mem>>)
      %dma_wait3A_144 = arith.constant 0 : i32
      %dma_wait3A_145 = tpu.memref_slice %arg6[%arg0, %multiple_of3A_138, %dma_wait3A_144] : memref<2x10496x16xf32, #tpu.memory_space<hbm>> -> memref<1x656x16xf32, #tpu.memory_space<hbm>>
      %dma_wait3A_146 = tpu.memref_squeeze %dma_wait3A_145 : memref<1x656x16xf32, #tpu.memory_space<hbm>> -> memref<656x16xf32, #tpu.memory_space<hbm>>
      %dma_wait3A_147 = arith.constant 0 : i32
      %dma_wait3A_148 = tpu.memref_slice %arg11[%multiple_of3A_135, %dma_wait3A_147] : memref<10496x16xf32, #tpu.memory_space<vmem_shared>> -> memref<656x16xf32, #tpu.memory_space<vmem_shared>>
      tpu.wait_dma2 semaphore(%run_scoped3A : memref<!tpu.dma_semaphore, #tpu.memory_space<semaphore_mem>>) src(%dma_wait3A_148 : memref<656x16xf32, #tpu.memory_space<vmem_shared>>) dst(%dma_wait3A_146 : memref<656x16xf32, #tpu.memory_space<hbm>>)
      tpu.yield
    }) : () -> ()
    return
  }
}

#map = affine_map<(d0, d1) -> (0, 0, 0, 0)>
#map1 = affine_map<(d0, d1) -> (0, 0)>
#map2 = affine_map<(d0, d1) -> (0, 0, 0)>
module attributes {stable_mosaic.version = 14 : i64} {
  func.func @_sc_degree(%arg0: i32, %arg1: i32, %arg2: memref<2x16x80x128xi32, #tpu.memory_space<hbm>>, %arg3: memref<656x16xf32, #tpu.memory_space<hbm>>, %arg4: memref<2x10496x16xf32, #tpu.memory_space<hbm>>, %arg5: memref<80x128xi32, #tpu.memory_space<vmem>>, %arg6: memref<128x16xf32, #tpu.memory_space<vmem>>, %arg7: memref<10496x16xf32, #tpu.memory_space<vmem_shared>>, %arg8: memref<!tpu.dma_semaphore, #tpu.memory_space<semaphore_mem>>) attributes {dimension_semantics = [#tpu.dimension_semantics<core_parallel>, #tpu.dimension_semantics<subcore_parallel>], iteration_bounds = array<i64: 2, 16>, scalar_prefetch = 0 : i64, scratch_operands = 4 : i64, tpu.core_type = #tpu.core_type<sc_vector_subcore>, window_params = [{transform_indices = #map}, {transform_indices = #map1}, {transform_indices = #map2}]} {
    %mul3A = arith.constant 656 : i32
    %mul3A_0 = arith.muli %arg1, %mul3A : i32
    %multiple_of3A = tpu.assume_multiple %mul3A_0, 8 : i32
    "tpu.region"() ({
      %run_scoped3A = tpu.sem_alloc : memref<!tpu.dma_semaphore, #tpu.memory_space<semaphore_mem>>
      %dma_start3A = arith.constant 0 : i32
      %dma_start3A_25 = tpu.memref_slice %arg7[%multiple_of3A, %dma_start3A] : memref<10496x16xf32, #tpu.memory_space<vmem_shared>> -> memref<656x16xf32, #tpu.memory_space<vmem_shared>>
      tpu.enqueue_dma source(%arg3 : memref<656x16xf32, #tpu.memory_space<hbm>>) target(%dma_start3A_25 : memref<656x16xf32, #tpu.memory_space<vmem_shared>>) target_semaphore(%run_scoped3A : memref<!tpu.dma_semaphore, #tpu.memory_space<semaphore_mem>>)
      %dma_wait3A = arith.constant 0 : i32
      %dma_wait3A_26 = tpu.memref_slice %arg7[%multiple_of3A, %dma_wait3A] : memref<10496x16xf32, #tpu.memory_space<vmem_shared>> -> memref<656x16xf32, #tpu.memory_space<vmem_shared>>
      tpu.wait_dma2 semaphore(%run_scoped3A : memref<!tpu.dma_semaphore, #tpu.memory_space<semaphore_mem>>) src(%arg3 : memref<656x16xf32, #tpu.memory_space<hbm>>) dst(%dma_wait3A_26 : memref<656x16xf32, #tpu.memory_space<vmem_shared>>)
      tpu.yield
    }) : () -> ()
    "tpu.region"() ({
      %run_scoped3A = tpu.sem_alloc : memref<!tpu.dma_semaphore, #tpu.memory_space<semaphore_mem>>
      %dma_start3A = arith.constant 0 : i32
      %dma_start3A_25 = arith.constant 0 : i32
      %dma_start3A_26 = tpu.memref_slice %arg2[%arg0, %arg1, %dma_start3A, %dma_start3A_25] : memref<2x16x80x128xi32, #tpu.memory_space<hbm>> -> memref<1x1x80x128xi32, #tpu.memory_space<hbm>>
      %dma_start3A_27 = tpu.memref_squeeze %dma_start3A_26 : memref<1x1x80x128xi32, #tpu.memory_space<hbm>> -> memref<80x128xi32, #tpu.memory_space<hbm>>
      %dma_start3A_28 = arith.constant 0 : i32
      %dma_start3A_29 = arith.constant 0 : i32
      %dma_start3A_30 = tpu.memref_slice %arg2[%arg0, %arg1, %dma_start3A_28, %dma_start3A_29] : memref<2x16x80x128xi32, #tpu.memory_space<hbm>> -> memref<1x1x80x128xi32, #tpu.memory_space<hbm>>
      %dma_start3A_31 = tpu.memref_squeeze %dma_start3A_30 : memref<1x1x80x128xi32, #tpu.memory_space<hbm>> -> memref<80x128xi32, #tpu.memory_space<hbm>>
      tpu.enqueue_dma source(%dma_start3A_31 : memref<80x128xi32, #tpu.memory_space<hbm>>) target(%arg5 : memref<80x128xi32, #tpu.memory_space<vmem>>) target_semaphore(%run_scoped3A : memref<!tpu.dma_semaphore, #tpu.memory_space<semaphore_mem>>)
      %dma_wait3A = arith.constant 0 : i32
      %dma_wait3A_32 = arith.constant 0 : i32
      %dma_wait3A_33 = tpu.memref_slice %arg2[%arg0, %arg1, %dma_wait3A, %dma_wait3A_32] : memref<2x16x80x128xi32, #tpu.memory_space<hbm>> -> memref<1x1x80x128xi32, #tpu.memory_space<hbm>>
      %dma_wait3A_34 = tpu.memref_squeeze %dma_wait3A_33 : memref<1x1x80x128xi32, #tpu.memory_space<hbm>> -> memref<80x128xi32, #tpu.memory_space<hbm>>
      %dma_wait3A_35 = arith.constant 0 : i32
      %dma_wait3A_36 = arith.constant 0 : i32
      %dma_wait3A_37 = tpu.memref_slice %arg2[%arg0, %arg1, %dma_wait3A_35, %dma_wait3A_36] : memref<2x16x80x128xi32, #tpu.memory_space<hbm>> -> memref<1x1x80x128xi32, #tpu.memory_space<hbm>>
      %dma_wait3A_38 = tpu.memref_squeeze %dma_wait3A_37 : memref<1x1x80x128xi32, #tpu.memory_space<hbm>> -> memref<80x128xi32, #tpu.memory_space<hbm>>
      tpu.wait_dma2 semaphore(%run_scoped3A : memref<!tpu.dma_semaphore, #tpu.memory_space<semaphore_mem>>) src(%dma_wait3A_38 : memref<80x128xi32, #tpu.memory_space<hbm>>) dst(%arg5 : memref<80x128xi32, #tpu.memory_space<vmem>>)
      tpu.yield
    }) : () -> ()
    %scan3A = arith.constant 0 : i32
    %scan3A_1 = arith.constant 0 : i32
    %scan3A_2 = arith.constant 128 : i32
    %scan3A_3 = arith.addi %scan3A_1, %scan3A_2 : i32
    %scan3A_4 = arith.constant 1 : i32
    scf.for %scan3A_25 = %scan3A_1 to %scan3A_3 step %scan3A_4  : i32 {
      %broadcast_in_dim3A = arith.constant 1.000000e+00 : f32
      %broadcast_in_dim3A_26 = vector.broadcast %broadcast_in_dim3A : f32 to vector<16xf32>
      %swap3A = arith.index_cast %scan3A_25 : i32 to index
      %swap3A_27 = arith.constant 0 : index
      %swap3A_28 = tpu.vector_load %arg6[%swap3A, %swap3A_27] {strides = array<i32>} : memref<128x16xf32, #tpu.memory_space<vmem>>, vector<1x16xf32>,
      %swap3A_29 = vector.shape_cast %swap3A_28 : vector<1x16xf32> to vector<16xf32>
      %swap3A_30 = vector.shape_cast %broadcast_in_dim3A_26 : vector<16xf32> to vector<1x16xf32>
      tpu.vector_store %arg6[%swap3A, %swap3A_27], %swap3A_30 {strides = array<i32>} : memref<128x16xf32, #tpu.memory_space<vmem>>, vector<1x16xf32>,
    }
    %scan3A_5 = arith.constant 128 : i32
    %barrier3A = arith.constant 0 : index
    tpu.barrier barrier_id(%barrier3A)
    %scan3A_6 = arith.constant 0 : i32
    %scan3A_7 = arith.constant 0 : i32
    %scan3A_8 = arith.constant 80 : i32
    %scan3A_9 = arith.addi %scan3A_7, %scan3A_8 : i32
    %scan3A_10 = arith.constant 1 : i32
    scf.for %scan3A_25 = %scan3A_7 to %scan3A_9 step %scan3A_10  : i32 {
      %dma_start3A = arith.constant 0 : i32
      %dma_start3A_26 = tpu.memref_slice %arg5[%scan3A_25, %dma_start3A] : memref<80x128xi32, #tpu.memory_space<vmem>> -> memref<1x128xi32, #tpu.memory_space<vmem>>
      %dma_start3A_27 = tpu.memref_squeeze %dma_start3A_26 : memref<1x128xi32, #tpu.memory_space<vmem>> -> memref<128xi32, #tpu.memory_space<vmem>>
      %dma_start3A_28 = arith.constant 0 : i32
      %dma_start3A_29 = arith.constant 0 : i32
      %dma_start3A_30 = tpu.memref_slice %arg7[%dma_start3A_28, %dma_start3A_29] : memref<10496x16xf32, #tpu.memory_space<vmem_shared>> -> memref<10496x16xf32, #tpu.memory_space<vmem_shared>>
      tpu.enqueue_indirect_dma source(%arg6 : memref<128x16xf32, #tpu.memory_space<vmem>>) target(%dma_start3A_30 : memref<10496x16xf32, #tpu.memory_space<vmem_shared>>) offsets(%dma_start3A_27 : memref<128xi32, #tpu.memory_space<vmem>>) semaphore(%arg8 : memref<!tpu.dma_semaphore, #tpu.memory_space<semaphore_mem>>) {add = true}
    }
    %scan3A_11 = arith.constant 80 : i32
    %scan3A_12 = arith.constant 0 : i32
    %scan3A_13 = arith.constant 0 : i32
    %scan3A_14 = arith.constant 80 : i32
    %scan3A_15 = arith.addi %scan3A_13, %scan3A_14 : i32
    %scan3A_16 = arith.constant 1 : i32
    scf.for %scan3A_25 = %scan3A_13 to %scan3A_15 step %scan3A_16  : i32 {
      %dma_wait3A = arith.constant 0 : i32
      %dma_wait3A_26 = tpu.memref_slice %arg5[%scan3A_25, %dma_wait3A] : memref<80x128xi32, #tpu.memory_space<vmem>> -> memref<1x128xi32, #tpu.memory_space<vmem>>
      %dma_wait3A_27 = tpu.memref_squeeze %dma_wait3A_26 : memref<1x128xi32, #tpu.memory_space<vmem>> -> memref<128xi32, #tpu.memory_space<vmem>>
      %dma_wait3A_28 = arith.constant 0 : i32
      %dma_wait3A_29 = arith.constant 0 : i32
      %dma_wait3A_30 = tpu.memref_slice %arg7[%dma_wait3A_28, %dma_wait3A_29] : memref<10496x16xf32, #tpu.memory_space<vmem_shared>> -> memref<10496x16xf32, #tpu.memory_space<vmem_shared>>
      tpu.wait_indirect_dma semaphore(%arg8 : memref<!tpu.dma_semaphore, #tpu.memory_space<semaphore_mem>>) src(%arg6 : memref<128x16xf32, #tpu.memory_space<vmem>>) dst(%dma_wait3A_30 : memref<10496x16xf32, #tpu.memory_space<vmem_shared>>)
    }
    %scan3A_17 = arith.constant 80 : i32
    %barrier3A_18 = arith.constant 0 : index
    tpu.barrier barrier_id(%barrier3A_18)
    %mul3A_19 = arith.constant 656 : i32
    %mul3A_20 = arith.muli %arg1, %mul3A_19 : i32
    %multiple_of3A_21 = tpu.assume_multiple %mul3A_20, 8 : i32
    %mul3A_22 = arith.constant 656 : i32
    %mul3A_23 = arith.muli %arg1, %mul3A_22 : i32
    %multiple_of3A_24 = tpu.assume_multiple %mul3A_23, 8 : i32
    "tpu.region"() ({
      %run_scoped3A = tpu.sem_alloc : memref<!tpu.dma_semaphore, #tpu.memory_space<semaphore_mem>>
      %dma_start3A = arith.constant 0 : i32
      %dma_start3A_25 = tpu.memref_slice %arg4[%arg0, %multiple_of3A_24, %dma_start3A] : memref<2x10496x16xf32, #tpu.memory_space<hbm>> -> memref<1x656x16xf32, #tpu.memory_space<hbm>>
      %dma_start3A_26 = tpu.memref_squeeze %dma_start3A_25 : memref<1x656x16xf32, #tpu.memory_space<hbm>> -> memref<656x16xf32, #tpu.memory_space<hbm>>
      %dma_start3A_27 = arith.constant 0 : i32
      %dma_start3A_28 = tpu.memref_slice %arg7[%multiple_of3A_21, %dma_start3A_27] : memref<10496x16xf32, #tpu.memory_space<vmem_shared>> -> memref<656x16xf32, #tpu.memory_space<vmem_shared>>
      tpu.enqueue_dma source(%dma_start3A_28 : memref<656x16xf32, #tpu.memory_space<vmem_shared>>) target(%dma_start3A_26 : memref<656x16xf32, #tpu.memory_space<hbm>>) target_semaphore(%run_scoped3A : memref<!tpu.dma_semaphore, #tpu.memory_space<semaphore_mem>>)
      %dma_wait3A = arith.constant 0 : i32
      %dma_wait3A_29 = tpu.memref_slice %arg4[%arg0, %multiple_of3A_24, %dma_wait3A] : memref<2x10496x16xf32, #tpu.memory_space<hbm>> -> memref<1x656x16xf32, #tpu.memory_space<hbm>>
      %dma_wait3A_30 = tpu.memref_squeeze %dma_wait3A_29 : memref<1x656x16xf32, #tpu.memory_space<hbm>> -> memref<656x16xf32, #tpu.memory_space<hbm>>
      %dma_wait3A_31 = arith.constant 0 : i32
      %dma_wait3A_32 = tpu.memref_slice %arg7[%multiple_of3A_21, %dma_wait3A_31] : memref<10496x16xf32, #tpu.memory_space<vmem_shared>> -> memref<656x16xf32, #tpu.memory_space<vmem_shared>>
      tpu.wait_dma2 semaphore(%run_scoped3A : memref<!tpu.dma_semaphore, #tpu.memory_space<semaphore_mem>>) src(%dma_wait3A_32 : memref<656x16xf32, #tpu.memory_space<vmem_shared>>) dst(%dma_wait3A_30 : memref<656x16xf32, #tpu.memory_space<hbm>>)
      tpu.yield
    }) : () -> ()
    return
  }
}

#map = affine_map<(d0, d1) -> (0, 0, 0)>
#map1 = affine_map<(d0, d1) -> (0, 0)>
module attributes {stable_mosaic.version = 14 : i64} {
  func.func @scat(%arg0: i32, %arg1: i32, %arg2: memref<2x10000x64xf32, #tpu.memory_space<hbm>>, %arg3: memref<16x160x128xi32, #tpu.memory_space<hbm>>, %arg4: memref<16x160x128xi32, #tpu.memory_space<hbm>>, %arg5: memref<656x64xf32, #tpu.memory_space<hbm>>, %arg6: memref<2x10496x64xf32, #tpu.memory_space<hbm>>, %arg7: memref<4x128xi32, #tpu.memory_space<vmem>>, %arg8: memref<4x128xi32, #tpu.memory_space<vmem>>, %arg9: memref<4x128x64xf32, #tpu.memory_space<vmem>>, %arg10: memref<10000x64xf32, #tpu.memory_space<vmem_shared>>, %arg11: memref<10496x64xf32, #tpu.memory_space<vmem_shared>>, %arg12: memref<!tpu.dma_semaphore, #tpu.memory_space<semaphore_mem>>, %arg13: memref<!tpu.dma_semaphore, #tpu.memory_space<semaphore_mem>>, %arg14: memref<!tpu.dma_semaphore, #tpu.memory_space<semaphore_mem>>) attributes {dimension_semantics = [#tpu.dimension_semantics<core_parallel>, #tpu.dimension_semantics<subcore_parallel>], iteration_bounds = array<i64: 2, 16>, scalar_prefetch = 0 : i64, scratch_operands = 8 : i64, tpu.core_type = #tpu.core_type<sc_vector_subcore>, window_params = [{transform_indices = #map}, {transform_indices = #map}, {transform_indices = #map}, {transform_indices = #map1}, {transform_indices = #map}]} {
    %mul3A = arith.constant 656 : i32
    %mul3A_0 = arith.muli %arg1, %mul3A : i32
    %multiple_of3A = tpu.assume_multiple %mul3A_0, 8 : i32
    "tpu.region"() ({
      %run_scoped3A = tpu.sem_alloc : memref<!tpu.dma_semaphore, #tpu.memory_space<semaphore_mem>>
      %dma_start3A_67 = arith.constant 0 : i32
      %dma_start3A_68 = tpu.memref_slice %arg11[%multiple_of3A, %dma_start3A_67] : memref<10496x64xf32, #tpu.memory_space<vmem_shared>> -> memref<656x64xf32, #tpu.memory_space<vmem_shared>>
      tpu.enqueue_dma source(%arg5 : memref<656x64xf32, #tpu.memory_space<hbm>>) target(%dma_start3A_68 : memref<656x64xf32, #tpu.memory_space<vmem_shared>>) target_semaphore(%run_scoped3A : memref<!tpu.dma_semaphore, #tpu.memory_space<semaphore_mem>>)
      %dma_wait3A_69 = arith.constant 0 : i32
      %dma_wait3A_70 = tpu.memref_slice %arg11[%multiple_of3A, %dma_wait3A_69] : memref<10496x64xf32, #tpu.memory_space<vmem_shared>> -> memref<656x64xf32, #tpu.memory_space<vmem_shared>>
      tpu.wait_dma2 semaphore(%run_scoped3A : memref<!tpu.dma_semaphore, #tpu.memory_space<semaphore_mem>>) src(%arg5 : memref<656x64xf32, #tpu.memory_space<hbm>>) dst(%dma_wait3A_70 : memref<656x64xf32, #tpu.memory_space<vmem_shared>>)
      tpu.yield
    }) : () -> ()
    %mul3A_1 = arith.constant 625 : i32
    %mul3A_2 = arith.muli %arg1, %mul3A_1 : i32
    %mul3A_3 = arith.constant 625 : i32
    %mul3A_4 = arith.muli %arg1, %mul3A_3 : i32
    "tpu.region"() ({
      %run_scoped3A = tpu.sem_alloc : memref<!tpu.dma_semaphore, #tpu.memory_space<semaphore_mem>>
      %dma_start3A_67 = arith.constant 0 : i32
      %dma_start3A_68 = tpu.memref_slice %arg10[%mul3A_4, %dma_start3A_67] : memref<10000x64xf32, #tpu.memory_space<vmem_shared>> -> memref<625x64xf32, #tpu.memory_space<vmem_shared>>
      %dma_start3A_69 = arith.constant 0 : i32
      %dma_start3A_70 = tpu.memref_slice %arg2[%arg0, %mul3A_2, %dma_start3A_69] : memref<2x10000x64xf32, #tpu.memory_space<hbm>> -> memref<1x625x64xf32, #tpu.memory_space<hbm>>
      %dma_start3A_71 = tpu.memref_squeeze %dma_start3A_70 : memref<1x625x64xf32, #tpu.memory_space<hbm>> -> memref<625x64xf32, #tpu.memory_space<hbm>>
      tpu.enqueue_dma source(%dma_start3A_71 : memref<625x64xf32, #tpu.memory_space<hbm>>) target(%dma_start3A_68 : memref<625x64xf32, #tpu.memory_space<vmem_shared>>) target_semaphore(%run_scoped3A : memref<!tpu.dma_semaphore, #tpu.memory_space<semaphore_mem>>)
      %dma_wait3A_72 = arith.constant 0 : i32
      %dma_wait3A_73 = tpu.memref_slice %arg10[%mul3A_4, %dma_wait3A_72] : memref<10000x64xf32, #tpu.memory_space<vmem_shared>> -> memref<625x64xf32, #tpu.memory_space<vmem_shared>>
      %dma_wait3A_74 = arith.constant 0 : i32
      %dma_wait3A_75 = tpu.memref_slice %arg2[%arg0, %mul3A_2, %dma_wait3A_74] : memref<2x10000x64xf32, #tpu.memory_space<hbm>> -> memref<1x625x64xf32, #tpu.memory_space<hbm>>
      %dma_wait3A_76 = tpu.memref_squeeze %dma_wait3A_75 : memref<1x625x64xf32, #tpu.memory_space<hbm>> -> memref<625x64xf32, #tpu.memory_space<hbm>>
      tpu.wait_dma2 semaphore(%run_scoped3A : memref<!tpu.dma_semaphore, #tpu.memory_space<semaphore_mem>>) src(%dma_wait3A_76 : memref<625x64xf32, #tpu.memory_space<hbm>>) dst(%dma_wait3A_73 : memref<625x64xf32, #tpu.memory_space<vmem_shared>>)
      tpu.yield
    }) : () -> ()
    %dma_start3A = arith.constant 0 : i32
    %dma_start3A_5 = arith.constant 0 : i32
    %dma_start3A_6 = tpu.memref_slice %arg7[%dma_start3A, %dma_start3A_5] : memref<4x128xi32, #tpu.memory_space<vmem>> -> memref<2x128xi32, #tpu.memory_space<vmem>>
    %dma_start3A_7 = arith.constant 0 : i32
    %dma_start3A_8 = arith.constant 0 : i32
    %dma_start3A_9 = tpu.memref_slice %arg3[%arg1, %dma_start3A_7, %dma_start3A_8] : memref<16x160x128xi32, #tpu.memory_space<hbm>> -> memref<1x2x128xi32, #tpu.memory_space<hbm>>
    %dma_start3A_10 = tpu.memref_squeeze %dma_start3A_9 : memref<1x2x128xi32, #tpu.memory_space<hbm>> -> memref<2x128xi32, #tpu.memory_space<hbm>>
    %dma_start3A_11 = arith.constant 0 : i32
    %dma_start3A_12 = arith.constant 0 : i32
    %dma_start3A_13 = tpu.memref_slice %arg7[%dma_start3A_11, %dma_start3A_12] : memref<4x128xi32, #tpu.memory_space<vmem>> -> memref<2x128xi32, #tpu.memory_space<vmem>>
    %dma_start3A_14 = arith.constant 0 : i32
    %dma_start3A_15 = arith.constant 0 : i32
    %dma_start3A_16 = tpu.memref_slice %arg3[%arg1, %dma_start3A_14, %dma_start3A_15] : memref<16x160x128xi32, #tpu.memory_space<hbm>> -> memref<1x2x128xi32, #tpu.memory_space<hbm>>
    %dma_start3A_17 = tpu.memref_squeeze %dma_start3A_16 : memref<1x2x128xi32, #tpu.memory_space<hbm>> -> memref<2x128xi32, #tpu.memory_space<hbm>>
    tpu.enqueue_dma source(%dma_start3A_17 : memref<2x128xi32, #tpu.memory_space<hbm>>) target(%dma_start3A_13 : memref<2x128xi32, #tpu.memory_space<vmem>>) target_semaphore(%arg14 : memref<!tpu.dma_semaphore, #tpu.memory_space<semaphore_mem>>)
    %dma_start3A_18 = arith.constant 0 : i32
    %dma_start3A_19 = arith.constant 0 : i32
    %dma_start3A_20 = tpu.memref_slice %arg8[%dma_start3A_18, %dma_start3A_19] : memref<4x128xi32, #tpu.memory_space<vmem>> -> memref<2x128xi32, #tpu.memory_space<vmem>>
    %dma_start3A_21 = arith.constant 0 : i32
    %dma_start3A_22 = arith.constant 0 : i32
    %dma_start3A_23 = tpu.memref_slice %arg4[%arg1, %dma_start3A_21, %dma_start3A_22] : memref<16x160x128xi32, #tpu.memory_space<hbm>> -> memref<1x2x128xi32, #tpu.memory_space<hbm>>
    %dma_start3A_24 = tpu.memref_squeeze %dma_start3A_23 : memref<1x2x128xi32, #tpu.memory_space<hbm>> -> memref<2x128xi32, #tpu.memory_space<hbm>>
    %dma_start3A_25 = arith.constant 0 : i32
    %dma_start3A_26 = arith.constant 0 : i32
    %dma_start3A_27 = tpu.memref_slice %arg8[%dma_start3A_25, %dma_start3A_26] : memref<4x128xi32, #tpu.memory_space<vmem>> -> memref<2x128xi32, #tpu.memory_space<vmem>>
    %dma_start3A_28 = arith.constant 0 : i32
    %dma_start3A_29 = arith.constant 0 : i32
    %dma_start3A_30 = tpu.memref_slice %arg4[%arg1, %dma_start3A_28, %dma_start3A_29] : memref<16x160x128xi32, #tpu.memory_space<hbm>> -> memref<1x2x128xi32, #tpu.memory_space<hbm>>
    %dma_start3A_31 = tpu.memref_squeeze %dma_start3A_30 : memref<1x2x128xi32, #tpu.memory_space<hbm>> -> memref<2x128xi32, #tpu.memory_space<hbm>>
    tpu.enqueue_dma source(%dma_start3A_31 : memref<2x128xi32, #tpu.memory_space<hbm>>) target(%dma_start3A_27 : memref<2x128xi32, #tpu.memory_space<vmem>>) target_semaphore(%arg14 : memref<!tpu.dma_semaphore, #tpu.memory_space<semaphore_mem>>)
    %barrier3A = arith.constant 0 : index
    tpu.barrier barrier_id(%barrier3A)
    %scan3A = arith.constant 0 : i32
    %scan3A_32 = arith.constant 0 : i32
    %scan3A_33 = arith.constant 80 : i32
    %scan3A_34 = arith.addi %scan3A_32, %scan3A_33 : i32
    %scan3A_35 = arith.constant 1 : i32
    scf.for %scan3A_67 = %scan3A_32 to %scan3A_34 step %scan3A_35  : i32 {
      %rem3A = arith.constant 2 : i32
      %rem3A_68 = arith.remsi %scan3A_67, %rem3A : i32
      %mul3A_69 = arith.constant 2 : i32
      %mul3A_70 = arith.muli %rem3A_68, %mul3A_69 : i32
      %dma_wait3A_71 = arith.constant 0 : i32
      %dma_wait3A_72 = arith.constant 0 : i32
      %dma_wait3A_73 = tpu.memref_slice %arg7[%dma_wait3A_71, %dma_wait3A_72] : memref<4x128xi32, #tpu.memory_space<vmem>> -> memref<2x128xi32, #tpu.memory_space<vmem>>
      %dma_wait3A_74 = arith.constant 0 : i32
      %dma_wait3A_75 = arith.constant 0 : i32
      %dma_wait3A_76 = tpu.memref_slice %arg3[%arg1, %dma_wait3A_74, %dma_wait3A_75] : memref<16x160x128xi32, #tpu.memory_space<hbm>> -> memref<1x2x128xi32, #tpu.memory_space<hbm>>
      %dma_wait3A_77 = tpu.memref_squeeze %dma_wait3A_76 : memref<1x2x128xi32, #tpu.memory_space<hbm>> -> memref<2x128xi32, #tpu.memory_space<hbm>>
      %dma_wait3A_78 = arith.constant 0 : i32
      %dma_wait3A_79 = arith.constant 0 : i32
      %dma_wait3A_80 = tpu.memref_slice %arg7[%dma_wait3A_78, %dma_wait3A_79] : memref<4x128xi32, #tpu.memory_space<vmem>> -> memref<2x128xi32, #tpu.memory_space<vmem>>
      %dma_wait3A_81 = arith.constant 0 : i32
      %dma_wait3A_82 = arith.constant 0 : i32
      %dma_wait3A_83 = tpu.memref_slice %arg3[%arg1, %dma_wait3A_81, %dma_wait3A_82] : memref<16x160x128xi32, #tpu.memory_space<hbm>> -> memref<1x2x128xi32, #tpu.memory_space<hbm>>
      %dma_wait3A_84 = tpu.memref_squeeze %dma_wait3A_83 : memref<1x2x128xi32, #tpu.memory_space<hbm>> -> memref<2x128xi32, #tpu.memory_space<hbm>>
      tpu.wait_dma2 semaphore(%arg14 : memref<!tpu.dma_semaphore, #tpu.memory_space<semaphore_mem>>) src(%dma_wait3A_84 : memref<2x128xi32, #tpu.memory_space<hbm>>) dst(%dma_wait3A_80 : memref<2x128xi32, #tpu.memory_space<vmem>>)
      %dma_wait3A_85 = arith.constant 0 : i32
      %dma_wait3A_86 = arith.constant 0 : i32
      %dma_wait3A_87 = tpu.memref_slice %arg8[%dma_wait3A_85, %dma_wait3A_86] : memref<4x128xi32, #tpu.memory_space<vmem>> -> memref<2x128xi32, #tpu.memory_space<vmem>>
      %dma_wait3A_88 = arith.constant 0 : i32
      %dma_wait3A_89 = arith.constant 0 : i32
      %dma_wait3A_90 = tpu.memref_slice %arg4[%arg1, %dma_wait3A_88, %dma_wait3A_89] : memref<16x160x128xi32, #tpu.memory_space<hbm>> -> memref<1x2x128xi32, #tpu.memory_space<hbm>>
      %dma_wait3A_91 = tpu.memref_squeeze %dma_wait3A_90 : memref<1x2x128xi32, #tpu.memory_space<hbm>> -> memref<2x128xi32, #tpu.memory_space<hbm>>
      %dma_wait3A_92 = arith.constant 0 : i32
      %dma_wait3A_93 = arith.constant 0 : i32
      %dma_wait3A_94 = tpu.memref_slice %arg8[%dma_wait3A_92, %dma_wait3A_93] : memref<4x128xi32, #tpu.memory_space<vmem>> -> memref<2x128xi32, #tpu.memory_space<vmem>>
      %dma_wait3A_95 = arith.constant 0 : i32
      %dma_wait3A_96 = arith.constant 0 : i32
      %dma_wait3A_97 = tpu.memref_slice %arg4[%arg1, %dma_wait3A_95, %dma_wait3A_96] : memref<16x160x128xi32, #tpu.memory_space<hbm>> -> memref<1x2x128xi32, #tpu.memory_space<hbm>>
      %dma_wait3A_98 = tpu.memref_squeeze %dma_wait3A_97 : memref<1x2x128xi32, #tpu.memory_space<hbm>> -> memref<2x128xi32, #tpu.memory_space<hbm>>
      tpu.wait_dma2 semaphore(%arg14 : memref<!tpu.dma_semaphore, #tpu.memory_space<semaphore_mem>>) src(%dma_wait3A_98 : memref<2x128xi32, #tpu.memory_space<hbm>>) dst(%dma_wait3A_94 : memref<2x128xi32, #tpu.memory_space<vmem>>)
      %add3A = arith.constant 0 : i32
      %add3A_99 = arith.addi %mul3A_70, %add3A : i32
      %add3A_100 = arith.constant 0 : i32
      %add3A_101 = arith.addi %mul3A_70, %add3A_100 : i32
      %dma_start3A_102 = arith.constant 0 : i32
      %dma_start3A_103 = arith.constant 0 : i32
      %dma_start3A_104 = tpu.memref_slice %arg9[%add3A_101, %dma_start3A_102, %dma_start3A_103] : memref<4x128x64xf32, #tpu.memory_space<vmem>> -> memref<1x128x64xf32, #tpu.memory_space<vmem>>
      %dma_start3A_105 = tpu.memref_squeeze %dma_start3A_104 : memref<1x128x64xf32, #tpu.memory_space<vmem>> -> memref<128x64xf32, #tpu.memory_space<vmem>>
      %dma_start3A_106 = arith.constant 0 : i32
      %dma_start3A_107 = tpu.memref_slice %arg7[%add3A_99, %dma_start3A_106] : memref<4x128xi32, #tpu.memory_space<vmem>> -> memref<1x128xi32, #tpu.memory_space<vmem>>
      %dma_start3A_108 = tpu.memref_squeeze %dma_start3A_107 : memref<1x128xi32, #tpu.memory_space<vmem>> -> memref<128xi32, #tpu.memory_space<vmem>>
      %dma_start3A_109 = arith.constant 0 : i32
      %dma_start3A_110 = arith.constant 0 : i32
      %dma_start3A_111 = tpu.memref_slice %arg10[%dma_start3A_109, %dma_start3A_110] : memref<10000x64xf32, #tpu.memory_space<vmem_shared>> -> memref<10000x64xf32, #tpu.memory_space<vmem_shared>>
      tpu.enqueue_indirect_dma source(%dma_start3A_111 : memref<10000x64xf32, #tpu.memory_space<vmem_shared>>) target(%dma_start3A_105 : memref<128x64xf32, #tpu.memory_space<vmem>>) offsets(%dma_start3A_108 : memref<128xi32, #tpu.memory_space<vmem>>) semaphore(%arg12 : memref<!tpu.dma_semaphore, #tpu.memory_space<semaphore_mem>>)
      %add3A_112 = arith.constant 1 : i32
      %add3A_113 = arith.addi %mul3A_70, %add3A_112 : i32
      %add3A_114 = arith.constant 1 : i32
      %add3A_115 = arith.addi %mul3A_70, %add3A_114 : i32
      %dma_start3A_116 = arith.constant 0 : i32
      %dma_start3A_117 = arith.constant 0 : i32
      %dma_start3A_118 = tpu.memref_slice %arg9[%add3A_115, %dma_start3A_116, %dma_start3A_117] : memref<4x128x64xf32, #tpu.memory_space<vmem>> -> memref<1x128x64xf32, #tpu.memory_space<vmem>>
      %dma_start3A_119 = tpu.memref_squeeze %dma_start3A_118 : memref<1x128x64xf32, #tpu.memory_space<vmem>> -> memref<128x64xf32, #tpu.memory_space<vmem>>
      %dma_start3A_120 = arith.constant 0 : i32
      %dma_start3A_121 = tpu.memref_slice %arg7[%add3A_113, %dma_start3A_120] : memref<4x128xi32, #tpu.memory_space<vmem>> -> memref<1x128xi32, #tpu.memory_space<vmem>>
      %dma_start3A_122 = tpu.memref_squeeze %dma_start3A_121 : memref<1x128xi32, #tpu.memory_space<vmem>> -> memref<128xi32, #tpu.memory_space<vmem>>
      %dma_start3A_123 = arith.constant 0 : i32
      %dma_start3A_124 = arith.constant 0 : i32
      %dma_start3A_125 = tpu.memref_slice %arg10[%dma_start3A_123, %dma_start3A_124] : memref<10000x64xf32, #tpu.memory_space<vmem_shared>> -> memref<10000x64xf32, #tpu.memory_space<vmem_shared>>
      tpu.enqueue_indirect_dma source(%dma_start3A_125 : memref<10000x64xf32, #tpu.memory_space<vmem_shared>>) target(%dma_start3A_119 : memref<128x64xf32, #tpu.memory_space<vmem>>) offsets(%dma_start3A_122 : memref<128xi32, #tpu.memory_space<vmem>>) semaphore(%arg12 : memref<!tpu.dma_semaphore, #tpu.memory_space<semaphore_mem>>)
      %ge3A = arith.constant 1 : i32
      %ge3A_126 = arith.cmpi sge, %scan3A_67, %ge3A : i32
      %convert_element_type3A = arith.extui %ge3A_126 : i1 to i32
      %cond3A = arith.constant 0 : i32
      %cond3A_127 = arith.cmpi ne, %convert_element_type3A, %cond3A : i32
      scf.if %cond3A_127 {
        %add3A_182 = arith.constant 0 : i32
        %add3A_183 = arith.addi %mul3A_70, %add3A_182 : i32
        %add3A_184 = arith.constant 0 : i32
        %add3A_185 = arith.addi %mul3A_70, %add3A_184 : i32
        %dma_wait3A_186 = arith.constant 0 : i32
        %dma_wait3A_187 = arith.constant 0 : i32
        %dma_wait3A_188 = tpu.memref_slice %arg9[%add3A_183, %dma_wait3A_186, %dma_wait3A_187] : memref<4x128x64xf32, #tpu.memory_space<vmem>> -> memref<1x128x64xf32, #tpu.memory_space<vmem>>
        %dma_wait3A_189 = tpu.memref_squeeze %dma_wait3A_188 : memref<1x128x64xf32, #tpu.memory_space<vmem>> -> memref<128x64xf32, #tpu.memory_space<vmem>>
        %dma_wait3A_190 = arith.constant 0 : i32
        %dma_wait3A_191 = tpu.memref_slice %arg8[%add3A_185, %dma_wait3A_190] : memref<4x128xi32, #tpu.memory_space<vmem>> -> memref<1x128xi32, #tpu.memory_space<vmem>>
        %dma_wait3A_192 = tpu.memref_squeeze %dma_wait3A_191 : memref<1x128xi32, #tpu.memory_space<vmem>> -> memref<128xi32, #tpu.memory_space<vmem>>
        %dma_wait3A_193 = arith.constant 0 : i32
        %dma_wait3A_194 = arith.constant 0 : i32
        %dma_wait3A_195 = tpu.memref_slice %arg11[%dma_wait3A_193, %dma_wait3A_194] : memref<10496x64xf32, #tpu.memory_space<vmem_shared>> -> memref<10496x64xf32, #tpu.memory_space<vmem_shared>>
        tpu.wait_indirect_dma semaphore(%arg13 : memref<!tpu.dma_semaphore, #tpu.memory_space<semaphore_mem>>) src(%dma_wait3A_189 : memref<128x64xf32, #tpu.memory_space<vmem>>) dst(%dma_wait3A_195 : memref<10496x64xf32, #tpu.memory_space<vmem_shared>>)
        %add3A_196 = arith.constant 1 : i32
        %add3A_197 = arith.addi %mul3A_70, %add3A_196 : i32
        %add3A_198 = arith.constant 1 : i32
        %add3A_199 = arith.addi %mul3A_70, %add3A_198 : i32
        %dma_wait3A_200 = arith.constant 0 : i32
        %dma_wait3A_201 = arith.constant 0 : i32
        %dma_wait3A_202 = tpu.memref_slice %arg9[%add3A_197, %dma_wait3A_200, %dma_wait3A_201] : memref<4x128x64xf32, #tpu.memory_space<vmem>> -> memref<1x128x64xf32, #tpu.memory_space<vmem>>
        %dma_wait3A_203 = tpu.memref_squeeze %dma_wait3A_202 : memref<1x128x64xf32, #tpu.memory_space<vmem>> -> memref<128x64xf32, #tpu.memory_space<vmem>>
        %dma_wait3A_204 = arith.constant 0 : i32
        %dma_wait3A_205 = tpu.memref_slice %arg8[%add3A_199, %dma_wait3A_204] : memref<4x128xi32, #tpu.memory_space<vmem>> -> memref<1x128xi32, #tpu.memory_space<vmem>>
        %dma_wait3A_206 = tpu.memref_squeeze %dma_wait3A_205 : memref<1x128xi32, #tpu.memory_space<vmem>> -> memref<128xi32, #tpu.memory_space<vmem>>
        %dma_wait3A_207 = arith.constant 0 : i32
        %dma_wait3A_208 = arith.constant 0 : i32
        %dma_wait3A_209 = tpu.memref_slice %arg11[%dma_wait3A_207, %dma_wait3A_208] : memref<10496x64xf32, #tpu.memory_space<vmem_shared>> -> memref<10496x64xf32, #tpu.memory_space<vmem_shared>>
        tpu.wait_indirect_dma semaphore(%arg13 : memref<!tpu.dma_semaphore, #tpu.memory_space<semaphore_mem>>) src(%dma_wait3A_203 : memref<128x64xf32, #tpu.memory_space<vmem>>) dst(%dma_wait3A_209 : memref<10496x64xf32, #tpu.memory_space<vmem_shared>>)
      } else {
      }
      %dma_wait3A_128 = arith.constant 0 : i32
      %dma_wait3A_129 = arith.constant 0 : i32
      %dma_wait3A_130 = tpu.memref_slice %arg9[%add3A_101, %dma_wait3A_128, %dma_wait3A_129] : memref<4x128x64xf32, #tpu.memory_space<vmem>> -> memref<1x128x64xf32, #tpu.memory_space<vmem>>
      %dma_wait3A_131 = tpu.memref_squeeze %dma_wait3A_130 : memref<1x128x64xf32, #tpu.memory_space<vmem>> -> memref<128x64xf32, #tpu.memory_space<vmem>>
      %dma_wait3A_132 = arith.constant 0 : i32
      %dma_wait3A_133 = tpu.memref_slice %arg7[%add3A_99, %dma_wait3A_132] : memref<4x128xi32, #tpu.memory_space<vmem>> -> memref<1x128xi32, #tpu.memory_space<vmem>>
      %dma_wait3A_134 = tpu.memref_squeeze %dma_wait3A_133 : memref<1x128xi32, #tpu.memory_space<vmem>> -> memref<128xi32, #tpu.memory_space<vmem>>
      %dma_wait3A_135 = arith.constant 0 : i32
      %dma_wait3A_136 = arith.constant 0 : i32
      %dma_wait3A_137 = tpu.memref_slice %arg10[%dma_wait3A_135, %dma_wait3A_136] : memref<10000x64xf32, #tpu.memory_space<vmem_shared>> -> memref<10000x64xf32, #tpu.memory_space<vmem_shared>>
      tpu.wait_indirect_dma semaphore(%arg12 : memref<!tpu.dma_semaphore, #tpu.memory_space<semaphore_mem>>) src(%dma_wait3A_137 : memref<10000x64xf32, #tpu.memory_space<vmem_shared>>) dst(%dma_wait3A_131 : memref<128x64xf32, #tpu.memory_space<vmem>>)
      %add3A_138 = arith.constant 0 : i32
      %add3A_139 = arith.addi %mul3A_70, %add3A_138 : i32
      %add3A_140 = arith.constant 0 : i32
      %add3A_141 = arith.addi %mul3A_70, %add3A_140 : i32
      %dma_start3A_142 = arith.constant 0 : i32
      %dma_start3A_143 = arith.constant 0 : i32
      %dma_start3A_144 = tpu.memref_slice %arg9[%add3A_139, %dma_start3A_142, %dma_start3A_143] : memref<4x128x64xf32, #tpu.memory_space<vmem>> -> memref<1x128x64xf32, #tpu.memory_space<vmem>>
      %dma_start3A_145 = tpu.memref_squeeze %dma_start3A_144 : memref<1x128x64xf32, #tpu.memory_space<vmem>> -> memref<128x64xf32, #tpu.memory_space<vmem>>
      %dma_start3A_146 = arith.constant 0 : i32
      %dma_start3A_147 = tpu.memref_slice %arg8[%add3A_141, %dma_start3A_146] : memref<4x128xi32, #tpu.memory_space<vmem>> -> memref<1x128xi32, #tpu.memory_space<vmem>>
      %dma_start3A_148 = tpu.memref_squeeze %dma_start3A_147 : memref<1x128xi32, #tpu.memory_space<vmem>> -> memref<128xi32, #tpu.memory_space<vmem>>
      %dma_start3A_149 = arith.constant 0 : i32
      %dma_start3A_150 = arith.constant 0 : i32
      %dma_start3A_151 = tpu.memref_slice %arg11[%dma_start3A_149, %dma_start3A_150] : memref<10496x64xf32, #tpu.memory_space<vmem_shared>> -> memref<10496x64xf32, #tpu.memory_space<vmem_shared>>
      tpu.enqueue_indirect_dma source(%dma_start3A_145 : memref<128x64xf32, #tpu.memory_space<vmem>>) target(%dma_start3A_151 : memref<10496x64xf32, #tpu.memory_space<vmem_shared>>) offsets(%dma_start3A_148 : memref<128xi32, #tpu.memory_space<vmem>>) semaphore(%arg13 : memref<!tpu.dma_semaphore, #tpu.memory_space<semaphore_mem>>) {add = true}
      %dma_wait3A_152 = arith.constant 0 : i32
      %dma_wait3A_153 = arith.constant 0 : i32
      %dma_wait3A_154 = tpu.memref_slice %arg9[%add3A_115, %dma_wait3A_152, %dma_wait3A_153] : memref<4x128x64xf32, #tpu.memory_space<vmem>> -> memref<1x128x64xf32, #tpu.memory_space<vmem>>
      %dma_wait3A_155 = tpu.memref_squeeze %dma_wait3A_154 : memref<1x128x64xf32, #tpu.memory_space<vmem>> -> memref<128x64xf32, #tpu.memory_space<vmem>>
      %dma_wait3A_156 = arith.constant 0 : i32
      %dma_wait3A_157 = tpu.memref_slice %arg7[%add3A_113, %dma_wait3A_156] : memref<4x128xi32, #tpu.memory_space<vmem>> -> memref<1x128xi32, #tpu.memory_space<vmem>>
      %dma_wait3A_158 = tpu.memref_squeeze %dma_wait3A_157 : memref<1x128xi32, #tpu.memory_space<vmem>> -> memref<128xi32, #tpu.memory_space<vmem>>
      %dma_wait3A_159 = arith.constant 0 : i32
      %dma_wait3A_160 = arith.constant 0 : i32
      %dma_wait3A_161 = tpu.memref_slice %arg10[%dma_wait3A_159, %dma_wait3A_160] : memref<10000x64xf32, #tpu.memory_space<vmem_shared>> -> memref<10000x64xf32, #tpu.memory_space<vmem_shared>>
      tpu.wait_indirect_dma semaphore(%arg12 : memref<!tpu.dma_semaphore, #tpu.memory_space<semaphore_mem>>) src(%dma_wait3A_161 : memref<10000x64xf32, #tpu.memory_space<vmem_shared>>) dst(%dma_wait3A_155 : memref<128x64xf32, #tpu.memory_space<vmem>>)
      %add3A_162 = arith.constant 1 : i32
      %add3A_163 = arith.addi %mul3A_70, %add3A_162 : i32
      %add3A_164 = arith.constant 1 : i32
      %add3A_165 = arith.addi %mul3A_70, %add3A_164 : i32
      %dma_start3A_166 = arith.constant 0 : i32
      %dma_start3A_167 = arith.constant 0 : i32
      %dma_start3A_168 = tpu.memref_slice %arg9[%add3A_163, %dma_start3A_166, %dma_start3A_167] : memref<4x128x64xf32, #tpu.memory_space<vmem>> -> memref<1x128x64xf32, #tpu.memory_space<vmem>>
      %dma_start3A_169 = tpu.memref_squeeze %dma_start3A_168 : memref<1x128x64xf32, #tpu.memory_space<vmem>> -> memref<128x64xf32, #tpu.memory_space<vmem>>
      %dma_start3A_170 = arith.constant 0 : i32
      %dma_start3A_171 = tpu.memref_slice %arg8[%add3A_165, %dma_start3A_170] : memref<4x128xi32, #tpu.memory_space<vmem>> -> memref<1x128xi32, #tpu.memory_space<vmem>>
      %dma_start3A_172 = tpu.memref_squeeze %dma_start3A_171 : memref<1x128xi32, #tpu.memory_space<vmem>> -> memref<128xi32, #tpu.memory_space<vmem>>
      %dma_start3A_173 = arith.constant 0 : i32
      %dma_start3A_174 = arith.constant 0 : i32
      %dma_start3A_175 = tpu.memref_slice %arg11[%dma_start3A_173, %dma_start3A_174] : memref<10496x64xf32, #tpu.memory_space<vmem_shared>> -> memref<10496x64xf32, #tpu.memory_space<vmem_shared>>
      tpu.enqueue_indirect_dma source(%dma_start3A_169 : memref<128x64xf32, #tpu.memory_space<vmem>>) target(%dma_start3A_175 : memref<10496x64xf32, #tpu.memory_space<vmem_shared>>) offsets(%dma_start3A_172 : memref<128xi32, #tpu.memory_space<vmem>>) semaphore(%arg13 : memref<!tpu.dma_semaphore, #tpu.memory_space<semaphore_mem>>) {add = true}
      %add3A_176 = arith.constant 1 : i32
      %add3A_177 = arith.addi %scan3A_67, %add3A_176 : i32
      %lt3A = arith.constant 80 : i32
      %lt3A_178 = arith.cmpi slt, %add3A_177, %lt3A : i32
      %convert_element_type3A_179 = arith.extui %lt3A_178 : i1 to i32
      %cond3A_180 = arith.constant 0 : i32
      %cond3A_181 = arith.cmpi ne, %convert_element_type3A_179, %cond3A_180 : i32
      scf.if %cond3A_181 {
        %rem3A_182 = arith.constant 2 : i32
        %rem3A_183 = arith.remsi %scan3A_67, %rem3A_182 : i32
        %sub3A = arith.constant 1 : i32
        %sub3A_184 = arith.subi %sub3A, %rem3A_183 : i32
        %mul3A_185 = arith.constant 2 : i32
        %mul3A_186 = arith.muli %sub3A_184, %mul3A_185 : i32
        %add3A_187 = arith.constant 1 : i32
        %add3A_188 = arith.addi %scan3A_67, %add3A_187 : i32
        %mul3A_189 = arith.constant 2 : i32
        %mul3A_190 = arith.muli %add3A_188, %mul3A_189 : i32
        %dma_start3A_191 = arith.constant 0 : i32
        %dma_start3A_192 = tpu.memref_slice %arg7[%mul3A_186, %dma_start3A_191] : memref<4x128xi32, #tpu.memory_space<vmem>> -> memref<2x128xi32, #tpu.memory_space<vmem>>
        %dma_start3A_193 = arith.constant 0 : i32
        %dma_start3A_194 = tpu.memref_slice %arg3[%arg1, %mul3A_190, %dma_start3A_193] : memref<16x160x128xi32, #tpu.memory_space<hbm>> -> memref<1x2x128xi32, #tpu.memory_space<hbm>>
        %dma_start3A_195 = tpu.memref_squeeze %dma_start3A_194 : memref<1x2x128xi32, #tpu.memory_space<hbm>> -> memref<2x128xi32, #tpu.memory_space<hbm>>
        %dma_start3A_196 = arith.constant 0 : i32
        %dma_start3A_197 = tpu.memref_slice %arg7[%mul3A_186, %dma_start3A_196] : memref<4x128xi32, #tpu.memory_space<vmem>> -> memref<2x128xi32, #tpu.memory_space<vmem>>
        %dma_start3A_198 = arith.constant 0 : i32
        %dma_start3A_199 = tpu.memref_slice %arg3[%arg1, %mul3A_190, %dma_start3A_198] : memref<16x160x128xi32, #tpu.memory_space<hbm>> -> memref<1x2x128xi32, #tpu.memory_space<hbm>>
        %dma_start3A_200 = tpu.memref_squeeze %dma_start3A_199 : memref<1x2x128xi32, #tpu.memory_space<hbm>> -> memref<2x128xi32, #tpu.memory_space<hbm>>
        tpu.enqueue_dma source(%dma_start3A_200 : memref<2x128xi32, #tpu.memory_space<hbm>>) target(%dma_start3A_197 : memref<2x128xi32, #tpu.memory_space<vmem>>) target_semaphore(%arg14 : memref<!tpu.dma_semaphore, #tpu.memory_space<semaphore_mem>>)
        %dma_start3A_201 = arith.constant 0 : i32
        %dma_start3A_202 = tpu.memref_slice %arg8[%mul3A_186, %dma_start3A_201] : memref<4x128xi32, #tpu.memory_space<vmem>> -> memref<2x128xi32, #tpu.memory_space<vmem>>
        %dma_start3A_203 = arith.constant 0 : i32
        %dma_start3A_204 = tpu.memref_slice %arg4[%arg1, %mul3A_190, %dma_start3A_203] : memref<16x160x128xi32, #tpu.memory_space<hbm>> -> memref<1x2x128xi32, #tpu.memory_space<hbm>>
        %dma_start3A_205 = tpu.memref_squeeze %dma_start3A_204 : memref<1x2x128xi32, #tpu.memory_space<hbm>> -> memref<2x128xi32, #tpu.memory_space<hbm>>
        %dma_start3A_206 = arith.constant 0 : i32
        %dma_start3A_207 = tpu.memref_slice %arg8[%mul3A_186, %dma_start3A_206] : memref<4x128xi32, #tpu.memory_space<vmem>> -> memref<2x128xi32, #tpu.memory_space<vmem>>
        %dma_start3A_208 = arith.constant 0 : i32
        %dma_start3A_209 = tpu.memref_slice %arg4[%arg1, %mul3A_190, %dma_start3A_208] : memref<16x160x128xi32, #tpu.memory_space<hbm>> -> memref<1x2x128xi32, #tpu.memory_space<hbm>>
        %dma_start3A_210 = tpu.memref_squeeze %dma_start3A_209 : memref<1x2x128xi32, #tpu.memory_space<hbm>> -> memref<2x128xi32, #tpu.memory_space<hbm>>
        tpu.enqueue_dma source(%dma_start3A_210 : memref<2x128xi32, #tpu.memory_space<hbm>>) target(%dma_start3A_207 : memref<2x128xi32, #tpu.memory_space<vmem>>) target_semaphore(%arg14 : memref<!tpu.dma_semaphore, #tpu.memory_space<semaphore_mem>>)
      } else {
      }
    }
    %scan3A_36 = arith.constant 80 : i32
    %dma_wait3A = arith.constant 0 : i32
    %dma_wait3A_37 = arith.constant 0 : i32
    %dma_wait3A_38 = arith.constant 0 : i32
    %dma_wait3A_39 = arith.constant 0 : i32
    %dma_wait3A_40 = tpu.memref_slice %arg9[%dma_wait3A, %dma_wait3A_38, %dma_wait3A_39] : memref<4x128x64xf32, #tpu.memory_space<vmem>> -> memref<1x128x64xf32, #tpu.memory_space<vmem>>
    %dma_wait3A_41 = tpu.memref_squeeze %dma_wait3A_40 : memref<1x128x64xf32, #tpu.memory_space<vmem>> -> memref<128x64xf32, #tpu.memory_space<vmem>>
    %dma_wait3A_42 = arith.constant 0 : i32
    %dma_wait3A_43 = tpu.memref_slice %arg8[%dma_wait3A_37, %dma_wait3A_42] : memref<4x128xi32, #tpu.memory_space<vmem>> -> memref<1x128xi32, #tpu.memory_space<vmem>>
    %dma_wait3A_44 = tpu.memref_squeeze %dma_wait3A_43 : memref<1x128xi32, #tpu.memory_space<vmem>> -> memref<128xi32, #tpu.memory_space<vmem>>
    %dma_wait3A_45 = arith.constant 0 : i32
    %dma_wait3A_46 = arith.constant 0 : i32
    %dma_wait3A_47 = tpu.memref_slice %arg11[%dma_wait3A_45, %dma_wait3A_46] : memref<10496x64xf32, #tpu.memory_space<vmem_shared>> -> memref<10496x64xf32, #tpu.memory_space<vmem_shared>>
    tpu.wait_indirect_dma semaphore(%arg13 : memref<!tpu.dma_semaphore, #tpu.memory_space<semaphore_mem>>) src(%dma_wait3A_41 : memref<128x64xf32, #tpu.memory_space<vmem>>) dst(%dma_wait3A_47 : memref<10496x64xf32, #tpu.memory_space<vmem_shared>>)
    %dma_wait3A_48 = arith.constant 0 : i32
    %dma_wait3A_49 = arith.constant 0 : i32
    %dma_wait3A_50 = arith.constant 0 : i32
    %dma_wait3A_51 = arith.constant 0 : i32
    %dma_wait3A_52 = tpu.memref_slice %arg9[%dma_wait3A_48, %dma_wait3A_50, %dma_wait3A_51] : memref<4x128x64xf32, #tpu.memory_space<vmem>> -> memref<1x128x64xf32, #tpu.memory_space<vmem>>
    %dma_wait3A_53 = tpu.memref_squeeze %dma_wait3A_52 : memref<1x128x64xf32, #tpu.memory_space<vmem>> -> memref<128x64xf32, #tpu.memory_space<vmem>>
    %dma_wait3A_54 = arith.constant 0 : i32
    %dma_wait3A_55 = tpu.memref_slice %arg8[%dma_wait3A_49, %dma_wait3A_54] : memref<4x128xi32, #tpu.memory_space<vmem>> -> memref<1x128xi32, #tpu.memory_space<vmem>>
    %dma_wait3A_56 = tpu.memref_squeeze %dma_wait3A_55 : memref<1x128xi32, #tpu.memory_space<vmem>> -> memref<128xi32, #tpu.memory_space<vmem>>
    %dma_wait3A_57 = arith.constant 0 : i32
    %dma_wait3A_58 = arith.constant 0 : i32
    %dma_wait3A_59 = tpu.memref_slice %arg11[%dma_wait3A_57, %dma_wait3A_58] : memref<10496x64xf32, #tpu.memory_space<vmem_shared>> -> memref<10496x64xf32, #tpu.memory_space<vmem_shared>>
    tpu.wait_indirect_dma semaphore(%arg13 : memref<!tpu.dma_semaphore, #tpu.memory_space<semaphore_mem>>) src(%dma_wait3A_53 : memref<128x64xf32, #tpu.memory_space<vmem>>) dst(%dma_wait3A_59 : memref<10496x64xf32, #tpu.memory_space<vmem_shared>>)
    %barrier3A_60 = arith.constant 0 : index
    tpu.barrier barrier_id(%barrier3A_60)
    %mul3A_61 = arith.constant 656 : i32
    %mul3A_62 = arith.muli %arg1, %mul3A_61 : i32
    %multiple_of3A_63 = tpu.assume_multiple %mul3A_62, 8 : i32
    %mul3A_64 = arith.constant 656 : i32
    %mul3A_65 = arith.muli %arg1, %mul3A_64 : i32
    %multiple_of3A_66 = tpu.assume_multiple %mul3A_65, 8 : i32
    "tpu.region"() ({
      %run_scoped3A = tpu.sem_alloc : memref<!tpu.dma_semaphore, #tpu.memory_space<semaphore_mem>>
      %dma_start3A_67 = arith.constant 0 : i32
      %dma_start3A_68 = tpu.memref_slice %arg6[%arg0, %multiple_of3A_66, %dma_start3A_67] : memref<2x10496x64xf32, #tpu.memory_space<hbm>> -> memref<1x656x64xf32, #tpu.memory_space<hbm>>
      %dma_start3A_69 = tpu.memref_squeeze %dma_start3A_68 : memref<1x656x64xf32, #tpu.memory_space<hbm>> -> memref<656x64xf32, #tpu.memory_space<hbm>>
      %dma_start3A_70 = arith.constant 0 : i32
      %dma_start3A_71 = tpu.memref_slice %arg11[%multiple_of3A_63, %dma_start3A_70] : memref<10496x64xf32, #tpu.memory_space<vmem_shared>> -> memref<656x64xf32, #tpu.memory_space<vmem_shared>>
      tpu.enqueue_dma source(%dma_start3A_71 : memref<656x64xf32, #tpu.memory_space<vmem_shared>>) target(%dma_start3A_69 : memref<656x64xf32, #tpu.memory_space<hbm>>) target_semaphore(%run_scoped3A : memref<!tpu.dma_semaphore, #tpu.memory_space<semaphore_mem>>)
      %dma_wait3A_72 = arith.constant 0 : i32
      %dma_wait3A_73 = tpu.memref_slice %arg6[%arg0, %multiple_of3A_66, %dma_wait3A_72] : memref<2x10496x64xf32, #tpu.memory_space<hbm>> -> memref<1x656x64xf32, #tpu.memory_space<hbm>>
      %dma_wait3A_74 = tpu.memref_squeeze %dma_wait3A_73 : memref<1x656x64xf32, #tpu.memory_space<hbm>> -> memref<656x64xf32, #tpu.memory_space<hbm>>
      %dma_wait3A_75 = arith.constant 0 : i32
      %dma_wait3A_76 = tpu.memref_slice %arg11[%multiple_of3A_63, %dma_wait3A_75] : memref<10496x64xf32, #tpu.memory_space<vmem_shared>> -> memref<656x64xf32, #tpu.memory_space<vmem_shared>>
      tpu.wait_dma2 semaphore(%run_scoped3A : memref<!tpu.dma_semaphore, #tpu.memory_space<semaphore_mem>>) src(%dma_wait3A_76 : memref<656x64xf32, #tpu.memory_space<vmem_shared>>) dst(%dma_wait3A_74 : memref<656x64xf32, #tpu.memory_space<hbm>>)
      tpu.yield
    }) : () -> ()
    return
  }
}

module attributes {stable_mosaic.version = 14 : i64} {
  func.func @body(%arg0: i32, %arg1: memref<400x128xf32, #tpu.memory_space<vmem>>, %arg2: memref<128x128xf32, #tpu.memory_space<vmem>>, %arg3: memref<1x400x16xf32, #tpu.memory_space<vmem>>, %arg4: memref<1x400x16xf32, #tpu.memory_space<vmem>>, %arg5: memref<400x128xf32, #tpu.memory_space<vmem>>, %arg6: memref<400x16xf32, #tpu.memory_space<vmem>>, %arg7: memref<2x400x64xf32, #tpu.memory_space<vmem>>) attributes {dimension_semantics = [#tpu.dimension_semantics<arbitrary>], iteration_bounds = array<i64: 25>, scalar_prefetch = 0 : i64, scratch_operands = 0 : i64, tpu.core_type = #tpu.core_type<tc>, window_params = [{transform_indices = @transform_0, window_bounds = array<i64: 400, 128>}, {pipeline_mode = #tpu.pipeline_mode<synchronous>, transform_indices = @transform_1, window_bounds = array<i64: 128, 128>}, {transform_indices = @transform_2, window_bounds = array<i64: 1, 400, 16>}, {transform_indices = @transform_3, window_bounds = array<i64: 1, 400, 16>}, {transform_indices = @transform_4, window_bounds = array<i64: 400, 128>}, {transform_indices = @transform_5, window_bounds = array<i64: 400, 16>}, {transform_indices = @transform_6, window_bounds = array<i64: 2, 400, 64>}]} {
    %get3A = arith.constant 0 : index
    %get3A_0 = arith.constant 0 : index
    %get3A_1 = arith.constant 0 : index
    %get3A_2 = vector.load %arg3[%get3A, %get3A_0, %get3A_1] : memref<1x400x16xf32, #tpu.memory_space<vmem>>, vector<1x400x1xf32>
    %get3A_3 = vector.shape_cast %get3A_2 : vector<1x400x1xf32> to vector<400x1xf32>
    %get3A_4 = arith.constant 0 : index
    %get3A_5 = arith.constant 0 : index
    %get3A_6 = arith.constant 0 : index
    %get3A_7 = vector.load %arg4[%get3A_4, %get3A_5, %get3A_6] : memref<1x400x16xf32, #tpu.memory_space<vmem>>, vector<1x400x1xf32>
    %get3A_8 = vector.shape_cast %get3A_7 : vector<1x400x1xf32> to vector<400x1xf32>
    %add3A = arith.addf %get3A_3, %get3A_8 : vector<400x1xf32>
    %add3A_9 = arith.constant 1.000000e+00 : f32
    %add3A_10 = vector.broadcast %add3A_9 : f32 to vector<400x1xf32>
    %add3A_11 = arith.addf %add3A, %add3A_10 : vector<400x1xf32>
    %rsqrt3A = math.rsqrt %add3A_11 : vector<400x1xf32>
    %get3A_12 = arith.constant 0 : index
    %get3A_13 = arith.constant 0 : index
    %get3A_14 = vector.load %arg1[%get3A_12, %get3A_13] : memref<400x128xf32, #tpu.memory_space<vmem>>, vector<400x128xf32>
    %get3A_15 = arith.constant 0 : index
    %get3A_16 = arith.constant 0 : index
    %get3A_17 = vector.load %arg2[%get3A_15, %get3A_16] : memref<128x128xf32, #tpu.memory_space<vmem>>, vector<128x128xf32>
    %dot_general3A = arith.constant dense<0.000000e+00> : vector<400x128xf32>
    %dot_general3A_18 = tpu.matmul %get3A_14, %get3A_17, %dot_general3A {dimension_numbers = #tpu.dot_dimension_numbers<[1], [0], [0], [1], [0, 0, 1, 1], [], []>, transpose_lhs_hint = false} : vector<400x128xf32>, vector<128x128xf32>, vector<400x128xf32> -> vector<400x128xf32>
    %mul3A = vector.broadcast %rsqrt3A : vector<400x1xf32> to vector<400x128xf32>
    %mul3A_19 = arith.mulf %dot_general3A_18, %mul3A : vector<400x128xf32>
    %swap3A = arith.constant 0 : index
    %swap3A_20 = arith.constant 0 : index
    %swap3A_21 = vector.load %arg5[%swap3A, %swap3A_20] : memref<400x128xf32, #tpu.memory_space<vmem>>, vector<400x128xf32>
    tpu.vector_store %arg5[%swap3A, %swap3A_20], %mul3A_19 {strides = array<i32>} : memref<400x128xf32, #tpu.memory_space<vmem>>, vector<400x128xf32>,
    %broadcast_in_dim3A = vector.shape_cast %rsqrt3A : vector<400x1xf32> to vector<400x1xf32>
    %broadcast_in_dim3A_22 = vector.broadcast %broadcast_in_dim3A : vector<400x1xf32> to vector<400x16xf32>
    %swap3A_23 = arith.constant 0 : index
    %swap3A_24 = arith.constant 0 : index
    %swap3A_25 = vector.load %arg6[%swap3A_23, %swap3A_24] : memref<400x16xf32, #tpu.memory_space<vmem>>, vector<400x16xf32>
    tpu.vector_store %arg6[%swap3A_23, %swap3A_24], %broadcast_in_dim3A_22 {strides = array<i32>} : memref<400x16xf32, #tpu.memory_space<vmem>>, vector<400x16xf32>,
    %slice3A = vector.extract_strided_slice %mul3A_19 {offsets = [0, 0], sizes = [400, 64], strides = [1, 1]} : vector<400x128xf32> to vector<400x64xf32>
    %swap3A_26 = arith.constant 0 : index
    %swap3A_27 = arith.constant 0 : index
    %swap3A_28 = arith.constant 0 : index
    %swap3A_29 = vector.load %arg7[%swap3A_26, %swap3A_27, %swap3A_28] : memref<2x400x64xf32, #tpu.memory_space<vmem>>, vector<1x400x64xf32>
    %swap3A_30 = vector.shape_cast %swap3A_29 : vector<1x400x64xf32> to vector<400x64xf32>
    %swap3A_31 = vector.shape_cast %slice3A : vector<400x64xf32> to vector<1x400x64xf32>
    tpu.vector_store %arg7[%swap3A_26, %swap3A_27, %swap3A_28], %swap3A_31 {strides = array<i32>} : memref<2x400x64xf32, #tpu.memory_space<vmem>>, vector<1x400x64xf32>,
    %slice3A_32 = vector.extract_strided_slice %mul3A_19 {offsets = [0, 64], sizes = [400, 64], strides = [1, 1]} : vector<400x128xf32> to vector<400x64xf32>
    %swap3A_33 = arith.constant 1 : index
    %swap3A_34 = arith.constant 0 : index
    %swap3A_35 = arith.constant 0 : index
    %swap3A_36 = vector.load %arg7[%swap3A_33, %swap3A_34, %swap3A_35] : memref<2x400x64xf32, #tpu.memory_space<vmem>>, vector<1x400x64xf32>
    %swap3A_37 = vector.shape_cast %swap3A_36 : vector<1x400x64xf32> to vector<400x64xf32>
    %swap3A_38 = vector.shape_cast %slice3A_32 : vector<400x64xf32> to vector<1x400x64xf32>
    tpu.vector_store %arg7[%swap3A_33, %swap3A_34, %swap3A_35], %swap3A_38 {strides = array<i32>} : memref<2x400x64xf32, #tpu.memory_space<vmem>>, vector<1x400x64xf32>,
    return
  }
  func.func @transform_0(%arg0: i32) -> (i32, i32) {
    %c0_i32 = arith.constant 0 : i32
    %c0_i32_0 = arith.constant 0 : i32
    return %arg0, %c0_i32 : i32, i32
  }
  func.func @transform_1(%arg0: i32) -> (i32, i32) {
    %c0_i32 = arith.constant 0 : i32
    %c0_i32_0 = arith.constant 0 : i32
    %c0_i32_1 = arith.constant 0 : i32
    return %c0_i32, %c0_i32_0 : i32, i32
  }
  func.func @transform_2(%arg0: i32) -> (i32, i32, i32) {
    %c0_i32 = arith.constant 0 : i32
    %c0_i32_0 = arith.constant 0 : i32
    %c0_i32_1 = arith.constant 0 : i32
    return %c0_i32, %arg0, %c0_i32_0 : i32, i32, i32
  }
  func.func @transform_3(%arg0: i32) -> (i32, i32, i32) {
    %c1_i32 = arith.constant 1 : i32
    %c0_i32 = arith.constant 0 : i32
    %c0_i32_0 = arith.constant 0 : i32
    return %c1_i32, %arg0, %c0_i32 : i32, i32, i32
  }
  func.func @transform_4(%arg0: i32) -> (i32, i32) {
    %c0_i32 = arith.constant 0 : i32
    %c0_i32_0 = arith.constant 0 : i32
    return %arg0, %c0_i32 : i32, i32
  }
  func.func @transform_5(%arg0: i32) -> (i32, i32) {
    %c0_i32 = arith.constant 0 : i32
    %c0_i32_0 = arith.constant 0 : i32
    return %arg0, %c0_i32 : i32, i32
  }
  func.func @transform_6(%arg0: i32) -> (i32, i32, i32) {
    %c0_i32 = arith.constant 0 : i32
    %c0_i32_0 = arith.constant 0 : i32
    %c0_i32_1 = arith.constant 0 : i32
    return %c0_i32, %arg0, %c0_i32_0 : i32, i32, i32
  }
}

module attributes {stable_mosaic.version = 14 : i64} {
  func.func @body(%arg0: i32, %arg1: memref<2x400x64xf32, #tpu.memory_space<vmem>>, %arg2: memref<400x128xf32, #tpu.memory_space<vmem>>, %arg3: memref<400x16xf32, #tpu.memory_space<vmem>>, %arg4: memref<1x128xf32, #tpu.memory_space<vmem>>, %arg5: memref<128x16xf32, #tpu.memory_space<vmem>>, %arg6: memref<400x16xf32, #tpu.memory_space<vmem>>) attributes {dimension_semantics = [#tpu.dimension_semantics<arbitrary>], iteration_bounds = array<i64: 25>, scalar_prefetch = 0 : i64, scratch_operands = 0 : i64, tpu.core_type = #tpu.core_type<tc>, window_params = [{transform_indices = @transform_0, window_bounds = array<i64: 2, 400, 64>}, {transform_indices = @transform_1, window_bounds = array<i64: 400, 128>}, {transform_indices = @transform_2, window_bounds = array<i64: 400, 16>}, {pipeline_mode = #tpu.pipeline_mode<synchronous>, transform_indices = @transform_3, window_bounds = array<i64: 1, 128>}, {pipeline_mode = #tpu.pipeline_mode<synchronous>, transform_indices = @transform_4, window_bounds = array<i64: 128, 16>}, {transform_indices = @transform_5, window_bounds = array<i64: 400, 16>}]} {
    %get3A = arith.constant 0 : index
    %get3A_0 = arith.constant 0 : index
    %get3A_1 = vector.load %arg3[%get3A, %get3A_0] : memref<400x16xf32, #tpu.memory_space<vmem>>, vector<400x1xf32>
    %get3A_2 = arith.constant 0 : index
    %get3A_3 = arith.constant 0 : index
    %get3A_4 = arith.constant 0 : index
    %get3A_5 = vector.load %arg1[%get3A_2, %get3A_3, %get3A_4] : memref<2x400x64xf32, #tpu.memory_space<vmem>>, vector<1x400x64xf32>
    %get3A_6 = vector.shape_cast %get3A_5 : vector<1x400x64xf32> to vector<400x64xf32>
    %get3A_7 = arith.constant 1 : index
    %get3A_8 = arith.constant 0 : index
    %get3A_9 = arith.constant 0 : index
    %get3A_10 = vector.load %arg1[%get3A_7, %get3A_8, %get3A_9] : memref<2x400x64xf32, #tpu.memory_space<vmem>>, vector<1x400x64xf32>
    %get3A_11 = vector.shape_cast %get3A_10 : vector<1x400x64xf32> to vector<400x64xf32>
    %concatenate3A = tpu.concatenate %get3A_6, %get3A_11 in 1 : vector<400x64xf32>, vector<400x64xf32> -> vector<400x128xf32>
    %get3A_12 = arith.constant 0 : index
    %get3A_13 = arith.constant 0 : index
    %get3A_14 = vector.load %arg2[%get3A_12, %get3A_13] : memref<400x128xf32, #tpu.memory_space<vmem>>, vector<400x128xf32>
    %add3A = arith.addf %concatenate3A, %get3A_14 : vector<400x128xf32>
    %mul3A = vector.broadcast %get3A_1 : vector<400x1xf32> to vector<400x128xf32>
    %mul3A_15 = arith.mulf %add3A, %mul3A : vector<400x128xf32>
    %get3A_16 = arith.constant 0 : index
    %get3A_17 = arith.constant 0 : index
    %get3A_18 = vector.load %arg4[%get3A_16, %get3A_17] : memref<1x128xf32, #tpu.memory_space<vmem>>, vector<1x128xf32>
    %add3A_19 = vector.broadcast %get3A_18 : vector<1x128xf32> to vector<400x128xf32>
    %add3A_20 = arith.addf %mul3A_15, %add3A_19 : vector<400x128xf32>
    %max3A = arith.constant 0.000000e+00 : f32
    %max3A_21 = vector.broadcast %max3A : f32 to vector<400x128xf32>
    %max3A_22 = arith.maximumf %add3A_20, %max3A_21 : vector<400x128xf32>
    %get3A_23 = arith.constant 0 : index
    %get3A_24 = arith.constant 0 : index
    %get3A_25 = vector.load %arg5[%get3A_23, %get3A_24] : memref<128x16xf32, #tpu.memory_space<vmem>>, vector<128x16xf32>
    %dot_general3A = arith.constant dense<0.000000e+00> : vector<400x16xf32>
    %dot_general3A_26 = tpu.matmul %max3A_22, %get3A_25, %dot_general3A {dimension_numbers = #tpu.dot_dimension_numbers<[1], [0], [0], [1], [0, 0, 1, 1], [], []>, transpose_lhs_hint = false} : vector<400x128xf32>, vector<128x16xf32>, vector<400x16xf32> -> vector<400x16xf32>
    %mul3A_27 = vector.broadcast %get3A_1 : vector<400x1xf32> to vector<400x16xf32>
    %mul3A_28 = arith.mulf %dot_general3A_26, %mul3A_27 : vector<400x16xf32>
    %swap3A = arith.constant 0 : index
    %swap3A_29 = arith.constant 0 : index
    %swap3A_30 = vector.load %arg6[%swap3A, %swap3A_29] : memref<400x16xf32, #tpu.memory_space<vmem>>, vector<400x16xf32>
    tpu.vector_store %arg6[%swap3A, %swap3A_29], %mul3A_28 {strides = array<i32>} : memref<400x16xf32, #tpu.memory_space<vmem>>, vector<400x16xf32>,
    return
  }
  func.func @transform_0(%arg0: i32) -> (i32, i32, i32) {
    %c0_i32 = arith.constant 0 : i32
    %c0_i32_0 = arith.constant 0 : i32
    %c0_i32_1 = arith.constant 0 : i32
    return %c0_i32, %arg0, %c0_i32_0 : i32, i32, i32
  }
  func.func @transform_1(%arg0: i32) -> (i32, i32) {
    %c0_i32 = arith.constant 0 : i32
    %c0_i32_0 = arith.constant 0 : i32
    return %arg0, %c0_i32 : i32, i32
  }
  func.func @transform_2(%arg0: i32) -> (i32, i32) {
    %c0_i32 = arith.constant 0 : i32
    %c0_i32_0 = arith.constant 0 : i32
    return %arg0, %c0_i32 : i32, i32
  }
  func.func @transform_3(%arg0: i32) -> (i32, i32) {
    %c0_i32 = arith.constant 0 : i32
    %c0_i32_0 = arith.constant 0 : i32
    %c0_i32_1 = arith.constant 0 : i32
    return %c0_i32, %c0_i32_0 : i32, i32
  }
  func.func @transform_4(%arg0: i32) -> (i32, i32) {
    %c0_i32 = arith.constant 0 : i32
    %c0_i32_0 = arith.constant 0 : i32
    %c0_i32_1 = arith.constant 0 : i32
    return %c0_i32, %c0_i32_0 : i32, i32
  }
  func.func @transform_5(%arg0: i32) -> (i32, i32) {
    %c0_i32 = arith.constant 0 : i32
    %c0_i32_0 = arith.constant 0 : i32
    return %arg0, %c0_i32 : i32, i32
  }
}

module attributes {stable_mosaic.version = 14 : i64} {
  func.func @body(%arg0: i32, %arg1: memref<2x400x16xf32, #tpu.memory_space<vmem>>, %arg2: memref<400x16xf32, #tpu.memory_space<vmem>>, %arg3: memref<400x16xf32, #tpu.memory_space<vmem>>, %arg4: memref<1x16xf32, #tpu.memory_space<vmem>>, %arg5: memref<400x16xf32, #tpu.memory_space<vmem>>) attributes {dimension_semantics = [#tpu.dimension_semantics<arbitrary>], iteration_bounds = array<i64: 25>, scalar_prefetch = 0 : i64, scratch_operands = 0 : i64, tpu.core_type = #tpu.core_type<tc>, window_params = [{transform_indices = @transform_0, window_bounds = array<i64: 2, 400, 16>}, {transform_indices = @transform_1, window_bounds = array<i64: 400, 16>}, {transform_indices = @transform_2, window_bounds = array<i64: 400, 16>}, {pipeline_mode = #tpu.pipeline_mode<synchronous>, transform_indices = @transform_3, window_bounds = array<i64: 1, 16>}, {transform_indices = @transform_4, window_bounds = array<i64: 400, 16>}]} {
    %get3A = arith.constant 0 : index
    %get3A_0 = arith.constant 0 : index
    %get3A_1 = arith.constant 0 : index
    %get3A_2 = vector.load %arg1[%get3A, %get3A_0, %get3A_1] : memref<2x400x16xf32, #tpu.memory_space<vmem>>, vector<1x400x16xf32>
    %get3A_3 = vector.shape_cast %get3A_2 : vector<1x400x16xf32> to vector<400x16xf32>
    %get3A_4 = arith.constant 1 : index
    %get3A_5 = arith.constant 0 : index
    %get3A_6 = arith.constant 0 : index
    %get3A_7 = vector.load %arg1[%get3A_4, %get3A_5, %get3A_6] : memref<2x400x16xf32, #tpu.memory_space<vmem>>, vector<1x400x16xf32>
    %get3A_8 = vector.shape_cast %get3A_7 : vector<1x400x16xf32> to vector<400x16xf32>
    %add3A = arith.addf %get3A_3, %get3A_8 : vector<400x16xf32>
    %get3A_9 = arith.constant 0 : index
    %get3A_10 = arith.constant 0 : index
    %get3A_11 = vector.load %arg2[%get3A_9, %get3A_10] : memref<400x16xf32, #tpu.memory_space<vmem>>, vector<400x16xf32>
    %add3A_12 = arith.addf %add3A, %get3A_11 : vector<400x16xf32>
    %get3A_13 = arith.constant 0 : index
    %get3A_14 = arith.constant 0 : index
    %get3A_15 = vector.load %arg3[%get3A_13, %get3A_14] : memref<400x16xf32, #tpu.memory_space<vmem>>, vector<400x1xf32>
    %mul3A = vector.broadcast %get3A_15 : vector<400x1xf32> to vector<400x16xf32>
    %mul3A_16 = arith.mulf %add3A_12, %mul3A : vector<400x16xf32>
    %get3A_17 = arith.constant 0 : index
    %get3A_18 = arith.constant 0 : index
    %get3A_19 = vector.load %arg4[%get3A_17, %get3A_18] : memref<1x16xf32, #tpu.memory_space<vmem>>, vector<1x16xf32>
    %add3A_20 = vector.broadcast %get3A_19 : vector<1x16xf32> to vector<400x16xf32>
    %add3A_21 = arith.addf %mul3A_16, %add3A_20 : vector<400x16xf32>
    %swap3A = arith.constant 0 : index
    %swap3A_22 = arith.constant 0 : index
    %swap3A_23 = vector.load %arg5[%swap3A, %swap3A_22] : memref<400x16xf32, #tpu.memory_space<vmem>>, vector<400x16xf32>
    tpu.vector_store %arg5[%swap3A, %swap3A_22], %add3A_21 {strides = array<i32>} : memref<400x16xf32, #tpu.memory_space<vmem>>, vector<400x16xf32>,
    return
  }
  func.func @transform_0(%arg0: i32) -> (i32, i32, i32) {
    %c0_i32 = arith.constant 0 : i32
    %c0_i32_0 = arith.constant 0 : i32
    %c0_i32_1 = arith.constant 0 : i32
    return %c0_i32, %arg0, %c0_i32_0 : i32, i32, i32
  }
  func.func @transform_1(%arg0: i32) -> (i32, i32) {
    %c0_i32 = arith.constant 0 : i32
    %c0_i32_0 = arith.constant 0 : i32
    return %arg0, %c0_i32 : i32, i32
  }
  func.func @transform_2(%arg0: i32) -> (i32, i32) {
    %c0_i32 = arith.constant 0 : i32
    %c0_i32_0 = arith.constant 0 : i32
    return %arg0, %c0_i32 : i32, i32
  }
  func.func @transform_3(%arg0: i32) -> (i32, i32) {
    %c0_i32 = arith.constant 0 : i32
    %c0_i32_0 = arith.constant 0 : i32
    %c0_i32_1 = arith.constant 0 : i32
    return %c0_i32, %c0_i32_0 : i32, i32
  }
  func.func @transform_4(%arg0: i32) -> (i32, i32) {
    %c0_i32 = arith.constant 0 : i32
    %c0_i32_0 = arith.constant 0 : i32
    return %arg0, %c0_i32 : i32, i32
  }
}

</mosaic_0001>

<sc_bundles>
// kernel: kernel.11.cloned.1.call-start
scs
__scs_entry_jumppad:
0x0: {  	(pc) =	sbr.rel $0x88, $3  }
0x1: {  	(tag) =	ssettag $0x0;
	lr =	simm.s32 $0x1  }
0x2: {  	[smem:$0x3F9B] =	sst lr;
	_ =	strace $0xD0000000  }
0x3: {  	_ = 	snop  }
0x4: {  	_ = 	snop  }
0x5: {  	_ = 	snop  }
0x6: {  	_ = 	snop  }
0x7: {  	_ = 	snop  }
__scs_overlays_trampoline_lowered:
0x8: {  	[smem:$0x3FAA] =	sst s0  }
0x9: {  	[smem:$0x3FAB] =	sst s1  }
0xa: {  	[smem:$0x3FAC] =	sst s2  }
0xb: {  	[smem:$0x3FAD] =	sst s3  }
0xc: {  	[smem:$0x3FAE] =	sst s4  }
0xd: {  	[smem:$0x3FAF] =	sst s5  }
0xe: {  	[smem:$0x3FB0] =	sst s6  }
0xf: {  	[smem:$0x3FB1] =	sst s7  }
0x10: {  	[smem:$0x3FB2] =	sst s8  }
0x11: {  	[smem:$0x3FB3] =	sst s9;
	s0 =	simm.s32 @!p0 $0x0  }
0x12: {  	s1 =	sld [smem:$0x3F99];
	s0 =	simm.s32 @p0 $0x1  }
0x13: {  	[smem:$0x3FB4] =	sst s0;
	s0 =	simm.s32 @!p1 $0x0  }
0x14: {  	s2 =	sld [smem:$0x3F98];
	s0 =	simm.s32 @p1 $0x1  }
0x15: {  	[smem:$0x3FB5] =	sst s0;
	s0 =	simm.s32 @!p2 $0x0  }
0x16: {  	s3 =	sld [smem:$0x3FDB];
	s0 =	simm.s32 @p2 $0x1  }
0x17: {  	s4 =	simm.s32 $0x1BF5;
	[smem:$0x3FB7] =	sst s0  }
0x18: {  	s0 =	sld [smem:$0x3F9A];
	_ =	swait.ge [sflag:s4], $0x0  }
0x19: {  	s7 =	sld [smem:$0x3F9B]  }
0x1a: {  	s8 =	sadd.s32 $0xFFFFE003, lr  }
0x1b: {  	s9 =	sadd.s32 $0xFFFFFEF7, lr;
	s5 =	simm.s32 $0xFFFFFFFF;
	p2 =	slt.u32 s8, $0xFFFFF086  }
0x1c: {  	p1 =	slt.u32 s9, $0xF7A;
	s5 =	simm.s32 @!p2 $0x0  }
0x1d: {  	s5 =	simm.s32 @p1 $0x1;
	p0 =	seq.s32 s7, s2  }
0x1e: {  	s7 =	smul.u32 @!p0 $0xF7A, s2;
	p2 =	seq.s32 @!p0 s5, $0x0  }
0x1f: {  	s9 =	smul.u32 $0xF7A, s1;
	s8 =	simm.s32 @!p0 $0x1BF5;
	p2 =	por !p2, p0  }
0x20: {  	[sflag:s8] =	ssyncset.s32 @!p0 $0xFFFFF086;
	s6 =	sadd.s32 @!p0 s3, s7;
	s7 =	simm.s32 @!p0 $0x108  }
0x21: {  	s3 =	sadd.s32 s3, s9;
	s6 =	sadd.s32 @!p0 $0x88, s6;
	s7 =	simm.s32 @p2 $0x1082  }
0x22: {  	[simem:s7], [sflag:s8] =	dma.local @!p0 [hbm:s6], $0xF7A  }
0x23: {  	s9 =	sor.u32 $0xD0000000, s2;
	s6 =	simm.s32 $0x108;
	_ =	swait.ge @!p0 [sflag:s8], $0x0  }
0x24: {  	s3 =	sadd.s32 $0x88, s3;
	s6 =	simm.s32 @!p1 $0x1082;
	[sflag:s4] =	ssyncset.s32 $0xFFFFF086  }
0x25: {  	[simem:s6], [sflag:s4] =	dma.local [hbm:s3], $0xF7A  }
0x26: {  	[smem:$0x3F9B] =	sst s1;
	(tag) =	ssettag s2;
	_ =	strace s9  }
0x27: {  	s1 =	sld [smem:$0x3FAB]  }
0x28: {  	s2 =	sld [smem:$0x3FAC]  }
0x29: {  	s4 =	sld [smem:$0x3FAE]  }
0x2a: {  	p0 =	seq.s32 s5, $0x0;
	s5 =	sld [smem:$0x3FAF]  }
0x2b: {  	s6 =	sld [smem:$0x3FB0]  }
0x2c: {  	s7 =	sld [smem:$0x3FB1]  }
0x2d: {  	s3 =	simm.s32 $0x108;
	s8 =	sld [smem:$0x3FB2]  }
0x2e: {  	s3 =	simm.s32 @!p0 $0x1082;
	s9 =	sld [smem:$0x3FB3]  }
0x2f: {  	lr =	sadd.s32 s0, s3;
	s0 =	sld [smem:$0x3FAA]  }
0x30: {  	s3 =	sld [smem:$0x3FAD]  }
0x31: {  	[smem:$0x3FB6] =	sst s10  }
0x32: {  	s10 =	sld [smem:$0x3FB4];
	_ =	sdelay $0x3  }
0x33: {  	p0 =	seq.s32 s10, $0x1;
	s10 =	sld [smem:$0x3FB6];
	_ =	sdelay $0x3  }
0x34: {  	[smem:$0x3FB6] =	sst s10  }
0x35: {  	s10 =	sld [smem:$0x3FB5];
	_ =	sdelay $0x3  }
0x36: {  	p1 =	seq.s32 s10, $0x1;
	s10 =	sld [smem:$0x3FB6];
	_ =	sdelay $0x3  }
0x37: {  	[smem:$0x3FB6] =	sst s10  }
0x38: {  	s10 =	sld [smem:$0x3FB7]  }
0x39: {  	_ = 	snop;
	(pc) =	sbr.ind lr, $3  }
0x3a: {  	_ = 	snop  }
0x3b: {  	_ = 	snop  }
0x3c: {  	p2 =	seq.s32 s10, $0x1;
	s10 =	sld [smem:$0x3FB6]  }
0x3d: {  	_ =	shalt  }
0x3e: {  	_ =	shalt  }
0x3f: {  	_ =	shalt  }
0x40: {  	_ =	shalt  }
0x41: {  	_ =	shalt  }
0x42: {  	_ =	shalt  }
0x43: {  	_ =	shalt  }
0x44: {  	_ =	shalt  }
0x45: {  	_ =	shalt  }
0x46: {  	_ =	shalt  }
0x47: {  	_ =	shalt  }
0x48: {  	_ =	shalt  }
0x49: {  	_ =	shalt  }
0x4a: {  	_ =	shalt  }
0x4b: {  	_ =	shalt  }
0x4c: {  	_ =	shalt  }
0x4d: {  	_ =	shalt  }
0x4e: {  	_ =	shalt  }
0x4f: {  	_ =	shalt  }
0x50: {  	_ =	shalt  }
0x51: {  	_ =	shalt  }
0x52: {  	_ =	shalt  }
0x53: {  	_ =	shalt  }
0x54: {  	_ =	shalt  }
0x55: {  	_ =	shalt  }
0x56: {  	_ =	shalt  }
0x57: {  	_ =	shalt  }
0x58: {  	_ =	shalt  }
0x59: {  	_ =	shalt  }
0x5a: {  	_ =	shalt  }
0x5b: {  	_ =	shalt  }
0x5c: {  	_ =	shalt  }
0x5d: {  	_ =	shalt  }
0x5e: {  	_ =	shalt  }
0x5f: {  	_ =	shalt  }
0x60: {  	_ =	shalt  }
0x61: {  	_ =	shalt  }
0x62: {  	_ =	shalt  }
0x63: {  	_ =	shalt  }
0x64: {  	_ =	shalt  }
0x65: {  	_ =	shalt  }
0x66: {  	_ =	shalt  }
0x67: {  	_ =	shalt  }
0x68: {  	_ =	shalt  }
0x69: {  	_ =	shalt  }
0x6a: {  	_ =	shalt  }
0x6b: {  	_ =	shalt  }
0x6c: {  	_ =	shalt  }
0x6d: {  	_ =	shalt  }
0x6e: {  	_ =	shalt  }
0x6f: {  	_ =	shalt  }
0x70: {  	_ =	shalt  }
0x71: {  	_ =	shalt  }
0x72: {  	_ =	shalt  }
0x73: {  	_ =	shalt  }
0x74: {  	_ =	shalt  }
0x75: {  	_ =	shalt  }
0x76: {  	_ =	shalt  }
0x77: {  	_ =	shalt  }
0x78: {  	_ =	shalt  }
0x79: {  	_ =	shalt  }
0x7a: {  	_ =	shalt  }
0x7b: {  	_ =	shalt  }
0x7c: {  	_ =	shalt  }
0x7d: {  	_ =	shalt  }
0x7e: {  	_ =	shalt  }
0x7f: {  	_ =	shalt  }
0x80: {  	_ =	shalt  }
0x81: {  	_ =	shalt  }
0x82: {  	_ =	shalt  }
0x83: {  	_ =	shalt  }
0x84: {  	_ =	shalt  }
0x85: {  	_ =	shalt  }
0x86: {  	_ =	shalt  }
0x87: {  	_ =	shalt  }
.Lfunc_end0:
.L_simem_size_0:
called_computation.1_lowered:
.L_overlay_start_0:
0x88: {  	s2 =	sld [smem:$0x3FD9]  }
0x89: {  	s3 =	sld [smem:$0x3FFE];
	_ =	sdelay $0x1  }
0x8a: {  	s1 =	srdreg.scid  }
0x8b: {  	s0 =	sand.u32 $0x1, s1  }
0x8c: {  	s17 =	sshll.u32 s0, $0xA;
	s2 =	sadd.s32 s3, s2  }
0x8d: {  	s2 =	sadd.s32 s2, s17  }
0x8e: {  	[smem:$0x3FC2] =	sst s2  }
0x8f: {  	_ = 	snop  }
0x90: {  	s2 =	sld [smem:$0x3FD0];
	(tm) =	ssettm $0x1  }
0x91: {  	s18 =	sld [smem:$0x3FFB];
	_ =	sdelay $0x3  }
0x92: {  	_ =	strace s18  }
0x93: {  	s3 =	sld [smem:$0x3FFC];
	_ =	sdelay $0x3  }
0x94: {  	_ =	strace s3  }
0x95: {  	s3 =	sld [smem:$0x3FFD];
	_ =	sdelay $0x3  }
0x96: {  	_ =	strace s3  }
0x97: {  	_ =	strace $0x8FFFFFFF  }
0x98: {  	s19 =	sld [smem:$0x3FDB];
	_ =	sdelay $0x1  }
0x99: {  	s4 =	simm.s32 $_scs_section_size  }
0x9a: {  	s5 =	simm.s32 $_size__tile_overlayer_lowered;
	s6 =	simm.s32 $_tile_overlayer_lowered  }
0x9b: {  	s22 =	simm.s32 $0x1BFF;
	s21 =	sshll.u32 s6, $0x1;
	s3 =	sadd.s32 s4, s19  }
0x9c: {  	s7 =	simm.s32 $0x0;
	s20 =	sshll.u32 s5, $0x1;
	s5 =	sadd.s32 s21, s3  }
0x9d: {  	[timem:s7], [sflag:s22] =	dma.local [hbm:s5], s20  }
0x9e: {  	_ =	swait.ge [sflag:s22], s20  }
0x9f: {  	s4 =	ssub.s32 $0x0, s20;
	[sflag:s22] =	ssyncset.done $0x0  }
0xa0: {  	[sflag:s22] =	ssyncadd.s32 s4;
	_ =	sdelay $0x1  }
0xa1: {  	s23 =	simm.s32 $0x1B8B  }
0xa2: {  	_ =	swait.ge [sflag:s23], $0x1  }
0xa3: {  	[sflag:s23] =	ssyncset.done $0x0  }
0xa4: {  	s25 =	simm.s32 $0x1B8E;
	s24 =	sld [smem:$0x3FFE];
	[sflag:s23] =	ssyncadd.s32 $0xFFFFFFFF  }
0xa5: {  	s26 =	simm.s32 $execute0_lowered;
	[smem:$0x3FD2] =	sst s25  }
0xa6: {  	s5 =	sshll.u32 s26, $0x1;
	_ =	strace $0x80000049;
	[dreg:$0x1] =	wrdreg $0xFFFFFFFF  }
0xa7: {  	s28 =	simm.s32 $_size_execute0_lowered;
	s3 =	sadd.s32 s3, s5;
	[dreg:$0x0] =	wrdreg $0x0  }
0xa8: {  	s5 =	sshll.u32 s28, $0x1;
	[dreg:$0x2] =	wrdreg s3  }
0xa9: {  	[dreg:$0x3] =	wrdreg s5  }
0xaa: {  	[dreg:$0x4] =	wrdreg $0xC0  }
0xab: {  	_ =	task [dreg:s7], $0x5FFFF  }
0xac: {  	[dreg:$0x1] =	wrdreg $0xFFFFFFFF  }
0xad: {  	[dreg:$0x0] =	wrdreg $0x60  }
0xae: {  	[dreg:$0x2] =	wrdreg s24  }
0xaf: {  	[dreg:$0x3] =	wrdreg s2  }
0xb0: {  	[dreg:$0x4] =	wrdreg $0x120400  }
0xb1: {  	[dreg:$0x5] =	wrdreg $0x84000  }
0xb2: {  	[dreg:$0x6] =	wrdreg $0x9  }
0xb3: {  	_ =	task.clear_ibuf [dreg:s7], $0x7FFFF;
	_ =	strace $0x90000049  }
0xb4: {  	s29 =	simm.s32 $0x9;
	_ =	strace $0x8000004B  }
0xb5: {  	_ =	swait.ge [sflag:s29], $0x1  }
0xb6: {  	[sflag:s29] =	ssyncadd.s32 $0xFFFFFFFF  }
0xb7: {  	_ =	strace $0x9000004B  }
0xb8: {  	_ =	sfence  }
0xb9: {  	s30 =	sld [smem:$0x0];
	_ =	sdelay $0x2  }
0xba: {  	s31 =	sshll.u32 s1, $0xD;
	s1 =	sshrl.u32 s1, $0x2  }
0xbb: {  	s3 =	sand.u32 $0x4000, s31;
	s1 =	sadd.s32 s1, s30  }
0xbc: {  	s0 =	sor.u32 s3, s0;
	s1 =	sshll.u32 s1, $0x11  }
0xbd: {  	s0 =	sor.u32 s1, s0  }
0xbe: {  	s0 =	sadd.s32 $0x8F2B, s0  }
0xbf: {  	[sflag:s0] =	ssyncadd.remote.s32 $0x1  }
0xc0: {  	_ =	sfence.sel $0xFFFF  }
0xc1: {  	[dreg:$0x0] =	wrdreg $0xFFFFFFFF;
	(pc) =	sbr.abs _section_cstart, $3  }
0xc2: {  	[dreg:$0x1] =	wrdreg $0xFFFFFFFF  }
0xc3: {  	_ =	task.clear_ibuf [dreg:s7], $0x2FFFF;
	_ =	strace $0x9FFFFFFF  }
0xc4: {  	(tm) =	ssettm $0x7FFFFFFF  }
0xc5: {  	_ =	shalt  }
tec
execute0_lowered:
.L_overlay_start_1:
0x0: {  	(tag) =	ssettag $0x1  }
0x1: {  	s0 =	rddreg [dreg:$0x0];
	s2 =	srdreg.scid  }
0x2: {  	s3 =	rddreg [dreg:$0x2];
	s1 =	stileid.u32  }
0x3: {  	s4 =	rddreg [dreg:$0x3];
	s5 =	simm.s32 $0x0;
	s17 =	simm.s32 $0x4  }
0x4: {  	s19 =	simm.s32 $0x200;
	s20 =	simm.s32 $0x3;
	s7 =	smul.u32 $0x9C40, s1  }
0x5: {  	s29 =	simm.s32 $0x2;
	s30 =	simm.s32 $0x0;
	s8 =	smul.u32 $0xA400, s1  }
0x6: {  	s2 =	sand.u32 $0x1, s2;
	[smem:$0x7FF] =	sst s5;
	s23 =	smul.u32 $0x5000, s1  }
0x7: {  	s14 =	sadd.s32 $0x5D600, s0;
	s13 =	sadd.s32 $0x1600, s0;
	s6 =	smul.u32 $0x9C400, s2  }
0x8: {  	s24 =	sshll.u32 s1, $0x6;
	s9 =	smul.u32 $0xA4000, s2;
	s2 =	ssub.s32 $0x2, s2  }
0x9: {  	s16 =	smul.u32 $0xA00, s1;
	_ =	strace $0x8000004A;
	s22 =	sshrl.u32 s2, $0x1  }
0xa: {  	s15 =	sadd.s32 s8, s3;
	s18 =	sadd.s32 s7, s4;
	s11 =	sshrl.u32 s23, $0x3  }
0xb: {  	s28 =	sadd.s32 s16, s13;
	s31 =	sadd.s32 s16, s14;
	s23 =	simm.s32 $0x2400  }
0xc: {  	s6 =	sadd.s32 s7, s6;
	s21 =	sadd.s32 s8, s9;
	s2 =	ssub.s32 s2, s22  }
0xd: {  	s8 =	sadd.s32 s14, s11;
	s9 =	sadd.s32 s13, s11;
	s26 =	sor.u32 $0x20, s11  }
0xe: {  	s16 =	sshrl.u32 s15, $0x3;
	s18 =	sshrl.u32 s18, $0x3;
	s22 =	simm.s32 $0x400  }
0xf: {  	s6 =	sshrl.u32 s6, $0x3;
	s11 =	smax.u32 s2, $0x1;
	s12 =	sadd.s32 s14, s26  }
0x10: {  	s13 =	sadd.s32 s13, s26;
	s10 =	sadd.s32 s6, s0;
	s6 =	sshrl.u32 s21, $0x3  }
0x11: {  	s2 =	sadd.s32 $0x40, s31;
	s21 =	simm.s32 $0x80;
	s0 =	sadd.s32 s6, s0  }
0x12: {  	s6 =	sor.u32 $0x1C04, s24;
	s25 =	sadd.s32 $0xB600, s10;
	s24 =	simm.s32 $0x1  }
0x13: {  	[dreg:$0x5] =	wrdreg s25;
	s10 =	sadd.s32 $0x32800, s0;
	s0 =	sadd.s32 $0x40, s28  }
.LBB2_1:
0x14: {  	s1 =	rddreg [dreg:$0x1]  }
0x15: {  	[spmem:s16], [sflag:s6] =	dma.local [hbm:s1], $0x1480  }
0x16: {  	_ =	swait.ge [sflag:s17], $0x1480  }
0x17: {  	[sflag:s17] =	ssyncset.done $0x0  }
0x18: {  	s15 =	rddreg [dreg:$0x5];
	[sflag:s17] =	ssyncadd.s32 $0xFFFFEB80  }
0x19: {  	[spmem:s18], [sflag:s6] =	dma.local [hbm:s15], $0x1388  }
0x1a: {  	_ =	swait.ge [sflag:s17], $0x1388  }
0x1b: {  	[sflag:s17] =	ssyncset.done $0x0  }
0x1c: {  	[sflag:s17] =	ssyncadd.s32 $0xFFFFEC78  }
0x1d: {  	[tilespmem:s5], [sflag:$0x3] =	stream.linear.gather [hbm4b:s8+s5], $0x100, $0x38;
	[tilespmem:$0x1C440] =	vst v63  }
0x1e: {  	_ = 	snop  }
0x1f: {  	[tilespmem:s19], [sflag:$0x3] =	stream.linear.gather [hbm4b:s9+s5], $0x100, $0x38;
	[tilespmem:$0x1C440] =	vst v63  }
0x20: {  	[bflag:$0x0] =	sbarrier.arrive $0xFFFF  }
0x21: {  	_ =	swait.ge [sflag:s20], $0x100  }
0x22: {  	[sflag:s20] =	ssyncset.done $0x0  }
0x23: {  	[sflag:s20] =	ssyncadd.s32 $0xFFFFFF00  }
0x24: {  	_ =	swait.ge [sflag:s20], $0x100  }
0x25: {  	[sflag:s20] =	ssyncset.done $0x0  }
0x26: {  	[sflag:s20] =	ssyncadd.s32 $0xFFFFFF00  }
0x27: {  	[tilespmem:s22], [sflag:$0x1] =	stream.indirect.gather [spmem:s4], $0x40, s5, s21, $0xb8;
	[tilespmem:$0x1C440] =	vst v63  }
0x28: {  	_ = 	snop  }
0x29: {  	[tilespmem:s23], [sflag:$0x1] =	stream.indirect.gather [spmem:s4], $0x40, s21, s21, $0xb8;
	[tilespmem:$0x1C440] =	vst v63  }
0x2a: {  	_ =	swait.ge [sflag:s24], $0x2000  }
0x2b: {  	[sflag:s24] =	ssyncset.done $0x0  }
0x2c: {  	[sflag:s24] =	ssyncadd.s32 $0xFFFFE000  }
0x2d: {  	[spmem:s3] =	stream.indirect.scatter.add.f32 [tilespmem:s22], [sflag:$0x2], $0x40, s19, s21, $0xb8;
	[tilespmem:$0x1C440] =	vst v63  }
0x2e: {  	_ =	swait.ge [sflag:s24], $0x2000  }
0x2f: {  	[sflag:s24] =	ssyncset.done $0x0  }
0x30: {  	s25 =	simm.s32 $0x280;
	[sflag:s24] =	ssyncadd.s32 $0xFFFFE000  }
0x31: {  	[spmem:s3] =	stream.indirect.scatter.add.f32 [tilespmem:s23], [sflag:$0x2], $0x40, s25, s21, $0xb8;
	[tilespmem:$0x1C440] =	vst v63  }
0x32: {  	s26 =	simm.s32 $0x100;
	s28 =	simm.s32 $0x300  }
0x33: {  	[tilespmem:s26], [sflag:$0x3] =	stream.linear.gather [hbm4b:s12+s5], $0x100, $0x38;
	[tilespmem:$0x1C440] =	vst v63  }
0x34: {  	s31 =	simm.s32 $0xFFFFFFB1;
	s14 =	smov.u32 s0;
	s15 =	smov.u32 s2  }
0x35: {  	[tilespmem:s28], [sflag:$0x3] =	stream.linear.gather [hbm4b:s13+s5], $0x100, $0x38;
	[tilespmem:$0x1C440] =	vst v63  }
.LBB2_2:
0x36: {  	_ =	swait.ge [sflag:s20], $0x100  }
0x37: {  	s1 =	sadd.s32 $0x50, s31;
	[sflag:s20] =	ssyncset.done $0x0  }
0x38: {  	s1 =	sand.u32 $0x1, s1;
	[sflag:s20] =	ssyncadd.s32 $0xFFFFFF00  }
0x39: {  	s25 =	sshll.u32 s1, $0xE;
	_ =	swait.ge [sflag:s20], $0x100  }
0x3a: {  	s26 =	sshll.u32 s1, $0x8;
	s1 =	sshllo.u32 s1, $0x1;
	[sflag:s20] =	ssyncset.done $0x0  }
0x3b: {  	s25 =	sor.u32 $0x400, s25;
	s28 =	sshll.u32 s1, $0xD;
	[sflag:s20] =	ssyncadd.s32 $0xFFFFFF00  }
0x3c: {  	[tilespmem:s25], [sflag:$0x1] =	stream.indirect.gather [spmem:s4], $0x40, s26, s21, $0xb8;
	[tilespmem:$0x1C440] =	vst v63  }
0x3d: {  	s1 =	sshll.u32 s1, $0x7;
	s28 =	sor.u32 $0x400, s28  }
0x3e: {  	[tilespmem:s28], [sflag:$0x1] =	stream.indirect.gather [spmem:s4], $0x40, s1, s21, $0xb8;
	[tilespmem:$0x1C440] =	vst v63  }
0x3f: {  	_ =	swait.ge [sflag:s29], $0x2000  }
0x40: {  	[sflag:s29] =	ssyncset.done $0x0  }
0x41: {  	[sflag:s29] =	ssyncadd.s32 $0xFFFFE000  }
0x42: {  	_ =	swait.ge [sflag:s29], $0x2000  }
0x43: {  	[sflag:s29] =	ssyncset.done $0x0  }
0x44: {  	[sflag:s29] =	ssyncadd.s32 $0xFFFFE000  }
0x45: {  	_ =	swait.ge [sflag:s24], $0x2000  }
0x46: {  	[sflag:s24] =	ssyncset.done $0x0  }
0x47: {  	p0 =	seq.s32 s31, $0xFFFFFFFF;
	s7 =	sor.u32 $0x200, s26;
	[sflag:s24] =	ssyncadd.s32 $0xFFFFE000  }
0x48: {  	[spmem:s3] =	stream.indirect.scatter.add.f32 [tilespmem:s25], [sflag:$0x2], $0x40, s7, s21, $0xb8;
	[tilespmem:$0x1C440] =	vst v63  }
0x49: {  	s31 =	sadd.s32 @!p0 $0x1, s31;
	_ =	swait.ge [sflag:s24], $0x2000  }
0x4a: {  	p1 =	seq.s32 @!p0 s31, $0x0;
	[sflag:s24] =	ssyncset.done $0x0  }
0x4b: {  	p1 =	por p0, p1;
	s1 =	sor.u32 $0x200, s1;
	[sflag:s24] =	ssyncadd.s32 $0xFFFFE000  }
0x4c: {  	[spmem:s3] =	stream.indirect.scatter.add.f32 [tilespmem:s28], [sflag:$0x2], $0x40, s1, s21, $0xb8;
	[tilespmem:$0x1C440] =	vst v63  }
.Ltmp0:
0x4d: {  	s7 =	simm.s32 @!p0 $0x0;
	s1 =	ssub.s32 @!p0 $0x100, s26;
	(pc) =	sbr.rel @!p1 .LBB2_2-.Ltmp0, $4  }
0x4e: {  	[tilespmem:s1], [sflag:$0x3] =	stream.linear.gather @!p0 [hbm4b:s15+s7], $0x100, $0x38;
	[tilespmem:$0x1C440] =	vst v63  }
0x4f: {  	s1 =	ssub.s32 @!p0 $0x300, s26  }
0x50: {  	[tilespmem:s1], [sflag:$0x3] =	stream.linear.gather @!p0 [hbm4b:s14+s7], $0x100, $0x38;
	[tilespmem:$0x1C440] =	vst v63  }
0x51: {  	s15 =	sadd.s32 @!p0 $0x20, s15;
	s14 =	sadd.s32 @!p0 $0x20, s14  }
0x52: {  	_ =	swait.ge [sflag:s29], $0x2000  }
0x53: {  	[sflag:s29] =	ssyncset.done $0x0  }
0x54: {  	[sflag:s29] =	ssyncadd.s32 $0xFFFFE000  }
0x55: {  	_ =	swait.ge [sflag:s29], $0x2000  }
0x56: {  	s30 =	sadd.s32 $0x1, s30;
	[sflag:s29] =	ssyncset.done $0x0  }
0x57: {  	p0 =	sne.s32 s30, s11;
	[sflag:s29] =	ssyncadd.s32 $0xFFFFE000  }
.Ltmp1:
0x58: {  	[bflag:$0x0] =	sbarrier.arrive $0xFFFF;
	(pc) =	sbr.rel @p0 .LBB2_1-.Ltmp1, $4  }
0x59: {  	[hbm:s10], [sflag:s6] =	dma.local [spmem:s16], $0x1480  }
0x5a: {  	_ =	swait.ge [sflag:s17], $0x1480  }
0x5b: {  	[sflag:s17] =	ssyncset.done $0x0  }
0x5c: {  	[sflag:s17] =	ssyncadd.s32 $0xFFFFEB80  }
0x5d: {  	_ =	sfence.sel $0x180000  }
0x5e: {  	[bflag:$0x0] =	sbarrier.arrive $0xFFFF  }
0x5f: {  	_ =	strace $0x9000004A  }
0x60: {  	s0 =	stileid.u32;
	[bflag:$0x2] =	sbarrier.arrive $0xFFFF  }
0x61: {  	p0 =	sne.s32 s0, $0x0;
	s0 =	rddreg [dreg:$0x4]  }
0x62: {  	s0 =	sadd.s32 @!p0 $0x100000, s0  }
0x63: {  	[sflag:s0] =	ssyncadd.tile.s32 @!p0 $0x1;
	_ =	shalt  }
.Lfunc_end2:
_tile_overlayer_lowered:
.L_overlay_start_2:
0x64: {  	(tag) =	ssettag $0x2  }
0x65: {  	s0 =	rddreg [dreg:$0x0];
	s2 =	stileid.u32  }
0x66: {  	s1 =	rddreg [dreg:$0x1];
	p0 =	sne.s32 s2, $0x0  }
0x67: {  	s3 =	rddreg [dreg:$0x2];
	[bflag:$0x3] =	sbarrier.arrive $0xFFFF;
	s2 =	simm.s32 @!p0 $0x1C04  }
0x68: {  	[timem:s3], [sflag:s2] =	dma.local @!p0 [hbm:s0], s1  }
0x69: {  	s0 =	simm.s32 @!p0 $0x4  }
0x6a: {  	_ =	swait.ge @!p0 [sflag:s0], s1  }
0x6b: {  	s1 =	ssub.s32 @!p0 $0x0, s1;
	[sflag:s0] =	ssyncset.done @!p0 $0x0  }
0x6c: {  	[sflag:s0] =	ssyncadd.s32 @!p0 s1  }
0x6d: {  	[bflag:$0x3] =	sbarrier.arrive $0xFFFF  }
0x6e: {  	_ =	shalt  }

// kernel: kernel.14.cloned.1.call-start
scs
__scs_entry_jumppad:
0x0: {  	(pc) =	sbr.rel $0x88, $3  }
0x1: {  	(tag) =	ssettag $0x0;
	lr =	simm.s32 $0x1  }
0x2: {  	[smem:$0x3F9B] =	sst lr;
	_ =	strace $0xD0000000  }
0x3: {  	_ = 	snop  }
0x4: {  	_ = 	snop  }
0x5: {  	_ = 	snop  }
0x6: {  	_ = 	snop  }
0x7: {  	_ = 	snop  }
__scs_overlays_trampoline_lowered:
0x8: {  	[smem:$0x3FAA] =	sst s0  }
0x9: {  	[smem:$0x3FAB] =	sst s1  }
0xa: {  	[smem:$0x3FAC] =	sst s2  }
0xb: {  	[smem:$0x3FAD] =	sst s3  }
0xc: {  	[smem:$0x3FAE] =	sst s4  }
0xd: {  	[smem:$0x3FAF] =	sst s5  }
0xe: {  	[smem:$0x3FB0] =	sst s6  }
0xf: {  	[smem:$0x3FB1] =	sst s7  }
0x10: {  	[smem:$0x3FB2] =	sst s8  }
0x11: {  	[smem:$0x3FB3] =	sst s9;
	s0 =	simm.s32 @!p0 $0x0  }
0x12: {  	s1 =	sld [smem:$0x3F99];
	s0 =	simm.s32 @p0 $0x1  }
0x13: {  	[smem:$0x3FB4] =	sst s0;
	s0 =	simm.s32 @!p1 $0x0  }
0x14: {  	s2 =	sld [smem:$0x3F98];
	s0 =	simm.s32 @p1 $0x1  }
0x15: {  	[smem:$0x3FB5] =	sst s0;
	s0 =	simm.s32 @!p2 $0x0  }
0x16: {  	s3 =	sld [smem:$0x3FDB];
	s0 =	simm.s32 @p2 $0x1  }
0x17: {  	s4 =	simm.s32 $0x1BF5;
	[smem:$0x3FB7] =	sst s0  }
0x18: {  	s0 =	sld [smem:$0x3F9A];
	_ =	swait.ge [sflag:s4], $0x0  }
0x19: {  	s7 =	sld [smem:$0x3F9B]  }
0x1a: {  	s8 =	sadd.s32 $0xFFFFE003, lr  }
0x1b: {  	s9 =	sadd.s32 $0xFFFFFEF7, lr;
	s5 =	simm.s32 $0xFFFFFFFF;
	p2 =	slt.u32 s8, $0xFFFFF086  }
0x1c: {  	p1 =	slt.u32 s9, $0xF7A;
	s5 =	simm.s32 @!p2 $0x0  }
0x1d: {  	s5 =	simm.s32 @p1 $0x1;
	p0 =	seq.s32 s7, s2  }
0x1e: {  	s7 =	smul.u32 @!p0 $0xF7A, s2;
	p2 =	seq.s32 @!p0 s5, $0x0  }
0x1f: {  	s9 =	smul.u32 $0xF7A, s1;
	s8 =	simm.s32 @!p0 $0x1BF5;
	p2 =	por !p2, p0  }
0x20: {  	[sflag:s8] =	ssyncset.s32 @!p0 $0xFFFFF086;
	s6 =	sadd.s32 @!p0 s3, s7;
	s7 =	simm.s32 @!p0 $0x108  }
0x21: {  	s3 =	sadd.s32 s3, s9;
	s6 =	sadd.s32 @!p0 $0x88, s6;
	s7 =	simm.s32 @p2 $0x1082  }
0x22: {  	[simem:s7], [sflag:s8] =	dma.local @!p0 [hbm:s6], $0xF7A  }
0x23: {  	s9 =	sor.u32 $0xD0000000, s2;
	s6 =	simm.s32 $0x108;
	_ =	swait.ge @!p0 [sflag:s8], $0x0  }
0x24: {  	s3 =	sadd.s32 $0x88, s3;
	s6 =	simm.s32 @!p1 $0x1082;
	[sflag:s4] =	ssyncset.s32 $0xFFFFF086  }
0x25: {  	[simem:s6], [sflag:s4] =	dma.local [hbm:s3], $0xF7A  }
0x26: {  	[smem:$0x3F9B] =	sst s1;
	(tag) =	ssettag s2;
	_ =	strace s9  }
0x27: {  	s1 =	sld [smem:$0x3FAB]  }
0x28: {  	s2 =	sld [smem:$0x3FAC]  }
0x29: {  	s4 =	sld [smem:$0x3FAE]  }
0x2a: {  	p0 =	seq.s32 s5, $0x0;
	s5 =	sld [smem:$0x3FAF]  }
0x2b: {  	s6 =	sld [smem:$0x3FB0]  }
0x2c: {  	s7 =	sld [smem:$0x3FB1]  }
0x2d: {  	s3 =	simm.s32 $0x108;
	s8 =	sld [smem:$0x3FB2]  }
0x2e: {  	s3 =	simm.s32 @!p0 $0x1082;
	s9 =	sld [smem:$0x3FB3]  }
0x2f: {  	lr =	sadd.s32 s0, s3;
	s0 =	sld [smem:$0x3FAA]  }
0x30: {  	s3 =	sld [smem:$0x3FAD]  }
0x31: {  	[smem:$0x3FB6] =	sst s10  }
0x32: {  	s10 =	sld [smem:$0x3FB4];
	_ =	sdelay $0x3  }
0x33: {  	p0 =	seq.s32 s10, $0x1;
	s10 =	sld [smem:$0x3FB6];
	_ =	sdelay $0x3  }
0x34: {  	[smem:$0x3FB6] =	sst s10  }
0x35: {  	s10 =	sld [smem:$0x3FB5];
	_ =	sdelay $0x3  }
0x36: {  	p1 =	seq.s32 s10, $0x1;
	s10 =	sld [smem:$0x3FB6];
	_ =	sdelay $0x3  }
0x37: {  	[smem:$0x3FB6] =	sst s10  }
0x38: {  	s10 =	sld [smem:$0x3FB7]  }
0x39: {  	_ = 	snop;
	(pc) =	sbr.ind lr, $3  }
0x3a: {  	_ = 	snop  }
0x3b: {  	_ = 	snop  }
0x3c: {  	p2 =	seq.s32 s10, $0x1;
	s10 =	sld [smem:$0x3FB6]  }
0x3d: {  	_ =	shalt  }
0x3e: {  	_ =	shalt  }
0x3f: {  	_ =	shalt  }
0x40: {  	_ =	shalt  }
0x41: {  	_ =	shalt  }
0x42: {  	_ =	shalt  }
0x43: {  	_ =	shalt  }
0x44: {  	_ =	shalt  }
0x45: {  	_ =	shalt  }
0x46: {  	_ =	shalt  }
0x47: {  	_ =	shalt  }
0x48: {  	_ =	shalt  }
0x49: {  	_ =	shalt  }
0x4a: {  	_ =	shalt  }
0x4b: {  	_ =	shalt  }
0x4c: {  	_ =	shalt  }
0x4d: {  	_ =	shalt  }
0x4e: {  	_ =	shalt  }
0x4f: {  	_ =	shalt  }
0x50: {  	_ =	shalt  }
0x51: {  	_ =	shalt  }
0x52: {  	_ =	shalt  }
0x53: {  	_ =	shalt  }
0x54: {  	_ =	shalt  }
0x55: {  	_ =	shalt  }
0x56: {  	_ =	shalt  }
0x57: {  	_ =	shalt  }
0x58: {  	_ =	shalt  }
0x59: {  	_ =	shalt  }
0x5a: {  	_ =	shalt  }
0x5b: {  	_ =	shalt  }
0x5c: {  	_ =	shalt  }
0x5d: {  	_ =	shalt  }
0x5e: {  	_ =	shalt  }
0x5f: {  	_ =	shalt  }
0x60: {  	_ =	shalt  }
0x61: {  	_ =	shalt  }
0x62: {  	_ =	shalt  }
0x63: {  	_ =	shalt  }
0x64: {  	_ =	shalt  }
0x65: {  	_ =	shalt  }
0x66: {  	_ =	shalt  }
0x67: {  	_ =	shalt  }
0x68: {  	_ =	shalt  }
0x69: {  	_ =	shalt  }
0x6a: {  	_ =	shalt  }
0x6b: {  	_ =	shalt  }
0x6c: {  	_ =	shalt  }
0x6d: {  	_ =	shalt  }
0x6e: {  	_ =	shalt  }
0x6f: {  	_ =	shalt  }
0x70: {  	_ =	shalt  }
0x71: {  	_ =	shalt  }
0x72: {  	_ =	shalt  }
0x73: {  	_ =	shalt  }
0x74: {  	_ =	shalt  }
0x75: {  	_ =	shalt  }
0x76: {  	_ =	shalt  }
0x77: {  	_ =	shalt  }
0x78: {  	_ =	shalt  }
0x79: {  	_ =	shalt  }
0x7a: {  	_ =	shalt  }
0x7b: {  	_ =	shalt  }
0x7c: {  	_ =	shalt  }
0x7d: {  	_ =	shalt  }
0x7e: {  	_ =	shalt  }
0x7f: {  	_ =	shalt  }
0x80: {  	_ =	shalt  }
0x81: {  	_ =	shalt  }
0x82: {  	_ =	shalt  }
0x83: {  	_ =	shalt  }
0x84: {  	_ =	shalt  }
0x85: {  	_ =	shalt  }
0x86: {  	_ =	shalt  }
0x87: {  	_ =	shalt  }
.Lfunc_end0:
.L_simem_size_0:
called_computation.2_lowered:
.L_overlay_start_0:
0x88: {  	s2 =	sld [smem:$0x3FD9]  }
0x89: {  	s3 =	sld [smem:$0x3FFE];
	_ =	sdelay $0x1  }
0x8a: {  	s1 =	srdreg.scid  }
0x8b: {  	s0 =	sand.u32 $0x1, s1  }
0x8c: {  	s17 =	sshll.u32 s0, $0xA;
	s2 =	sadd.s32 s3, s2  }
0x8d: {  	s2 =	sadd.s32 s2, s17  }
0x8e: {  	[smem:$0x3FC2] =	sst s2  }
0x8f: {  	_ = 	snop  }
0x90: {  	s2 =	sld [smem:$0x3FD0];
	(tm) =	ssettm $0x1  }
0x91: {  	s18 =	sld [smem:$0x3FFB];
	_ =	sdelay $0x3  }
0x92: {  	_ =	strace s18  }
0x93: {  	s3 =	sld [smem:$0x3FFC];
	_ =	sdelay $0x3  }
0x94: {  	_ =	strace s3  }
0x95: {  	s3 =	sld [smem:$0x3FFD];
	_ =	sdelay $0x3  }
0x96: {  	_ =	strace s3  }
0x97: {  	_ =	strace $0x8FFFFFFF  }
0x98: {  	s19 =	sld [smem:$0x3FDB];
	_ =	sdelay $0x1  }
0x99: {  	s4 =	simm.s32 $_scs_section_size  }
0x9a: {  	s5 =	simm.s32 $_size__tile_overlayer_lowered;
	s6 =	simm.s32 $_tile_overlayer_lowered  }
0x9b: {  	s22 =	simm.s32 $0x1BFF;
	s21 =	sshll.u32 s6, $0x1;
	s3 =	sadd.s32 s4, s19  }
0x9c: {  	s7 =	simm.s32 $0x0;
	s20 =	sshll.u32 s5, $0x1;
	s5 =	sadd.s32 s21, s3  }
0x9d: {  	[timem:s7], [sflag:s22] =	dma.local [hbm:s5], s20  }
0x9e: {  	_ =	swait.ge [sflag:s22], s20  }
0x9f: {  	s4 =	ssub.s32 $0x0, s20;
	[sflag:s22] =	ssyncset.done $0x0  }
0xa0: {  	[sflag:s22] =	ssyncadd.s32 s4;
	_ =	sdelay $0x1  }
0xa1: {  	s23 =	simm.s32 $0x1B8B  }
0xa2: {  	_ =	swait.ge [sflag:s23], $0x1  }
0xa3: {  	[sflag:s23] =	ssyncset.done $0x0  }
0xa4: {  	s25 =	simm.s32 $0x1B8E;
	s24 =	sld [smem:$0x3FFE];
	[sflag:s23] =	ssyncadd.s32 $0xFFFFFFFF  }
0xa5: {  	s26 =	simm.s32 $execute0_lowered;
	[smem:$0x3FD2] =	sst s25  }
0xa6: {  	s5 =	sshll.u32 s26, $0x1;
	_ =	strace $0x8000004C;
	[dreg:$0x1] =	wrdreg $0xFFFFFFFF  }
0xa7: {  	s28 =	simm.s32 $_size_execute0_lowered;
	s3 =	sadd.s32 s3, s5;
	[dreg:$0x0] =	wrdreg $0x0  }
0xa8: {  	s5 =	sshll.u32 s28, $0x1;
	[dreg:$0x2] =	wrdreg s3  }
0xa9: {  	[dreg:$0x3] =	wrdreg s5  }
0xaa: {  	[dreg:$0x4] =	wrdreg $0xC0  }
0xab: {  	_ =	task [dreg:s7], $0x5FFFF  }
0xac: {  	[dreg:$0x1] =	wrdreg $0xFFFFFFFF  }
0xad: {  	[dreg:$0x0] =	wrdreg $0x60  }
0xae: {  	[dreg:$0x2] =	wrdreg s2  }
0xaf: {  	[dreg:$0x3] =	wrdreg s24  }
0xb0: {  	[dreg:$0x4] =	wrdreg $0xB7100  }
0xb1: {  	[dreg:$0x5] =	wrdreg $0x90000  }
0xb2: {  	[dreg:$0x6] =	wrdreg $0x9  }
0xb3: {  	_ =	task.clear_ibuf [dreg:s7], $0x7FFFF;
	_ =	strace $0x9000004C  }
0xb4: {  	s29 =	simm.s32 $0x9;
	_ =	strace $0x8000004E  }
0xb5: {  	_ =	swait.ge [sflag:s29], $0x1  }
0xb6: {  	[sflag:s29] =	ssyncadd.s32 $0xFFFFFFFF  }
0xb7: {  	_ =	strace $0x9000004E  }
0xb8: {  	_ =	sfence  }
0xb9: {  	s30 =	sld [smem:$0x0];
	_ =	sdelay $0x2  }
0xba: {  	s31 =	sshll.u32 s1, $0xD;
	s1 =	sshrl.u32 s1, $0x2  }
0xbb: {  	s3 =	sand.u32 $0x4000, s31;
	s1 =	sadd.s32 s1, s30  }
0xbc: {  	s0 =	sor.u32 s3, s0;
	s1 =	sshll.u32 s1, $0x11  }
0xbd: {  	s0 =	sor.u32 s1, s0  }
0xbe: {  	s0 =	sadd.s32 $0x8F2B, s0  }
0xbf: {  	[sflag:s0] =	ssyncadd.remote.s32 $0x1  }
0xc0: {  	_ =	sfence.sel $0xFFFF  }
0xc1: {  	[dreg:$0x0] =	wrdreg $0xFFFFFFFF;
	(pc) =	sbr.abs _section_cstart, $3  }
0xc2: {  	[dreg:$0x1] =	wrdreg $0xFFFFFFFF  }
0xc3: {  	_ =	task.clear_ibuf [dreg:s7], $0x2FFFF;
	_ =	strace $0x9FFFFFFF  }
0xc4: {  	(tm) =	ssettm $0x7FFFFFFF  }
0xc5: {  	_ =	shalt  }
tec
execute0_lowered:
.L_overlay_start_1:
0x0: {  	(tag) =	ssettag $0x1  }
0x1: {  	s0 =	rddreg [dreg:$0x0]  }
0x2: {  	s1 =	rddreg [dreg:$0x1]  }
0x3: {  	s2 =	rddreg [dreg:$0x2]  }
0x4: {  	s3 =	rddreg [dreg:$0x3];
	s4 =	srdreg.scid  }
0x5: {  	s11 =	stileid.u32;
	s6 =	simm.s32 $0x0;
	s15 =	simm.s32 $0x4  }
0x6: {  	s18 =	simm.s32 $0x3;
	s19 =	simm.s32 $0x80;
	s20 =	simm.s32 $0x1  }
0x7: {  	s4 =	sand.u32 $0x1, s4;
	s5 =	smul.u32 $0x2900, s11;
	[smem:$0x7FF] =	sst s6  }
0x8: {  	s7 =	sadd.s32 $0x5D600, s1;
	s8 =	sadd.s32 $0x1600, s1;
	s10 =	smul.u32 $0x2800, s11  }
0x9: {  	s9 =	sadd.s32 $0xB600, s1;
	s24 =	sshll.u32 s11, $0x6;
	s11 =	smul.u32 $0x2710, s11  }
0xa: {  	s21 =	smul.u32 $0x29000, s4;
	_ =	strace $0x8000004D;
	s22 =	ssub.s32 $0x2, s4  }
0xb: {  	[dreg:$0x5] =	wrdreg s9;
	s4 =	smul.u32 $0x28000, s4;
	s23 =	sshrl.u32 s22, $0x1  }
0xc: {  	s25 =	sadd.s32 s11, s3;
	s11 =	sshrl.u32 s11, $0x3;
	s6 =	sadd.s32 s5, s21  }
0xd: {  	s9 =	ssub.s32 s22, s23;
	s5 =	sadd.s32 s5, s2;
	s4 =	sadd.s32 s10, s4  }
0xe: {  	s0 =	sadd.s32 s0, s11;
	s16 =	sshrl.u32 s25, $0x3;
	s6 =	sshrl.u32 s6, $0x3  }
0xf: {  	s12 =	sshrl.u32 s4, $0x3;
	[dreg:$0x6] =	wrdreg s0;
	s30 =	smax.u32 s9, $0x1  }
0x10: {  	s28 =	sor.u32 $0x400, s4;
	s26 =	sadd.s32 s7, s12;
	[dreg:$0xa] =	wrdreg s30  }
0x11: {  	s1 =	sadd.s32 s6, s1;
	s29 =	sadd.s32 s8, s12;
	[dreg:$0x7] =	wrdreg s26  }
0x12: {  	s0 =	sshrl.u32 s28, $0x3;
	[dreg:$0x8] =	wrdreg s29;
	s1 =	sadd.s32 $0xBC00, s1  }
0x13: {  	s21 =	simm.s32 $0x2;
	s31 =	sadd.s32 s0, s8;
	[dreg:$0x9] =	wrdreg s1  }
0x14: {  	s22 =	simm.s32 $0x0;
	s0 =	sadd.s32 s0, s7;
	[dreg:$0xb] =	wrdreg s31  }
0x15: {  	s14 =	sshrl.u32 s5, $0x3;
	s6 =	sor.u32 $0x1C04, s24;
	[dreg:$0xc] =	wrdreg s0  }
.LBB2_1:
0x16: {  	s0 =	rddreg [dreg:$0x5]  }
0x17: {  	[spmem:s14], [sflag:s6] =	dma.local [hbm:s0], $0x520  }
0x18: {  	_ =	swait.ge [sflag:s15], $0x520  }
0x19: {  	[sflag:s15] =	ssyncset.done $0x0  }
0x1a: {  	s29 =	rddreg [dreg:$0x6];
	[sflag:s15] =	ssyncadd.s32 $0xFFFFFAE0  }
0x1b: {  	[spmem:s16], [sflag:s6] =	dma.local [hbm:s29], $0x4E2  }
0x1c: {  	_ =	swait.ge [sflag:s15], $0x4E2  }
0x1d: {  	[sflag:s15] =	ssyncset.done $0x0  }
0x1e: {  	s30 =	simm.s32 $0x0;
	s1 =	rddreg [dreg:$0x7];
	[sflag:s15] =	ssyncadd.s32 $0xFFFFFB1E  }
0x1f: {  	[tilespmem:s30], [sflag:$0x3] =	stream.linear.gather [hbm4b:s1+s30], $0x400, $0x38;
	[tilespmem:$0xE010] =	vst v63  }
0x20: {  	s4 =	simm.s32 $0x800;
	s31 =	rddreg [dreg:$0x8]  }
0x21: {  	[tilespmem:s4], [sflag:$0x3] =	stream.linear.gather [hbm4b:s31+s30], $0x400, $0x38;
	[tilespmem:$0xE010] =	vst v63  }
0x22: {  	[bflag:$0x0] =	sbarrier.arrive $0xFFFF  }
0x23: {  	s23 =	rddreg [dreg:$0xc]  }
0x24: {  	s25 =	simm.s32 $0x0;
	s24 =	rddreg [dreg:$0xb]  }
.LBB2_2:
0x25: {  	_ =	swait.ge [sflag:s18], $0x400;
	s4 =	sand.u32 $0x1, s25  }
0x26: {  	p0 =	seq.s32 s25, $0x0;
	[sflag:s18] =	ssyncset.done $0x0;
	s11 =	sshll.u32 s4, $0x3  }
0x27: {  	s0 =	sshll.u32 s4, $0xE;
	s26 =	sshll.u32 s4, $0xA;
	[sflag:s18] =	ssyncadd.s32 $0xFFFFFC00  }
0x28: {  	s28 =	sor.u32 $0x1000, s0;
	s10 =	sor.u32 $0x1, s11;
	s12 =	sor.u32 $0x2, s11  }
0x29: {  	s17 =	sor.u32 $0x3, s11;
	s9 =	sor.u32 $0x4, s11;
	_ =	swait.ge [sflag:s18], $0x400  }
0x2a: {  	s1 =	sshll.u32 s10, $0xB;
	s5 =	sshll.u32 s10, $0x7;
	[sflag:s18] =	ssyncset.done $0x0  }
0x2b: {  	s13 =	sshll.u32 s12, $0xB;
	s7 =	sshll.u32 s12, $0x7;
	[sflag:s18] =	ssyncadd.s32 $0xFFFFFC00  }
0x2c: {  	[tilespmem:s28], [sflag:$0x1] =	stream.indirect.gather [spmem:s3], $0x10, s26, s19, $0xb8;
	[tilespmem:$0xE010] =	vst v63  }
0x2d: {  	s8 =	sshll.u32 s17, $0xB;
	s10 =	sshll.u32 s9, $0xB;
	s29 =	sor.u32 $0x1000, s1  }
0x2e: {  	[tilespmem:s29], [sflag:$0x1] =	stream.indirect.gather [spmem:s3], $0x10, s5, s19, $0xb8;
	[tilespmem:$0xE010] =	vst v63  }
0x2f: {  	s9 =	sshll.u32 s9, $0x7;
	s30 =	sadd.s32 $0x1000, s13;
	s31 =	sadd.s32 $0x1000, s8  }
0x30: {  	[tilespmem:s30], [sflag:$0x1] =	stream.indirect.gather [spmem:s3], $0x10, s7, s19, $0xb8;
	[tilespmem:$0xE010] =	vst v63  }
0x31: {  	s8 =	sshll.u32 s17, $0x7;
	s0 =	sor.u32 $0x1000, s10;
	s10 =	sor.u32 $0x5, s11  }
0x32: {  	[tilespmem:s31], [sflag:$0x1] =	stream.indirect.gather [spmem:s3], $0x10, s8, s19, $0xb8;
	[tilespmem:$0xE010] =	vst v63  }
0x33: {  	s11 =	sor.u32 $0x6, s11;
	s13 =	sshllo.u32 s4, $0x3;
	s12 =	sshll.u32 s10, $0xB  }
0x34: {  	[tilespmem:s0], [sflag:$0x1] =	stream.indirect.gather [spmem:s3], $0x10, s9, s19, $0xb8;
	[tilespmem:$0xE010] =	vst v63  }
0x35: {  	s10 =	sshll.u32 s10, $0x7;
	s1 =	sor.u32 $0x1000, s12;
	s12 =	sshll.u32 s11, $0xB  }
0x36: {  	[tilespmem:s1], [sflag:$0x1] =	stream.indirect.gather [spmem:s3], $0x10, s10, s19, $0xb8;
	[tilespmem:$0xE010] =	vst v63  }
0x37: {  	s4 =	sshll.u32 s13, $0xB;
	s11 =	sshll.u32 s11, $0x7;
	s17 =	sadd.s32 $0x1000, s12  }
0x38: {  	[tilespmem:s17], [sflag:$0x1] =	stream.indirect.gather [spmem:s3], $0x10, s11, s19, $0xb8;
	[tilespmem:$0xE010] =	vst v63  }
0x39: {  	s4 =	sadd.s32 $0x1000, s4;
	s12 =	sshll.u32 s13, $0x7;
	s13 =	simm.s32 @!p0 $0x2  }
0x3a: {  	[tilespmem:s4], [sflag:$0x1] =	stream.indirect.gather [spmem:s3], $0x10, s12, s19, $0xb8;
	[tilespmem:$0xE010] =	vst v63  }
0x3b: {  	_ =	swait.ge @!p0 [sflag:s13], $0x800  }
0x3c: {  	[sflag:s13] =	ssyncset.done @!p0 $0x0  }
0x3d: {  	[sflag:s13] =	ssyncadd.s32 @!p0 $0xFFFFF800  }
0x3e: {  	_ =	swait.ge @!p0 [sflag:s13], $0x800  }
0x3f: {  	[sflag:s13] =	ssyncset.done @!p0 $0x0  }
0x40: {  	[sflag:s13] =	ssyncadd.s32 @!p0 $0xFFFFF800  }
0x41: {  	_ =	swait.ge @!p0 [sflag:s13], $0x800  }
0x42: {  	[sflag:s13] =	ssyncset.done @!p0 $0x0  }
0x43: {  	[sflag:s13] =	ssyncadd.s32 @!p0 $0xFFFFF800  }
0x44: {  	_ =	swait.ge @!p0 [sflag:s13], $0x800  }
0x45: {  	[sflag:s13] =	ssyncset.done @!p0 $0x0  }
0x46: {  	[sflag:s13] =	ssyncadd.s32 @!p0 $0xFFFFF800  }
0x47: {  	_ =	swait.ge @!p0 [sflag:s13], $0x800  }
0x48: {  	[sflag:s13] =	ssyncset.done @!p0 $0x0  }
0x49: {  	[sflag:s13] =	ssyncadd.s32 @!p0 $0xFFFFF800  }
0x4a: {  	_ =	swait.ge @!p0 [sflag:s13], $0x800  }
0x4b: {  	[sflag:s13] =	ssyncset.done @!p0 $0x0  }
0x4c: {  	[sflag:s13] =	ssyncadd.s32 @!p0 $0xFFFFF800  }
0x4d: {  	_ =	swait.ge @!p0 [sflag:s13], $0x800  }
0x4e: {  	[sflag:s13] =	ssyncset.done @!p0 $0x0  }
0x4f: {  	[sflag:s13] =	ssyncadd.s32 @!p0 $0xFFFFF800  }
0x50: {  	_ =	swait.ge @!p0 [sflag:s13], $0x800  }
0x51: {  	[sflag:s13] =	ssyncset.done @!p0 $0x0  }
0x52: {  	[sflag:s13] =	ssyncadd.s32 @!p0 $0xFFFFF800  }
0x53: {  	_ =	swait.ge [sflag:s20], $0x800  }
0x54: {  	[sflag:s20] =	ssyncset.done $0x0  }
0x55: {  	s13 =	sor.u32 $0x800, s26;
	[sflag:s20] =	ssyncadd.s32 $0xFFFFF800  }
0x56: {  	[spmem:s2] =	stream.indirect.scatter.add.f32 [tilespmem:s28], [sflag:$0x2], $0x10, s13, s19, $0xb8;
	[tilespmem:$0xE010] =	vst v63  }
0x57: {  	_ =	swait.ge [sflag:s20], $0x800  }
0x58: {  	[sflag:s20] =	ssyncset.done $0x0  }
0x59: {  	s5 =	sor.u32 $0x800, s5;
	[sflag:s20] =	ssyncadd.s32 $0xFFFFF800  }
0x5a: {  	[spmem:s2] =	stream.indirect.scatter.add.f32 [tilespmem:s29], [sflag:$0x2], $0x10, s5, s19, $0xb8;
	[tilespmem:$0xE010] =	vst v63  }
0x5b: {  	_ =	swait.ge [sflag:s20], $0x800  }
0x5c: {  	[sflag:s20] =	ssyncset.done $0x0  }
0x5d: {  	s7 =	sor.u32 $0x800, s7;
	[sflag:s20] =	ssyncadd.s32 $0xFFFFF800  }
0x5e: {  	[spmem:s2] =	stream.indirect.scatter.add.f32 [tilespmem:s30], [sflag:$0x2], $0x10, s7, s19, $0xb8;
	[tilespmem:$0xE010] =	vst v63  }
0x5f: {  	_ =	swait.ge [sflag:s20], $0x800  }
0x60: {  	[sflag:s20] =	ssyncset.done $0x0  }
0x61: {  	s13 =	sor.u32 $0x800, s8;
	[sflag:s20] =	ssyncadd.s32 $0xFFFFF800  }
0x62: {  	[spmem:s2] =	stream.indirect.scatter.add.f32 [tilespmem:s31], [sflag:$0x2], $0x10, s13, s19, $0xb8;
	[tilespmem:$0xE010] =	vst v63  }
0x63: {  	_ =	swait.ge [sflag:s20], $0x800  }
0x64: {  	[sflag:s20] =	ssyncset.done $0x0  }
0x65: {  	s28 =	sor.u32 $0x800, s9;
	[sflag:s20] =	ssyncadd.s32 $0xFFFFF800  }
0x66: {  	[spmem:s2] =	stream.indirect.scatter.add.f32 [tilespmem:s0], [sflag:$0x2], $0x10, s28, s19, $0xb8;
	[tilespmem:$0xE010] =	vst v63  }
0x67: {  	_ =	swait.ge [sflag:s20], $0x800  }
0x68: {  	[sflag:s20] =	ssyncset.done $0x0  }
0x69: {  	s29 =	sor.u32 $0x800, s10;
	[sflag:s20] =	ssyncadd.s32 $0xFFFFF800  }
0x6a: {  	[spmem:s2] =	stream.indirect.scatter.add.f32 [tilespmem:s1], [sflag:$0x2], $0x10, s29, s19, $0xb8;
	[tilespmem:$0xE010] =	vst v63  }
0x6b: {  	_ =	swait.ge [sflag:s20], $0x800  }
0x6c: {  	[sflag:s20] =	ssyncset.done $0x0  }
0x6d: {  	p0 =	seq.s32 s25, $0x9;
	s30 =	sor.u32 $0x800, s11;
	[sflag:s20] =	ssyncadd.s32 $0xFFFFF800  }
0x6e: {  	[spmem:s2] =	stream.indirect.scatter.add.f32 [tilespmem:s17], [sflag:$0x2], $0x10, s30, s19, $0xb8;
	[tilespmem:$0xE010] =	vst v63  }
0x6f: {  	s25 =	sadd.s32 @!p0 $0x1, s25;
	_ =	swait.ge [sflag:s20], $0x800  }
0x70: {  	p1 =	sne.s32 @!p0 s25, $0xA;
	[sflag:s20] =	ssyncset.done $0x0  }
0x71: {  	p1 =	por p0, !p1;
	s31 =	sor.u32 $0x800, s12;
	[sflag:s20] =	ssyncadd.s32 $0xFFFFF800  }
0x72: {  	[spmem:s2] =	stream.indirect.scatter.add.f32 [tilespmem:s4], [sflag:$0x2], $0x10, s31, s19, $0xb8;
	[tilespmem:$0xE010] =	vst v63  }
.Ltmp0:
0x73: {  	s0 =	ssub.s32 @!p0 $0x400, s26;
	s1 =	simm.s32 @!p0 $0x0;
	(pc) =	sbr.rel @!p1 .LBB2_2-.Ltmp0, $4  }
0x74: {  	[tilespmem:s0], [sflag:$0x3] =	stream.linear.gather @!p0 [hbm4b:s23+s1], $0x400, $0x38;
	[tilespmem:$0xE010] =	vst v63  }
0x75: {  	s0 =	ssub.s32 @!p0 $0xC00, s26  }
0x76: {  	[tilespmem:s0], [sflag:$0x3] =	stream.linear.gather @!p0 [hbm4b:s24+s1], $0x400, $0x38;
	[tilespmem:$0xE010] =	vst v63  }
0x77: {  	s23 =	sadd.s32 @!p0 $0x80, s23;
	s24 =	sadd.s32 @!p0 $0x80, s24  }
0x78: {  	_ =	swait.ge [sflag:s21], $0x800  }
0x79: {  	[sflag:s21] =	ssyncset.done $0x0  }
0x7a: {  	[sflag:s21] =	ssyncadd.s32 $0xFFFFF800  }
0x7b: {  	_ =	swait.ge [sflag:s21], $0x800  }
0x7c: {  	[sflag:s21] =	ssyncset.done $0x0  }
0x7d: {  	[sflag:s21] =	ssyncadd.s32 $0xFFFFF800  }
0x7e: {  	_ =	swait.ge [sflag:s21], $0x800  }
0x7f: {  	[sflag:s21] =	ssyncset.done $0x0  }
0x80: {  	[sflag:s21] =	ssyncadd.s32 $0xFFFFF800  }
0x81: {  	_ =	swait.ge [sflag:s21], $0x800  }
0x82: {  	[sflag:s21] =	ssyncset.done $0x0  }
0x83: {  	[sflag:s21] =	ssyncadd.s32 $0xFFFFF800  }
0x84: {  	_ =	swait.ge [sflag:s21], $0x800  }
0x85: {  	[sflag:s21] =	ssyncset.done $0x0  }
0x86: {  	[sflag:s21] =	ssyncadd.s32 $0xFFFFF800  }
0x87: {  	_ =	swait.ge [sflag:s21], $0x800  }
0x88: {  	[sflag:s21] =	ssyncset.done $0x0  }
0x89: {  	[sflag:s21] =	ssyncadd.s32 $0xFFFFF800  }
0x8a: {  	_ =	swait.ge [sflag:s21], $0x800  }
0x8b: {  	[sflag:s21] =	ssyncset.done $0x0  }
0x8c: {  	[sflag:s21] =	ssyncadd.s32 $0xFFFFF800  }
0x8d: {  	_ =	swait.ge [sflag:s21], $0x800  }
0x8e: {  	[sflag:s21] =	ssyncset.done $0x0  }
0x8f: {  	[sflag:s21] =	ssyncadd.s32 $0xFFFFF800  }
0x90: {  	[bflag:$0x0] =	sbarrier.arrive $0xFFFF  }
0x91: {  	s0 =	rddreg [dreg:$0x9]  }
0x92: {  	[hbm:s0], [sflag:s6] =	dma.local [spmem:s14], $0x520  }
0x93: {  	_ =	swait.ge [sflag:s15], $0x520  }
0x94: {  	s22 =	sadd.s32 $0x1, s22;
	s31 =	rddreg [dreg:$0xa]  }
0x95: {  	p0 =	sne.s32 s22, s31  }
.Ltmp1:
0x96: {  	_ = 	snop;
	(pc) =	sbr.rel @p0 .LBB2_1-.Ltmp1, $3  }
0x97: {  	_ =	sdelay $0x1  }
0x98: {  	[sflag:s15] =	ssyncset.done $0x0  }
0x99: {  	[sflag:s15] =	ssyncadd.s32 $0xFFFFFAE0  }
0x9a: {  	_ =	sfence.sel $0x180000  }
0x9b: {  	[bflag:$0x0] =	sbarrier.arrive $0xFFFF  }
0x9c: {  	_ =	strace $0x9000004D  }
0x9d: {  	s0 =	stileid.u32;
	[bflag:$0x2] =	sbarrier.arrive $0xFFFF  }
0x9e: {  	p0 =	sne.s32 s0, $0x0;
	s0 =	rddreg [dreg:$0x4]  }
0x9f: {  	s0 =	sadd.s32 @!p0 $0x100000, s0  }
0xa0: {  	[sflag:s0] =	ssyncadd.tile.s32 @!p0 $0x1;
	_ =	shalt  }
.Lfunc_end2:
_tile_overlayer_lowered:
.L_overlay_start_2:
0xa1: {  	(tag) =	ssettag $0x2  }
0xa2: {  	s0 =	rddreg [dreg:$0x0];
	s2 =	stileid.u32  }
0xa3: {  	s1 =	rddreg [dreg:$0x1];
	p0 =	sne.s32 s2, $0x0  }
0xa4: {  	s3 =	rddreg [dreg:$0x2];
	[bflag:$0x3] =	sbarrier.arrive $0xFFFF;
	s2 =	simm.s32 @!p0 $0x1C04  }
0xa5: {  	[timem:s3], [sflag:s2] =	dma.local @!p0 [hbm:s0], s1  }
0xa6: {  	s0 =	simm.s32 @!p0 $0x4  }
0xa7: {  	_ =	swait.ge @!p0 [sflag:s0], s1  }
0xa8: {  	s1 =	ssub.s32 @!p0 $0x0, s1;
	[sflag:s0] =	ssyncset.done @!p0 $0x0  }
0xa9: {  	[sflag:s0] =	ssyncadd.s32 @!p0 s1  }
0xaa: {  	[bflag:$0x3] =	sbarrier.arrive $0xFFFF  }
0xab: {  	_ =	shalt  }

// kernel: kernel.8.cloned.1.call-start
scs
__scs_entry_jumppad:
0x0: {  	(pc) =	sbr.rel $0x88, $3  }
0x1: {  	(tag) =	ssettag $0x0;
	lr =	simm.s32 $0x1  }
0x2: {  	[smem:$0x3F9B] =	sst lr;
	_ =	strace $0xD0000000  }
0x3: {  	_ = 	snop  }
0x4: {  	_ = 	snop  }
0x5: {  	_ = 	snop  }
0x6: {  	_ = 	snop  }
0x7: {  	_ = 	snop  }
__scs_overlays_trampoline_lowered:
0x8: {  	[smem:$0x3FAA] =	sst s0  }
0x9: {  	[smem:$0x3FAB] =	sst s1  }
0xa: {  	[smem:$0x3FAC] =	sst s2  }
0xb: {  	[smem:$0x3FAD] =	sst s3  }
0xc: {  	[smem:$0x3FAE] =	sst s4  }
0xd: {  	[smem:$0x3FAF] =	sst s5  }
0xe: {  	[smem:$0x3FB0] =	sst s6  }
0xf: {  	[smem:$0x3FB1] =	sst s7  }
0x10: {  	[smem:$0x3FB2] =	sst s8  }
0x11: {  	[smem:$0x3FB3] =	sst s9;
	s0 =	simm.s32 @!p0 $0x0  }
0x12: {  	s1 =	sld [smem:$0x3F99];
	s0 =	simm.s32 @p0 $0x1  }
0x13: {  	[smem:$0x3FB4] =	sst s0;
	s0 =	simm.s32 @!p1 $0x0  }
0x14: {  	s2 =	sld [smem:$0x3F98];
	s0 =	simm.s32 @p1 $0x1  }
0x15: {  	[smem:$0x3FB5] =	sst s0;
	s0 =	simm.s32 @!p2 $0x0  }
0x16: {  	s3 =	sld [smem:$0x3FDB];
	s0 =	simm.s32 @p2 $0x1  }
0x17: {  	s4 =	simm.s32 $0x1BF5;
	[smem:$0x3FB7] =	sst s0  }
0x18: {  	s0 =	sld [smem:$0x3F9A];
	_ =	swait.ge [sflag:s4], $0x0  }
0x19: {  	s7 =	sld [smem:$0x3F9B]  }
0x1a: {  	s8 =	sadd.s32 $0xFFFFE003, lr  }
0x1b: {  	s9 =	sadd.s32 $0xFFFFFEF7, lr;
	s5 =	simm.s32 $0xFFFFFFFF;
	p2 =	slt.u32 s8, $0xFFFFF086  }
0x1c: {  	p1 =	slt.u32 s9, $0xF7A;
	s5 =	simm.s32 @!p2 $0x0  }
0x1d: {  	s5 =	simm.s32 @p1 $0x1;
	p0 =	seq.s32 s7, s2  }
0x1e: {  	s7 =	smul.u32 @!p0 $0xF7A, s2;
	p2 =	seq.s32 @!p0 s5, $0x0  }
0x1f: {  	s9 =	smul.u32 $0xF7A, s1;
	s8 =	simm.s32 @!p0 $0x1BF5;
	p2 =	por !p2, p0  }
0x20: {  	[sflag:s8] =	ssyncset.s32 @!p0 $0xFFFFF086;
	s6 =	sadd.s32 @!p0 s3, s7;
	s7 =	simm.s32 @!p0 $0x108  }
0x21: {  	s3 =	sadd.s32 s3, s9;
	s6 =	sadd.s32 @!p0 $0x88, s6;
	s7 =	simm.s32 @p2 $0x1082  }
0x22: {  	[simem:s7], [sflag:s8] =	dma.local @!p0 [hbm:s6], $0xF7A  }
0x23: {  	s9 =	sor.u32 $0xD0000000, s2;
	s6 =	simm.s32 $0x108;
	_ =	swait.ge @!p0 [sflag:s8], $0x0  }
0x24: {  	s3 =	sadd.s32 $0x88, s3;
	s6 =	simm.s32 @!p1 $0x1082;
	[sflag:s4] =	ssyncset.s32 $0xFFFFF086  }
0x25: {  	[simem:s6], [sflag:s4] =	dma.local [hbm:s3], $0xF7A  }
0x26: {  	[smem:$0x3F9B] =	sst s1;
	(tag) =	ssettag s2;
	_ =	strace s9  }
0x27: {  	s1 =	sld [smem:$0x3FAB]  }
0x28: {  	s2 =	sld [smem:$0x3FAC]  }
0x29: {  	s4 =	sld [smem:$0x3FAE]  }
0x2a: {  	p0 =	seq.s32 s5, $0x0;
	s5 =	sld [smem:$0x3FAF]  }
0x2b: {  	s6 =	sld [smem:$0x3FB0]  }
0x2c: {  	s7 =	sld [smem:$0x3FB1]  }
0x2d: {  	s3 =	simm.s32 $0x108;
	s8 =	sld [smem:$0x3FB2]  }
0x2e: {  	s3 =	simm.s32 @!p0 $0x1082;
	s9 =	sld [smem:$0x3FB3]  }
0x2f: {  	lr =	sadd.s32 s0, s3;
	s0 =	sld [smem:$0x3FAA]  }
0x30: {  	s3 =	sld [smem:$0x3FAD]  }
0x31: {  	[smem:$0x3FB6] =	sst s10  }
0x32: {  	s10 =	sld [smem:$0x3FB4];
	_ =	sdelay $0x3  }
0x33: {  	p0 =	seq.s32 s10, $0x1;
	s10 =	sld [smem:$0x3FB6];
	_ =	sdelay $0x3  }
0x34: {  	[smem:$0x3FB6] =	sst s10  }
0x35: {  	s10 =	sld [smem:$0x3FB5];
	_ =	sdelay $0x3  }
0x36: {  	p1 =	seq.s32 s10, $0x1;
	s10 =	sld [smem:$0x3FB6];
	_ =	sdelay $0x3  }
0x37: {  	[smem:$0x3FB6] =	sst s10  }
0x38: {  	s10 =	sld [smem:$0x3FB7]  }
0x39: {  	_ = 	snop;
	(pc) =	sbr.ind lr, $3  }
0x3a: {  	_ = 	snop  }
0x3b: {  	_ = 	snop  }
0x3c: {  	p2 =	seq.s32 s10, $0x1;
	s10 =	sld [smem:$0x3FB6]  }
0x3d: {  	_ =	shalt  }
0x3e: {  	_ =	shalt  }
0x3f: {  	_ =	shalt  }
0x40: {  	_ =	shalt  }
0x41: {  	_ =	shalt  }
0x42: {  	_ =	shalt  }
0x43: {  	_ =	shalt  }
0x44: {  	_ =	shalt  }
0x45: {  	_ =	shalt  }
0x46: {  	_ =	shalt  }
0x47: {  	_ =	shalt  }
0x48: {  	_ =	shalt  }
0x49: {  	_ =	shalt  }
0x4a: {  	_ =	shalt  }
0x4b: {  	_ =	shalt  }
0x4c: {  	_ =	shalt  }
0x4d: {  	_ =	shalt  }
0x4e: {  	_ =	shalt  }
0x4f: {  	_ =	shalt  }
0x50: {  	_ =	shalt  }
0x51: {  	_ =	shalt  }
0x52: {  	_ =	shalt  }
0x53: {  	_ =	shalt  }
0x54: {  	_ =	shalt  }
0x55: {  	_ =	shalt  }
0x56: {  	_ =	shalt  }
0x57: {  	_ =	shalt  }
0x58: {  	_ =	shalt  }
0x59: {  	_ =	shalt  }
0x5a: {  	_ =	shalt  }
0x5b: {  	_ =	shalt  }
0x5c: {  	_ =	shalt  }
0x5d: {  	_ =	shalt  }
0x5e: {  	_ =	shalt  }
0x5f: {  	_ =	shalt  }
0x60: {  	_ =	shalt  }
0x61: {  	_ =	shalt  }
0x62: {  	_ =	shalt  }
0x63: {  	_ =	shalt  }
0x64: {  	_ =	shalt  }
0x65: {  	_ =	shalt  }
0x66: {  	_ =	shalt  }
0x67: {  	_ =	shalt  }
0x68: {  	_ =	shalt  }
0x69: {  	_ =	shalt  }
0x6a: {  	_ =	shalt  }
0x6b: {  	_ =	shalt  }
0x6c: {  	_ =	shalt  }
0x6d: {  	_ =	shalt  }
0x6e: {  	_ =	shalt  }
0x6f: {  	_ =	shalt  }
0x70: {  	_ =	shalt  }
0x71: {  	_ =	shalt  }
0x72: {  	_ =	shalt  }
0x73: {  	_ =	shalt  }
0x74: {  	_ =	shalt  }
0x75: {  	_ =	shalt  }
0x76: {  	_ =	shalt  }
0x77: {  	_ =	shalt  }
0x78: {  	_ =	shalt  }
0x79: {  	_ =	shalt  }
0x7a: {  	_ =	shalt  }
0x7b: {  	_ =	shalt  }
0x7c: {  	_ =	shalt  }
0x7d: {  	_ =	shalt  }
0x7e: {  	_ =	shalt  }
0x7f: {  	_ =	shalt  }
0x80: {  	_ =	shalt  }
0x81: {  	_ =	shalt  }
0x82: {  	_ =	shalt  }
0x83: {  	_ =	shalt  }
0x84: {  	_ =	shalt  }
0x85: {  	_ =	shalt  }
0x86: {  	_ =	shalt  }
0x87: {  	_ =	shalt  }
.Lfunc_end0:
.L_simem_size_0:
called_computation_lowered:
.L_overlay_start_0:
0x88: {  	s2 =	sld [smem:$0x3FD9]  }
0x89: {  	s3 =	sld [smem:$0x3FFE];
	_ =	sdelay $0x1  }
0x8a: {  	s1 =	srdreg.scid  }
0x8b: {  	s0 =	sand.u32 $0x1, s1  }
0x8c: {  	s17 =	sshll.u32 s0, $0xA;
	s2 =	sadd.s32 s3, s2  }
0x8d: {  	s2 =	sadd.s32 s2, s17  }
0x8e: {  	[smem:$0x3FC2] =	sst s2  }
0x8f: {  	_ = 	snop  }
0x90: {  	s2 =	sld [smem:$0x3FD0];
	(tm) =	ssettm $0x1  }
0x91: {  	s18 =	sld [smem:$0x3FFB];
	_ =	sdelay $0x3  }
0x92: {  	_ =	strace s18  }
0x93: {  	s3 =	sld [smem:$0x3FFC];
	_ =	sdelay $0x3  }
0x94: {  	_ =	strace s3  }
0x95: {  	s3 =	sld [smem:$0x3FFD];
	_ =	sdelay $0x3  }
0x96: {  	_ =	strace s3  }
0x97: {  	_ =	strace $0x8FFFFFFF  }
0x98: {  	s19 =	sld [smem:$0x3FDB];
	_ =	sdelay $0x1  }
0x99: {  	s4 =	simm.s32 $_scs_section_size  }
0x9a: {  	s5 =	simm.s32 $_size__tile_overlayer_lowered;
	s6 =	simm.s32 $_tile_overlayer_lowered  }
0x9b: {  	s22 =	simm.s32 $0x1BFF;
	s21 =	sshll.u32 s6, $0x1;
	s3 =	sadd.s32 s4, s19  }
0x9c: {  	s7 =	simm.s32 $0x0;
	s20 =	sshll.u32 s5, $0x1;
	s5 =	sadd.s32 s21, s3  }
0x9d: {  	[timem:s7], [sflag:s22] =	dma.local [hbm:s5], s20  }
0x9e: {  	_ =	swait.ge [sflag:s22], s20  }
0x9f: {  	s4 =	ssub.s32 $0x0, s20;
	[sflag:s22] =	ssyncset.done $0x0  }
0xa0: {  	[sflag:s22] =	ssyncadd.s32 s4;
	_ =	sdelay $0x1  }
0xa1: {  	s23 =	simm.s32 $0x1B8B  }
0xa2: {  	_ =	swait.ge [sflag:s23], $0x1  }
0xa3: {  	[sflag:s23] =	ssyncset.done $0x0  }
0xa4: {  	s25 =	simm.s32 $0x1B8E;
	s24 =	sld [smem:$0x3FFE];
	[sflag:s23] =	ssyncadd.s32 $0xFFFFFFFF  }
0xa5: {  	s26 =	simm.s32 $execute0_lowered;
	[smem:$0x3FD2] =	sst s25  }
0xa6: {  	s5 =	sshll.u32 s26, $0x1;
	_ =	strace $0x80000046;
	[dreg:$0x1] =	wrdreg $0xFFFFFFFF  }
0xa7: {  	s28 =	simm.s32 $_size_execute0_lowered;
	s3 =	sadd.s32 s3, s5;
	[dreg:$0x0] =	wrdreg $0x0  }
0xa8: {  	s5 =	sshll.u32 s28, $0x1;
	[dreg:$0x2] =	wrdreg s3  }
0xa9: {  	[dreg:$0x3] =	wrdreg s5  }
0xaa: {  	[dreg:$0x4] =	wrdreg $0xC0  }
0xab: {  	_ =	task [dreg:s7], $0x5FFFF  }
0xac: {  	[dreg:$0x1] =	wrdreg $0xFFFFFFFF  }
0xad: {  	[dreg:$0x0] =	wrdreg $0x60  }
0xae: {  	[dreg:$0x2] =	wrdreg s24  }
0xaf: {  	[dreg:$0x3] =	wrdreg s2  }
0xb0: {  	[dreg:$0x4] =	wrdreg $0x68000  }
0xb1: {  	[dreg:$0x5] =	wrdreg $0x9  }
0xb2: {  	_ =	task.clear_ibuf [dreg:s7], $0x6FFFF;
	_ =	strace $0x90000046  }
0xb3: {  	s29 =	simm.s32 $0x9;
	_ =	strace $0x80000048  }
0xb4: {  	_ =	swait.ge [sflag:s29], $0x1  }
0xb5: {  	[sflag:s29] =	ssyncadd.s32 $0xFFFFFFFF  }
0xb6: {  	_ =	strace $0x90000048  }
0xb7: {  	_ =	sfence  }
0xb8: {  	s30 =	sld [smem:$0x0];
	_ =	sdelay $0x2  }
0xb9: {  	s31 =	sshll.u32 s1, $0xD;
	s1 =	sshrl.u32 s1, $0x2  }
0xba: {  	s3 =	sand.u32 $0x4000, s31;
	s1 =	sadd.s32 s1, s30  }
0xbb: {  	s0 =	sor.u32 s3, s0;
	s1 =	sshll.u32 s1, $0x11  }
0xbc: {  	s0 =	sor.u32 s1, s0  }
0xbd: {  	s0 =	sadd.s32 $0x8F2B, s0  }
0xbe: {  	[sflag:s0] =	ssyncadd.remote.s32 $0x1  }
0xbf: {  	_ =	sfence.sel $0xFFFF  }
0xc0: {  	[dreg:$0x0] =	wrdreg $0xFFFFFFFF;
	(pc) =	sbr.abs _section_cstart, $3  }
0xc1: {  	[dreg:$0x1] =	wrdreg $0xFFFFFFFF  }
0xc2: {  	_ =	task.clear_ibuf [dreg:s7], $0x2FFFF;
	_ =	strace $0x9FFFFFFF  }
0xc3: {  	(tm) =	ssettm $0x7FFFFFFF  }
tec
execute0_lowered:
.L_overlay_start_1:
0x0: {  	(tag) =	ssettag $0x1  }
0x1: {  	s5 =	rddreg [dreg:$0x0]  }
0x2: {  	s0 =	srdreg.scid;
	s2 =	rddreg [dreg:$0x1]  }
0x3: {  	s3 =	rddreg [dreg:$0x2];
	s6 =	sand.u32 $0x1, s0  }
0x4: {  	s0 =	stileid.u32;
	s7 =	smul.u32 $0x28000, s6  }
0x5: {  	s1 =	rddreg [dreg:$0x3];
	s4 =	simm.s32 $0x0;
	s8 =	smul.u32 $0x2800, s0  }
0x6: {  	s12 =	simm.s32 $0x2800;
	s13 =	simm.s32 $0x1;
	s9 =	smul.u32 $0x148000, s6  }
0x7: {  	s14 =	simm.s32 $0x0;
	[smem:$0x7FF] =	sst s4;
	s10 =	smul.u32 $0x14800, s0  }
0x8: {  	_ =	strace $0x80000047;
	s29 =	smul.u32 $0x52000, s0;
	s30 =	ssub.s32 $0x2, s6  }
0x9: {  	s31 =	sshll.u32 s0, $0x6;
	s6 =	sshrl.u32 s30, $0x1;
	s7 =	sadd.s32 s8, s7  }
0xa: {  	s28 =	sadd.s32 s10, s9;
	s9 =	sshrl.u32 s29, $0x2;
	s11 =	ssub.s32 s30, s6  }
0xb: {  	s10 =	simm.s32 $0x2;
	s7 =	sshrl.u32 s7, $0x3;
	s8 =	sshrl.u32 s28, $0x3  }
0xc: {  	s9 =	sadd.s32 s9, s3;
	s7 =	sadd.s32 s7, s5;
	s8 =	sadd.s32 s8, s5  }
0xd: {  	s5 =	sor.u32 $0x1C02, s31;
	s9 =	sshrl.u32 s9, $0x3;
	s6 =	sadd.s32 $0x1600, s7  }
0xe: {  	v0 =	vimm.f32 $1.000000000e+00;
	s7 =	sadd.s32 $0xB600, s8;
	s8 =	smax.u32 s11, $0x1;
	s11 =	simm.s32 $0x80  }
.LBB2_1:
0xf: {  	[spmem:s9], [sflag:s5] =	dma.local [hbm:s2], $0x2900  }
0x10: {  	_ =	swait.ge [sflag:s10], $0x2900  }
0x11: {  	[sflag:s10] =	ssyncset.done $0x0  }
0x12: {  	[sflag:s10] =	ssyncadd.s32 $0xFFFFD700  }
0x13: {  	[tilespmem:s4], [sflag:$0x2] =	stream.linear.gather [hbm4b:s6+s4], $0x2800, $0x38;
	[tilespmem:$0x9100] =	vst v63  }
0x14: {  	_ =	swait.ge [sflag:s10], $0x2800  }
0x15: {  	[sflag:s10] =	ssyncset.done $0x0  }
0x16: {  	s15 =	simm.s32 $0x200;
	s16 =	simm.s32 $0x0;
	[sflag:s10] =	ssyncadd.s32 $0xFFFFD800  }
.LBB2_2:
0x17: {  	p0 =	sne.s32 s15, $0xFE00;
	[tilespmem:s16+$0x2800] =	vst v0;
	s16 =	smov.u32 s15;
	s15 =	sadd.s32 $0x200, s15  }
.Ltmp0:
0x18: {  	(pc) =	sbr.rel @p0 .LBB2_2-.Ltmp0, $2  }
0x19: {  	_ =	sdelay $0x2  }
0x1a: {  	s16 =	sshra.s32 s16, $0x2  }
0x1b: {  	[tilespmem:s16+$0x2800] =	vst v0  }
0x1c: {  	s15 =	simm.s32 $0x0;
	[bflag:$0x0] =	sbarrier.arrive $0xFFFF  }
.LBB2_4:
0x1d: {  	p0 =	sne.s32 s15, $0x9E00  }
.Ltmp1:
0x1e: {  	_ = 	snop;
	(pc) =	sbr.rel @p0 .LBB2_4-.Ltmp1, $3  }
0x1f: {  	_ =	sdelay $0x1  }
0x20: {  	s16 =	sshra.s32 s15, $0x2;
	s15 =	sadd.s32 $0x200, s15  }
0x21: {  	[spmem:s3] =	stream.indirect.scatter.add.f32 [tilespmem:s12], [sflag:$0x1], $0x10, s16, s11, $0xb8;
	[tilespmem:$0x9100] =	vst v63  }
0x22: {  	_ =	swait.ge [sflag:s13], $0x800  }
0x23: {  	s15 =	simm.s32 $0x4F;
	[sflag:s13] =	ssyncset.done $0x0  }
.LBB2_6:
0x24: {  	p0 =	sne.s32 s15, $0x1;
	s15 =	sadd.s32 $0xFFFFFFFF, s15;
	[sflag:s13] =	ssyncadd.s32 $0xFFFFF800  }
.Ltmp2:
0x25: {  	(pc) =	sbr.rel @p0 .LBB2_6-.Ltmp2, $3  }
0x26: {  	_ =	sdelay $0x1  }
0x27: {  	_ =	swait.ge [sflag:s13], $0x800  }
0x28: {  	[sflag:s13] =	ssyncset.done $0x0  }
0x29: {  	s14 =	sadd.s32 $0x1, s14  }
0x2a: {  	[sflag:s13] =	ssyncadd.s32 $0xFFFFF800;
	p0 =	sne.s32 s14, s8  }
.Ltmp3:
0x2b: {  	[bflag:$0x0] =	sbarrier.arrive $0xFFFF;
	(pc) =	sbr.rel @p0 .LBB2_1-.Ltmp3, $4  }
0x2c: {  	[hbm:s7], [sflag:s5] =	dma.local [spmem:s9], $0x2900  }
0x2d: {  	_ =	swait.ge [sflag:s10], $0x2900  }
0x2e: {  	[sflag:s10] =	ssyncset.done $0x0  }
0x2f: {  	[sflag:s10] =	ssyncadd.s32 $0xFFFFD700  }
0x30: {  	_ =	sfence.sel $0x180000  }
0x31: {  	[bflag:$0x0] =	sbarrier.arrive $0xFFFF  }
0x32: {  	p0 =	sne.s32 s0, $0x0;
	_ =	strace $0x90000047  }
0x33: {  	s0 =	sadd.s32 @!p0 $0x100000, s1;
	[bflag:$0x2] =	sbarrier.arrive $0xFFFF  }
0x34: {  	[sflag:s0] =	ssyncadd.tile.s32 @!p0 $0x1;
	_ =	shalt  }
.Lfunc_end2:
_tile_overlayer_lowered:
.L_overlay_start_2:
0x35: {  	(tag) =	ssettag $0x2  }
0x36: {  	s0 =	rddreg [dreg:$0x0];
	s2 =	stileid.u32  }
0x37: {  	s1 =	rddreg [dreg:$0x1];
	p0 =	sne.s32 s2, $0x0  }
0x38: {  	s3 =	rddreg [dreg:$0x2];
	[bflag:$0x3] =	sbarrier.arrive $0xFFFF;
	s2 =	simm.s32 @!p0 $0x1C02  }
0x39: {  	[timem:s3], [sflag:s2] =	dma.local @!p0 [hbm:s0], s1  }
0x3a: {  	s0 =	simm.s32 @!p0 $0x2  }
0x3b: {  	_ =	swait.ge @!p0 [sflag:s0], s1  }
0x3c: {  	s1 =	ssub.s32 @!p0 $0x0, s1;
	[sflag:s0] =	ssyncset.done @!p0 $0x0  }
0x3d: {  	[sflag:s0] =	ssyncadd.s32 @!p0 s1  }
0x3e: {  	[bflag:$0x3] =	sbarrier.arrive $0xFFFF  }
0x3f: {  	_ =	shalt  }

</sc_bundles>
